<compile_context>
chip_gen: v7x
topology: tpu7x:2x2x1
jax: 0.10.2.dev20260603
libtpu: 0.0.44.dev20260713+nightly
codegen_flags: <defaults>
</compile_context>

<pallas_src>
import functools

import jax
import jax.numpy as jnp
from jax import lax
from jax.experimental import pallas as pl
from jax.experimental.pallas import tpu as pltpu
from jax.experimental.pallas import tpu_sc as plsc

_LANES = 16
_NUM_CORES = 2
_NUM_SUBCORES = 16
_NW = _NUM_CORES * _NUM_SUBCORES


def _build_sc_call(B, C, NF, L):
    L2 = 2 * L
    bc = B * C
    assert bc % _NW == 0
    bc_per_w = bc // _NW
    CHUNK = 4096
    assert L2 % CHUNK == 0
    nch = L2 // CHUNK
    zslot = NF

    mesh = plsc.VectorSubcoreMesh(core_axis_name="c", subcore_axis_name="s")

    @functools.partial(
        pl.kernel,
        out_type=jax.ShapeDtypeStruct((_NW * _LANES,), jnp.float32),
        mesh=mesh,
        compiler_params=pltpu.CompilerParams(needs_layout_passes=False),
        scratch_types=[
            pltpu.VMEM((L2,), jnp.int32),
            pltpu.VMEM((NF + _LANES,), jnp.float32),
            pltpu.VMEM((NF + _LANES,), jnp.float32),
            pltpu.VMEM((2 * NF,), jnp.float32),
            pltpu.VMEM((2 * NF,), jnp.float32),
            pltpu.VMEM((2 * L,), jnp.float32),
            pltpu.VMEM((2 * L,), jnp.float32),
            pltpu.VMEM((2 * CHUNK,), jnp.float32),
            pltpu.VMEM((2 * CHUNK,), jnp.float32),
            pltpu.VMEM((2 * CHUNK,), jnp.float32),
            pltpu.VMEM((2 * CHUNK,), jnp.float32),
            pltpu.VMEM((_LANES,), jnp.float32),
            pltpu.SemaphoreType.DMA,
            pltpu.SemaphoreType.DMA,
            pltpu.SemaphoreType.DMA,
        ],
    )
    def sc_call(cat, xi0, xi1, ks0, ks1, out,
                idxp, fpk, tpk, sta, stb, xis, kss,
                sci0, sci1, sct0, sct1, accv, sem_f, sem0, sem1):
        off_tf = 2 * NF
        off_is = 4 * NF
        off_ts = 4 * NF + 2 * L2
        cid = lax.axis_index("c")
        sid = lax.axis_index("s")
        wid = sid * _NUM_CORES + cid

        scis = (sci0, sci1)
        scts = (sct0, sct1)
        sems = (sem0, sem1)

        iota2 = lax.iota(jnp.int32, _LANES) * 2
        z16f = jnp.zeros((_LANES,), jnp.float32)

        fpk[pl.ds(NF, _LANES)] = z16f
        tpk[pl.ds(NF, _LANES)] = z16f

        for half, (xi, ks) in enumerate(((xi0, ks0), (xi1, ks1))):
            pltpu.sync_copy(xi, xis)
            pltpu.sync_copy(ks, kss)

            def pre_body(j, carry, half=half):
                for u in range(2):
                    lj = j * (2 * _LANES) + u * _LANES
                    le = 2 * lj + iota2
                    x0 = plsc.bitcast(plsc.load_gather(xis, [le]), jnp.int32)
                    x1 = plsc.bitcast(plsc.load_gather(xis, [le + 1]),
                                      jnp.int32)
                    k0 = plsc.load_gather(kss, [le])
                    k1 = plsc.load_gather(kss, [le + 1])
                    keep = jnp.logical_and(k0 <= 0.0, k1 <= 0.0)
                    i0m = jnp.where(keep, x0, zslot)
                    packed = jnp.bitwise_or(i0m, jnp.left_shift(x1, 16))
                    idxp[pl.ds(half * L + lj, _LANES)] = packed
                return carry

            lax.fori_loop(0, L // (2 * _LANES), pre_body, 0)

        def per_pair(j, acc):
            p = wid * bc_per_w + j
            b = p // C
            c = p % C

            d_f0 = pltpu.async_copy(
                cat.at[b, c, pl.ds(0, 2 * NF)], sta, sem_f)
            d_f1 = pltpu.async_copy(
                cat.at[b, c, pl.ds(off_tf, 2 * NF)], stb, sem_f)

            descs = {}

            def start_chunk(ch):
                par = ch % 2
                descs[ch] = (
                    pltpu.async_copy(
                        cat.at[b, c, pl.ds(off_is + 2 * ch * CHUNK,
                                           2 * CHUNK)],
                        scis[par], sems[par]),
                    pltpu.async_copy(
                        cat.at[b, c, pl.ds(off_ts + 2 * ch * CHUNK,
                                           2 * CHUNK)],
                        scts[par], sems[par]),
                )

            start_chunk(0)
            start_chunk(1)
            d_f0.wait()
            d_f1.wait()

            def tbl_body(n, carry):
                for u in range(2):
                    nj = n * (2 * _LANES) + u * _LANES
                    ne = 2 * nj + iota2
                    ife = plsc.load_gather(sta, [ne])
                    ifo = plsc.load_gather(sta, [ne + 1])
                    tfe = plsc.load_gather(stb, [ne])
                    tfo = plsc.load_gather(stb, [ne + 1])
                    sl = pl.ds(nj, _LANES)
                    fpk[sl] = plsc.bitcast(
                        plsc.pack(ife - tfe, ifo - tfo,
                                  format=plsc.PackFormat.INTERLEAVED),
                        jnp.float32)
                    tpk[sl] = plsc.bitcast(
                        plsc.pack(tfe, tfo,
                                  format=plsc.PackFormat.INTERLEAVED),
                        jnp.float32)
                return carry

            lax.fori_loop(0, NF // (2 * _LANES), tbl_body, 0)

            for ch in range(nch):
                par = ch % 2
                sci, sct = scis[par], scts[par]
                s_off = ch * CHUNK
                descs[ch][0].wait()
                descs[ch][1].wait()

                def inner(i, acc, sci=sci, sct=sct, s_off=s_off):
                    parts = []
                    for u in range(4):
                        li = i * (4 * _LANES) + u * _LANES
                        le = 2 * li + iota2
                        pk = idxp[pl.ds(s_off + li, _LANES)]
                        i0 = jnp.bitwise_and(pk, 0xFFFF)
                        i1 = lax.shift_right_logical(pk, 16)
                        fr0, fi0 = plsc.unpack(
                            plsc.bitcast(plsc.load_gather(fpk, [i0]),
                                         jnp.bfloat16),
                            format=plsc.PackFormat.INTERLEAVED)
                        tr0, ti0 = plsc.unpack(
                            plsc.bitcast(plsc.load_gather(tpk, [i0]),
                                         jnp.bfloat16),
                            format=plsc.PackFormat.INTERLEAVED)
                        fr1, fi1 = plsc.unpack(
                            plsc.bitcast(plsc.load_gather(fpk, [i1]),
                                         jnp.bfloat16),
                            format=plsc.PackFormat.INTERLEAVED)
                        tr1, ti1 = plsc.unpack(
                            plsc.bitcast(plsc.load_gather(tpk, [i1]),
                                         jnp.bfloat16),
                            format=plsc.PackFormat.INTERLEAVED)
                        sre = (plsc.load_gather(sci, [le])
                               - plsc.load_gather(sct, [le]))
                        sim = (plsc.load_gather(sci, [le + 1])
                               - plsc.load_gather(sct, [le + 1]))
                        ere = fr0 * tr1 + fi0 * ti1 + tr0 * fr1 + ti0 * fi1
                        eim = fi0 * tr1 - fr0 * ti1 + ti0 * fr1 - tr0 * fi1
                        gre = sre - ere
                        gim = sim - eim
                        parts.append(gre * gre + gim * gim)
                    return acc + ((parts[0] + parts[1])
                                  + (parts[2] + parts[3]))

                acc = lax.fori_loop(0, CHUNK // (4 * _LANES), inner, acc)
                if ch + 2 < nch:
                    start_chunk(ch + 2)

            return acc

        acc = lax.fori_loop(0, bc_per_w, per_pair, z16f)
        accv[...] = acc
        pltpu.sync_copy(accv, out.at[pl.ds(wid * _LANES, _LANES)])

    return sc_call


@jax.jit
def kernel(i_f, i_s, t_f, t_s, xi_idx0, xi_idx1, ks0, ks1):
    B, C, NF, _ = i_f.shape
    L = xi_idx0.shape[0]
    sc_call = _build_sc_call(B, C, NF, L)
    cat = jnp.concatenate(
        [i_f.reshape(B, C, 2 * NF), t_f.reshape(B, C, 2 * NF),
         i_s.reshape(B, C, 4 * L), t_s.reshape(B, C, 4 * L)], axis=-1)
    partials = sc_call(
        cat,
        lax.bitcast_convert_type(xi_idx0, jnp.float32).reshape(2 * L),
        lax.bitcast_convert_type(xi_idx1, jnp.float32).reshape(2 * L),
        ks0.reshape(2 * L),
        ks1.reshape(2 * L),
    )
    n = B * C * 2 * L
    return jnp.sum(partials) * jnp.float32(1.0 / n)

# --- scband reference (transcript-rebuilt; emitter-appended) ---
"""Pipeline reference for scband-mseloss-24386824307099 (READ-ONLY COPY).

The authoritative reference and input builder live on the scoring server;
editing this copy changes nothing except your own understanding.
"""

import jax, jax.numpy as jnp
import numpy as np


def cplx_mul(a, b):
    re = a[..., 0] * b[..., 0] - a[..., 1] * b[..., 1]
    im = a[..., 0] * b[..., 1] + a[..., 1] * b[..., 0]
    return jnp.stack([re, im], axis=-1)


def cplx_conjugate(a):
    return jnp.stack([a[..., 0], -a[..., 1]], axis=-1)


def setup_inputs(seed: int = 0):
    key = jax.random.key(seed)
    ks_ = jax.random.split(key, 8)
    B, C, NF, L = 32, 8, 4096, 8192
    i_f = jax.random.normal(ks_[0], (B, C, NF, 2), dtype=jnp.float32)
    i_s = jax.random.normal(ks_[1], (B, C, 2 * L, 2), dtype=jnp.float32)
    t_f = jax.random.normal(ks_[2], (B, C, NF, 2), dtype=jnp.float32)
    t_s = jax.random.normal(ks_[3], (B, C, 2 * L, 2), dtype=jnp.float32)
    xi_idx0 = jax.random.randint(ks_[4], (L, 2), 0, NF)
    xi_idx1 = jax.random.randint(ks_[5], (L, 2), 0, NF)
    ks0 = jax.random.normal(ks_[6], (L, 2), dtype=jnp.float32)
    ks1 = jax.random.normal(ks_[7], (L, 2), dtype=jnp.float32)
    return {"i_f": i_f, "i_s": i_s, "t_f": t_f, "t_s": t_s,
            "xi_idx0": xi_idx0, "xi_idx1": xi_idx1, "ks0": ks0, "ks1": ks1}


def reference(i_f, i_s, t_f, t_s, xi_idx0, xi_idx1, ks0, ks1):
    f_gap = i_f - t_f
    s_gap = i_s - t_s
    gaps = []
    start = 0
    for xi_idx, ks in ((xi_idx0, ks0), (xi_idx1, ks1)):
        f_gap0 = jnp.take(f_gap, xi_idx[:, 0], axis=2)
        f_gap1 = jnp.take(f_gap, xi_idx[:, 1], axis=2)
        t_f0 = jnp.take(t_f, xi_idx[:, 0], axis=2)
        t_f1 = jnp.take(t_f, xi_idx[:, 1], axis=2)
        m0 = (ks[..., 0] > 0)[None, None, :, None]
        m1 = (ks[..., 1] > 0)[None, None, :, None]
        f_gap0 = jnp.where(m0, 0.0, f_gap0)
        f_gap1 = jnp.where(m1, 0.0, f_gap1)
        t_f0 = jnp.where(m0, 0.0, t_f0)
        t_f1 = jnp.where(m1, 0.0, t_f1)
        err_fst0 = cplx_mul(f_gap0, cplx_conjugate(t_f1))
        err_fst1 = cplx_mul(t_f0, cplx_conjugate(f_gap1))
        l = xi_idx.shape[0]
        g = s_gap[:, :, start:start + l] - err_fst0 - err_fst1
        start += l
        gaps.append(g)
    gap = jnp.concatenate(gaps, axis=2)
    sq_err = (gap ** 2).sum(-1)
    return jnp.mean(sq_err.reshape(-1))

if __name__ == "__main__":
    import jax
    _d = setup_inputs()
    print(jax.jit(kernel)(*tuple(_d.values())))

</pallas_src>

<mosaic_0001>
#map = affine_map<(d0, d1) -> (0, 0, 0)>
#map1 = affine_map<(d0, d1) -> (0)>
module attributes {stable_mosaic.version = 14 : i64} {
  func.func @sc_call(%arg0: i32, %arg1: i32, %arg2: memref<32x8x81920xf32, #tpu.memory_space<hbm>>, %arg3: memref<16384xf32, #tpu.memory_space<hbm>>, %arg4: memref<16384xf32, #tpu.memory_space<hbm>>, %arg5: memref<16384xf32, #tpu.memory_space<hbm>>, %arg6: memref<16384xf32, #tpu.memory_space<hbm>>, %arg7: memref<512xf32, #tpu.memory_space<hbm>>, %arg8: memref<16384xi32, #tpu.memory_space<vmem>>, %arg9: memref<4112xf32, #tpu.memory_space<vmem>>, %arg10: memref<4112xf32, #tpu.memory_space<vmem>>, %arg11: memref<8192xf32, #tpu.memory_space<vmem>>, %arg12: memref<8192xf32, #tpu.memory_space<vmem>>, %arg13: memref<16384xf32, #tpu.memory_space<vmem>>, %arg14: memref<16384xf32, #tpu.memory_space<vmem>>, %arg15: memref<8192xf32, #tpu.memory_space<vmem>>, %arg16: memref<8192xf32, #tpu.memory_space<vmem>>, %arg17: memref<8192xf32, #tpu.memory_space<vmem>>, %arg18: memref<8192xf32, #tpu.memory_space<vmem>>, %arg19: memref<16xf32, #tpu.memory_space<vmem>>, %arg20: memref<!tpu.dma_semaphore, #tpu.memory_space<semaphore_mem>>, %arg21: memref<!tpu.dma_semaphore, #tpu.memory_space<semaphore_mem>>, %arg22: memref<!tpu.dma_semaphore, #tpu.memory_space<semaphore_mem>>) attributes {dimension_semantics = [#tpu.dimension_semantics<core_parallel>, #tpu.dimension_semantics<subcore_parallel>], iteration_bounds = array<i64: 2, 16>, scalar_prefetch = 0 : i64, scratch_operands = 15 : i64, tpu.core_type = #tpu.core_type<sc_vector_subcore>, window_params = [{transform_indices = #map}, {transform_indices = #map1}, {transform_indices = #map1}, {transform_indices = #map1}, {transform_indices = #map1}, {transform_indices = #map1}]} {
    %mul3A = arith.constant 2 : i32
    %mul3A_0 = arith.muli %arg1, %mul3A : i32
    %add3A = arith.addi %mul3A_0, %arg0 : i32
    %iota3A = tpu.iota {dimensions = array<i32: 0>} : vector<16xi32>
    %mul3A_1 = arith.constant 2 : i32
    %mul3A_2 = vector.broadcast %mul3A_1 : i32 to vector<16xi32>
    %mul3A_3 = arith.muli %iota3A, %mul3A_2 : vector<16xi32>
    %broadcast_in_dim3A = arith.constant 0.000000e+00 : f32
    %broadcast_in_dim3A_4 = vector.broadcast %broadcast_in_dim3A : f32 to vector<16xf32>
    %swap3A = arith.constant 4096 : index
    %swap3A_5 = tpu.vector_load %arg9[%swap3A] {strides = array<i32>} : memref<4112xf32, #tpu.memory_space<vmem>>, vector<16xf32>,
    tpu.vector_store %arg9[%swap3A], %broadcast_in_dim3A_4 {strides = array<i32>} : memref<4112xf32, #tpu.memory_space<vmem>>, vector<16xf32>,
    %swap3A_6 = arith.constant 4096 : index
    %swap3A_7 = tpu.vector_load %arg10[%swap3A_6] {strides = array<i32>} : memref<4112xf32, #tpu.memory_space<vmem>>, vector<16xf32>,
    tpu.vector_store %arg10[%swap3A_6], %broadcast_in_dim3A_4 {strides = array<i32>} : memref<4112xf32, #tpu.memory_space<vmem>>, vector<16xf32>,
    "tpu.region"() ({
      %run_scoped3A = tpu.sem_alloc : memref<!tpu.dma_semaphore, #tpu.memory_space<semaphore_mem>>
      tpu.enqueue_dma source(%arg3 : memref<16384xf32, #tpu.memory_space<hbm>>) target(%arg13 : memref<16384xf32, #tpu.memory_space<vmem>>) target_semaphore(%run_scoped3A : memref<!tpu.dma_semaphore, #tpu.memory_space<semaphore_mem>>)
      tpu.wait_dma2 semaphore(%run_scoped3A : memref<!tpu.dma_semaphore, #tpu.memory_space<semaphore_mem>>) src(%arg3 : memref<16384xf32, #tpu.memory_space<hbm>>) dst(%arg13 : memref<16384xf32, #tpu.memory_space<vmem>>)
      tpu.yield
    }) : () -> ()
    "tpu.region"() ({
      %run_scoped3A = tpu.sem_alloc : memref<!tpu.dma_semaphore, #tpu.memory_space<semaphore_mem>>
      tpu.enqueue_dma source(%arg5 : memref<16384xf32, #tpu.memory_space<hbm>>) target(%arg14 : memref<16384xf32, #tpu.memory_space<vmem>>) target_semaphore(%run_scoped3A : memref<!tpu.dma_semaphore, #tpu.memory_space<semaphore_mem>>)
      tpu.wait_dma2 semaphore(%run_scoped3A : memref<!tpu.dma_semaphore, #tpu.memory_space<semaphore_mem>>) src(%arg5 : memref<16384xf32, #tpu.memory_space<hbm>>) dst(%arg14 : memref<16384xf32, #tpu.memory_space<vmem>>)
      tpu.yield
    }) : () -> ()
    %scan3A = arith.constant 0 : i32
    %scan3A_8 = arith.constant 0 : i32
    %scan3A_9 = arith.constant 256 : i32
    %scan3A_10 = arith.addi %scan3A_8, %scan3A_9 : i32
    %scan3A_11 = arith.constant 1 : i32
    scf.for %scan3A_29 = %scan3A_8 to %scan3A_10 step %scan3A_11  : i32 {
      %mul3A_30 = arith.constant 32 : i32
      %mul3A_31 = arith.muli %scan3A_29, %mul3A_30 : i32
      %add3A_32 = arith.constant 0 : i32
      %add3A_33 = arith.addi %mul3A_31, %add3A_32 : i32
      %mul3A_34 = arith.constant 2 : i32
      %mul3A_35 = arith.muli %mul3A_34, %add3A_33 : i32
      %add3A_36 = vector.broadcast %mul3A_35 : i32 to vector<16xi32>
      %add3A_37 = arith.addi %add3A_36, %mul3A_3 : vector<16xi32>
      %gather3A = tpu.vector_load_idx %arg13[%add3A_37] : memref<16384xf32, #tpu.memory_space<vmem>>[vector<16xi32>], vector<16xf32>,
      %bitcast3A = vector.bitcast %gather3A : vector<16xf32> to vector<16xi32>
      %add3A_38 = arith.constant 1 : i32
      %add3A_39 = vector.broadcast %add3A_38 : i32 to vector<16xi32>
      %add3A_40 = arith.addi %add3A_37, %add3A_39 : vector<16xi32>
      %gather3A_41 = tpu.vector_load_idx %arg13[%add3A_40] : memref<16384xf32, #tpu.memory_space<vmem>>[vector<16xi32>], vector<16xf32>,
      %bitcast3A_42 = vector.bitcast %gather3A_41 : vector<16xf32> to vector<16xi32>
      %gather3A_43 = tpu.vector_load_idx %arg14[%add3A_37] : memref<16384xf32, #tpu.memory_space<vmem>>[vector<16xi32>], vector<16xf32>,
      %add3A_44 = arith.constant 1 : i32
      %add3A_45 = vector.broadcast %add3A_44 : i32 to vector<16xi32>
      %add3A_46 = arith.addi %add3A_37, %add3A_45 : vector<16xi32>
      %gather3A_47 = tpu.vector_load_idx %arg14[%add3A_46] : memref<16384xf32, #tpu.memory_space<vmem>>[vector<16xi32>], vector<16xf32>,
      %le3A = arith.constant 0.000000e+00 : f32
      %le3A_48 = vector.broadcast %le3A : f32 to vector<16xf32>
      %le3A_49 = arith.cmpf ole, %gather3A_43, %le3A_48 : vector<16xf32>
      %le3A_50 = arith.constant 0.000000e+00 : f32
      %le3A_51 = vector.broadcast %le3A_50 : f32 to vector<16xf32>
      %le3A_52 = arith.cmpf ole, %gather3A_47, %le3A_51 : vector<16xf32>
      %and3A = arith.andi %le3A_49, %le3A_52 : vector<16xi1>
      %jit3A = arith.constant 4096 : i32
      %broadcast_in_dim3A_53 = vector.broadcast %jit3A : i32 to vector<16xi32>
      %select_n3A = arith.select %and3A, %bitcast3A, %broadcast_in_dim3A_53 : vector<16xi1>, vector<16xi32>
      %shift_left3A = arith.constant 16 : i32
      %shift_left3A_54 = vector.broadcast %shift_left3A : i32 to vector<16xi32>
      %shift_left3A_55 = arith.shli %bitcast3A_42, %shift_left3A_54 : vector<16xi32>
      %or3A = arith.ori %select_n3A, %shift_left3A_55 : vector<16xi32>
      %add3A_56 = arith.constant 0 : i32
      %add3A_57 = arith.addi %add3A_56, %add3A_33 : i32
      %swap3A_58 = arith.index_cast %add3A_57 : i32 to index
      %swap3A_59 = tpu.vector_load %arg8[%swap3A_58] {strides = array<i32>} : memref<16384xi32, #tpu.memory_space<vmem>>, vector<16xi32>,
      tpu.vector_store %arg8[%swap3A_58], %or3A {strides = array<i32>} : memref<16384xi32, #tpu.memory_space<vmem>>, vector<16xi32>,
      %mul3A_60 = arith.constant 32 : i32
      %mul3A_61 = arith.muli %scan3A_29, %mul3A_60 : i32
      %add3A_62 = arith.constant 16 : i32
      %add3A_63 = arith.addi %mul3A_61, %add3A_62 : i32
      %mul3A_64 = arith.constant 2 : i32
      %mul3A_65 = arith.muli %mul3A_64, %add3A_63 : i32
      %add3A_66 = vector.broadcast %mul3A_65 : i32 to vector<16xi32>
      %add3A_67 = arith.addi %add3A_66, %mul3A_3 : vector<16xi32>
      %gather3A_68 = tpu.vector_load_idx %arg13[%add3A_67] : memref<16384xf32, #tpu.memory_space<vmem>>[vector<16xi32>], vector<16xf32>,
      %bitcast3A_69 = vector.bitcast %gather3A_68 : vector<16xf32> to vector<16xi32>
      %add3A_70 = arith.constant 1 : i32
      %add3A_71 = vector.broadcast %add3A_70 : i32 to vector<16xi32>
      %add3A_72 = arith.addi %add3A_67, %add3A_71 : vector<16xi32>
      %gather3A_73 = tpu.vector_load_idx %arg13[%add3A_72] : memref<16384xf32, #tpu.memory_space<vmem>>[vector<16xi32>], vector<16xf32>,
      %bitcast3A_74 = vector.bitcast %gather3A_73 : vector<16xf32> to vector<16xi32>
      %gather3A_75 = tpu.vector_load_idx %arg14[%add3A_67] : memref<16384xf32, #tpu.memory_space<vmem>>[vector<16xi32>], vector<16xf32>,
      %add3A_76 = arith.constant 1 : i32
      %add3A_77 = vector.broadcast %add3A_76 : i32 to vector<16xi32>
      %add3A_78 = arith.addi %add3A_67, %add3A_77 : vector<16xi32>
      %gather3A_79 = tpu.vector_load_idx %arg14[%add3A_78] : memref<16384xf32, #tpu.memory_space<vmem>>[vector<16xi32>], vector<16xf32>,
      %le3A_80 = arith.constant 0.000000e+00 : f32
      %le3A_81 = vector.broadcast %le3A_80 : f32 to vector<16xf32>
      %le3A_82 = arith.cmpf ole, %gather3A_75, %le3A_81 : vector<16xf32>
      %le3A_83 = arith.constant 0.000000e+00 : f32
      %le3A_84 = vector.broadcast %le3A_83 : f32 to vector<16xf32>
      %le3A_85 = arith.cmpf ole, %gather3A_79, %le3A_84 : vector<16xf32>
      %and3A_86 = arith.andi %le3A_82, %le3A_85 : vector<16xi1>
      %jit3A_87 = arith.constant 4096 : i32
      %broadcast_in_dim3A_88 = vector.broadcast %jit3A_87 : i32 to vector<16xi32>
      %select_n3A_89 = arith.select %and3A_86, %bitcast3A_69, %broadcast_in_dim3A_88 : vector<16xi1>, vector<16xi32>
      %shift_left3A_90 = arith.constant 16 : i32
      %shift_left3A_91 = vector.broadcast %shift_left3A_90 : i32 to vector<16xi32>
      %shift_left3A_92 = arith.shli %bitcast3A_74, %shift_left3A_91 : vector<16xi32>
      %or3A_93 = arith.ori %select_n3A_89, %shift_left3A_92 : vector<16xi32>
      %add3A_94 = arith.constant 0 : i32
      %add3A_95 = arith.addi %add3A_94, %add3A_63 : i32
      %swap3A_96 = arith.index_cast %add3A_95 : i32 to index
      %swap3A_97 = tpu.vector_load %arg8[%swap3A_96] {strides = array<i32>} : memref<16384xi32, #tpu.memory_space<vmem>>, vector<16xi32>,
      tpu.vector_store %arg8[%swap3A_96], %or3A_93 {strides = array<i32>} : memref<16384xi32, #tpu.memory_space<vmem>>, vector<16xi32>,
    }
    %scan3A_12 = arith.constant 256 : i32
    "tpu.region"() ({
      %run_scoped3A = tpu.sem_alloc : memref<!tpu.dma_semaphore, #tpu.memory_space<semaphore_mem>>
      tpu.enqueue_dma source(%arg4 : memref<16384xf32, #tpu.memory_space<hbm>>) target(%arg13 : memref<16384xf32, #tpu.memory_space<vmem>>) target_semaphore(%run_scoped3A : memref<!tpu.dma_semaphore, #tpu.memory_space<semaphore_mem>>)
      tpu.wait_dma2 semaphore(%run_scoped3A : memref<!tpu.dma_semaphore, #tpu.memory_space<semaphore_mem>>) src(%arg4 : memref<16384xf32, #tpu.memory_space<hbm>>) dst(%arg13 : memref<16384xf32, #tpu.memory_space<vmem>>)
      tpu.yield
    }) : () -> ()
    "tpu.region"() ({
      %run_scoped3A = tpu.sem_alloc : memref<!tpu.dma_semaphore, #tpu.memory_space<semaphore_mem>>
      tpu.enqueue_dma source(%arg6 : memref<16384xf32, #tpu.memory_space<hbm>>) target(%arg14 : memref<16384xf32, #tpu.memory_space<vmem>>) target_semaphore(%run_scoped3A : memref<!tpu.dma_semaphore, #tpu.memory_space<semaphore_mem>>)
      tpu.wait_dma2 semaphore(%run_scoped3A : memref<!tpu.dma_semaphore, #tpu.memory_space<semaphore_mem>>) src(%arg6 : memref<16384xf32, #tpu.memory_space<hbm>>) dst(%arg14 : memref<16384xf32, #tpu.memory_space<vmem>>)
      tpu.yield
    }) : () -> ()
    %scan3A_13 = arith.constant 0 : i32
    %scan3A_14 = arith.constant 0 : i32
    %scan3A_15 = arith.constant 256 : i32
    %scan3A_16 = arith.addi %scan3A_14, %scan3A_15 : i32
    %scan3A_17 = arith.constant 1 : i32
    scf.for %scan3A_29 = %scan3A_14 to %scan3A_16 step %scan3A_17  : i32 {
      %mul3A_30 = arith.constant 32 : i32
      %mul3A_31 = arith.muli %scan3A_29, %mul3A_30 : i32
      %add3A_32 = arith.constant 0 : i32
      %add3A_33 = arith.addi %mul3A_31, %add3A_32 : i32
      %mul3A_34 = arith.constant 2 : i32
      %mul3A_35 = arith.muli %mul3A_34, %add3A_33 : i32
      %add3A_36 = vector.broadcast %mul3A_35 : i32 to vector<16xi32>
      %add3A_37 = arith.addi %add3A_36, %mul3A_3 : vector<16xi32>
      %gather3A = tpu.vector_load_idx %arg13[%add3A_37] : memref<16384xf32, #tpu.memory_space<vmem>>[vector<16xi32>], vector<16xf32>,
      %bitcast3A = vector.bitcast %gather3A : vector<16xf32> to vector<16xi32>
      %add3A_38 = arith.constant 1 : i32
      %add3A_39 = vector.broadcast %add3A_38 : i32 to vector<16xi32>
      %add3A_40 = arith.addi %add3A_37, %add3A_39 : vector<16xi32>
      %gather3A_41 = tpu.vector_load_idx %arg13[%add3A_40] : memref<16384xf32, #tpu.memory_space<vmem>>[vector<16xi32>], vector<16xf32>,
      %bitcast3A_42 = vector.bitcast %gather3A_41 : vector<16xf32> to vector<16xi32>
      %gather3A_43 = tpu.vector_load_idx %arg14[%add3A_37] : memref<16384xf32, #tpu.memory_space<vmem>>[vector<16xi32>], vector<16xf32>,
      %add3A_44 = arith.constant 1 : i32
      %add3A_45 = vector.broadcast %add3A_44 : i32 to vector<16xi32>
      %add3A_46 = arith.addi %add3A_37, %add3A_45 : vector<16xi32>
      %gather3A_47 = tpu.vector_load_idx %arg14[%add3A_46] : memref<16384xf32, #tpu.memory_space<vmem>>[vector<16xi32>], vector<16xf32>,
      %le3A = arith.constant 0.000000e+00 : f32
      %le3A_48 = vector.broadcast %le3A : f32 to vector<16xf32>
      %le3A_49 = arith.cmpf ole, %gather3A_43, %le3A_48 : vector<16xf32>
      %le3A_50 = arith.constant 0.000000e+00 : f32
      %le3A_51 = vector.broadcast %le3A_50 : f32 to vector<16xf32>
      %le3A_52 = arith.cmpf ole, %gather3A_47, %le3A_51 : vector<16xf32>
      %and3A = arith.andi %le3A_49, %le3A_52 : vector<16xi1>
      %jit3A = arith.constant 4096 : i32
      %broadcast_in_dim3A_53 = vector.broadcast %jit3A : i32 to vector<16xi32>
      %select_n3A = arith.select %and3A, %bitcast3A, %broadcast_in_dim3A_53 : vector<16xi1>, vector<16xi32>
      %shift_left3A = arith.constant 16 : i32
      %shift_left3A_54 = vector.broadcast %shift_left3A : i32 to vector<16xi32>
      %shift_left3A_55 = arith.shli %bitcast3A_42, %shift_left3A_54 : vector<16xi32>
      %or3A = arith.ori %select_n3A, %shift_left3A_55 : vector<16xi32>
      %add3A_56 = arith.constant 8192 : i32
      %add3A_57 = arith.addi %add3A_56, %add3A_33 : i32
      %swap3A_58 = arith.index_cast %add3A_57 : i32 to index
      %swap3A_59 = tpu.vector_load %arg8[%swap3A_58] {strides = array<i32>} : memref<16384xi32, #tpu.memory_space<vmem>>, vector<16xi32>,
      tpu.vector_store %arg8[%swap3A_58], %or3A {strides = array<i32>} : memref<16384xi32, #tpu.memory_space<vmem>>, vector<16xi32>,
      %mul3A_60 = arith.constant 32 : i32
      %mul3A_61 = arith.muli %scan3A_29, %mul3A_60 : i32
      %add3A_62 = arith.constant 16 : i32
      %add3A_63 = arith.addi %mul3A_61, %add3A_62 : i32
      %mul3A_64 = arith.constant 2 : i32
      %mul3A_65 = arith.muli %mul3A_64, %add3A_63 : i32
      %add3A_66 = vector.broadcast %mul3A_65 : i32 to vector<16xi32>
      %add3A_67 = arith.addi %add3A_66, %mul3A_3 : vector<16xi32>
      %gather3A_68 = tpu.vector_load_idx %arg13[%add3A_67] : memref<16384xf32, #tpu.memory_space<vmem>>[vector<16xi32>], vector<16xf32>,
      %bitcast3A_69 = vector.bitcast %gather3A_68 : vector<16xf32> to vector<16xi32>
      %add3A_70 = arith.constant 1 : i32
      %add3A_71 = vector.broadcast %add3A_70 : i32 to vector<16xi32>
      %add3A_72 = arith.addi %add3A_67, %add3A_71 : vector<16xi32>
      %gather3A_73 = tpu.vector_load_idx %arg13[%add3A_72] : memref<16384xf32, #tpu.memory_space<vmem>>[vector<16xi32>], vector<16xf32>,
      %bitcast3A_74 = vector.bitcast %gather3A_73 : vector<16xf32> to vector<16xi32>
      %gather3A_75 = tpu.vector_load_idx %arg14[%add3A_67] : memref<16384xf32, #tpu.memory_space<vmem>>[vector<16xi32>], vector<16xf32>,
      %add3A_76 = arith.constant 1 : i32
      %add3A_77 = vector.broadcast %add3A_76 : i32 to vector<16xi32>
      %add3A_78 = arith.addi %add3A_67, %add3A_77 : vector<16xi32>
      %gather3A_79 = tpu.vector_load_idx %arg14[%add3A_78] : memref<16384xf32, #tpu.memory_space<vmem>>[vector<16xi32>], vector<16xf32>,
      %le3A_80 = arith.constant 0.000000e+00 : f32
      %le3A_81 = vector.broadcast %le3A_80 : f32 to vector<16xf32>
      %le3A_82 = arith.cmpf ole, %gather3A_75, %le3A_81 : vector<16xf32>
      %le3A_83 = arith.constant 0.000000e+00 : f32
      %le3A_84 = vector.broadcast %le3A_83 : f32 to vector<16xf32>
      %le3A_85 = arith.cmpf ole, %gather3A_79, %le3A_84 : vector<16xf32>
      %and3A_86 = arith.andi %le3A_82, %le3A_85 : vector<16xi1>
      %jit3A_87 = arith.constant 4096 : i32
      %broadcast_in_dim3A_88 = vector.broadcast %jit3A_87 : i32 to vector<16xi32>
      %select_n3A_89 = arith.select %and3A_86, %bitcast3A_69, %broadcast_in_dim3A_88 : vector<16xi1>, vector<16xi32>
      %shift_left3A_90 = arith.constant 16 : i32
      %shift_left3A_91 = vector.broadcast %shift_left3A_90 : i32 to vector<16xi32>
      %shift_left3A_92 = arith.shli %bitcast3A_74, %shift_left3A_91 : vector<16xi32>
      %or3A_93 = arith.ori %select_n3A_89, %shift_left3A_92 : vector<16xi32>
      %add3A_94 = arith.constant 8192 : i32
      %add3A_95 = arith.addi %add3A_94, %add3A_63 : i32
      %swap3A_96 = arith.index_cast %add3A_95 : i32 to index
      %swap3A_97 = tpu.vector_load %arg8[%swap3A_96] {strides = array<i32>} : memref<16384xi32, #tpu.memory_space<vmem>>, vector<16xi32>,
      tpu.vector_store %arg8[%swap3A_96], %or3A_93 {strides = array<i32>} : memref<16384xi32, #tpu.memory_space<vmem>>, vector<16xi32>,
    }
    %scan3A_18 = arith.constant 256 : i32
    %scan3A_19 = arith.constant 0 : i32
    %scan3A_20 = arith.constant 8 : i32
    %scan3A_21 = arith.addi %scan3A_19, %scan3A_20 : i32
    %scan3A_22 = arith.constant 1 : i32
    %scan3A_23 = scf.for %scan3A_29 = %scan3A_19 to %scan3A_21 step %scan3A_22 iter_args(%scan3A_30 = %broadcast_in_dim3A_4) -> (vector<16xf32>)  : i32 {
      %mul3A_31 = arith.constant 8 : i32
      %mul3A_32 = arith.muli %add3A, %mul3A_31 : i32
      %add3A_33 = arith.addi %mul3A_32, %scan3A_29 : i32
      %jit3A = arith.constant 8 : i32
      %div3A = arith.divsi %add3A_33, %jit3A : i32
      %sign3A = arith.constant 0 : i32
      %sign3A_34 = arith.cmpi sgt, %add3A_33, %sign3A : i32
      %sign3A_35 = arith.extui %sign3A_34 : i1 to i32
      %sign3A_36 = arith.constant 0 : i32
      %sign3A_37 = arith.cmpi slt, %add3A_33, %sign3A_36 : i32
      %sign3A_38 = arith.extui %sign3A_37 : i1 to i32
      %sign3A_39 = arith.subi %sign3A_35, %sign3A_38 : i32
      %sign3A_40 = arith.constant 0 : i32
      %sign3A_41 = arith.cmpi sgt, %jit3A, %sign3A_40 : i32
      %sign3A_42 = arith.extui %sign3A_41 : i1 to i32
      %sign3A_43 = arith.constant 0 : i32
      %sign3A_44 = arith.cmpi slt, %jit3A, %sign3A_43 : i32
      %sign3A_45 = arith.extui %sign3A_44 : i1 to i32
      %sign3A_46 = arith.subi %sign3A_42, %sign3A_45 : i32
      %ne3A = arith.cmpi ne, %sign3A_39, %sign3A_46 : i32
      %rem3A = arith.remsi %add3A_33, %jit3A : i32
      %ne3A_47 = arith.constant 0 : i32
      %ne3A_48 = arith.cmpi ne, %rem3A, %ne3A_47 : i32
      %and3A = arith.andi %ne3A, %ne3A_48 : i1
      %sub3A = arith.constant 1 : i32
      %sub3A_49 = arith.subi %div3A, %sub3A : i32
      %select_n3A = arith.select %and3A, %sub3A_49, %div3A : i32
      %jit3A_50 = arith.constant 8 : i32
      %eq3A = arith.constant 0 : i32
      %eq3A_51 = arith.cmpi eq, %jit3A_50, %eq3A : i32
      %jit3A_52 = arith.constant 1 : i32
      %select_n3A_53 = arith.select %eq3A_51, %jit3A_52, %jit3A_50 : i32
      %rem3A_54 = arith.remsi %add3A_33, %select_n3A_53 : i32
      %ne3A_55 = arith.constant 0 : i32
      %ne3A_56 = arith.cmpi ne, %rem3A_54, %ne3A_55 : i32
      %lt3A = arith.constant 0 : i32
      %lt3A_57 = arith.cmpi slt, %rem3A_54, %lt3A : i32
      %lt3A_58 = arith.constant 0 : i32
      %lt3A_59 = arith.cmpi slt, %select_n3A_53, %lt3A_58 : i32
      %ne3A_60 = arith.xori %lt3A_57, %lt3A_59 : i1
      %and3A_61 = arith.andi %ne3A_60, %ne3A_56 : i1
      %add3A_62 = arith.addi %rem3A_54, %select_n3A_53 : i32
      %select_n3A_63 = arith.select %and3A_61, %add3A_62, %rem3A_54 : i32
      %dma_start3A = arith.constant 0 : i32
      %dma_start3A_64 = tpu.memref_slice %arg2[%select_n3A, %select_n3A_63, %dma_start3A] : memref<32x8x81920xf32, #tpu.memory_space<hbm>> -> memref<1x1x8192xf32, #tpu.memory_space<hbm>>
      %dma_start3A_65 = tpu.memref_squeeze %dma_start3A_64 : memref<1x1x8192xf32, #tpu.memory_space<hbm>> -> memref<8192xf32, #tpu.memory_space<hbm>>
      %dma_start3A_66 = arith.constant 0 : i32
      %dma_start3A_67 = tpu.memref_slice %arg2[%select_n3A, %select_n3A_63, %dma_start3A_66] : memref<32x8x81920xf32, #tpu.memory_space<hbm>> -> memref<1x1x8192xf32, #tpu.memory_space<hbm>>
      %dma_start3A_68 = tpu.memref_squeeze %dma_start3A_67 : memref<1x1x8192xf32, #tpu.memory_space<hbm>> -> memref<8192xf32, #tpu.memory_space<hbm>>
      tpu.enqueue_dma source(%dma_start3A_68 : memref<8192xf32, #tpu.memory_space<hbm>>) target(%arg11 : memref<8192xf32, #tpu.memory_space<vmem>>) target_semaphore(%arg20 : memref<!tpu.dma_semaphore, #tpu.memory_space<semaphore_mem>>)
      %dma_start3A_69 = arith.constant 8192 : i32
      %dma_start3A_70 = tpu.memref_slice %arg2[%select_n3A, %select_n3A_63, %dma_start3A_69] : memref<32x8x81920xf32, #tpu.memory_space<hbm>> -> memref<1x1x8192xf32, #tpu.memory_space<hbm>>
      %dma_start3A_71 = tpu.memref_squeeze %dma_start3A_70 : memref<1x1x8192xf32, #tpu.memory_space<hbm>> -> memref<8192xf32, #tpu.memory_space<hbm>>
      %dma_start3A_72 = arith.constant 8192 : i32
      %dma_start3A_73 = tpu.memref_slice %arg2[%select_n3A, %select_n3A_63, %dma_start3A_72] : memref<32x8x81920xf32, #tpu.memory_space<hbm>> -> memref<1x1x8192xf32, #tpu.memory_space<hbm>>
      %dma_start3A_74 = tpu.memref_squeeze %dma_start3A_73 : memref<1x1x8192xf32, #tpu.memory_space<hbm>> -> memref<8192xf32, #tpu.memory_space<hbm>>
      tpu.enqueue_dma source(%dma_start3A_74 : memref<8192xf32, #tpu.memory_space<hbm>>) target(%arg12 : memref<8192xf32, #tpu.memory_space<vmem>>) target_semaphore(%arg20 : memref<!tpu.dma_semaphore, #tpu.memory_space<semaphore_mem>>)
      %dma_start3A_75 = arith.constant 16384 : i32
      %dma_start3A_76 = tpu.memref_slice %arg2[%select_n3A, %select_n3A_63, %dma_start3A_75] : memref<32x8x81920xf32, #tpu.memory_space<hbm>> -> memref<1x1x8192xf32, #tpu.memory_space<hbm>>
      %dma_start3A_77 = tpu.memref_squeeze %dma_start3A_76 : memref<1x1x8192xf32, #tpu.memory_space<hbm>> -> memref<8192xf32, #tpu.memory_space<hbm>>
      %dma_start3A_78 = arith.constant 16384 : i32
      %dma_start3A_79 = tpu.memref_slice %arg2[%select_n3A, %select_n3A_63, %dma_start3A_78] : memref<32x8x81920xf32, #tpu.memory_space<hbm>> -> memref<1x1x8192xf32, #tpu.memory_space<hbm>>
      %dma_start3A_80 = tpu.memref_squeeze %dma_start3A_79 : memref<1x1x8192xf32, #tpu.memory_space<hbm>> -> memref<8192xf32, #tpu.memory_space<hbm>>
      tpu.enqueue_dma source(%dma_start3A_80 : memref<8192xf32, #tpu.memory_space<hbm>>) target(%arg15 : memref<8192xf32, #tpu.memory_space<vmem>>) target_semaphore(%arg21 : memref<!tpu.dma_semaphore, #tpu.memory_space<semaphore_mem>>)
      %dma_start3A_81 = arith.constant 49152 : i32
      %dma_start3A_82 = tpu.memref_slice %arg2[%select_n3A, %select_n3A_63, %dma_start3A_81] : memref<32x8x81920xf32, #tpu.memory_space<hbm>> -> memref<1x1x8192xf32, #tpu.memory_space<hbm>>
      %dma_start3A_83 = tpu.memref_squeeze %dma_start3A_82 : memref<1x1x8192xf32, #tpu.memory_space<hbm>> -> memref<8192xf32, #tpu.memory_space<hbm>>
      %dma_start3A_84 = arith.constant 49152 : i32
      %dma_start3A_85 = tpu.memref_slice %arg2[%select_n3A, %select_n3A_63, %dma_start3A_84] : memref<32x8x81920xf32, #tpu.memory_space<hbm>> -> memref<1x1x8192xf32, #tpu.memory_space<hbm>>
      %dma_start3A_86 = tpu.memref_squeeze %dma_start3A_85 : memref<1x1x8192xf32, #tpu.memory_space<hbm>> -> memref<8192xf32, #tpu.memory_space<hbm>>
      tpu.enqueue_dma source(%dma_start3A_86 : memref<8192xf32, #tpu.memory_space<hbm>>) target(%arg17 : memref<8192xf32, #tpu.memory_space<vmem>>) target_semaphore(%arg21 : memref<!tpu.dma_semaphore, #tpu.memory_space<semaphore_mem>>)
      %dma_start3A_87 = arith.constant 24576 : i32
      %dma_start3A_88 = tpu.memref_slice %arg2[%select_n3A, %select_n3A_63, %dma_start3A_87] : memref<32x8x81920xf32, #tpu.memory_space<hbm>> -> memref<1x1x8192xf32, #tpu.memory_space<hbm>>
      %dma_start3A_89 = tpu.memref_squeeze %dma_start3A_88 : memref<1x1x8192xf32, #tpu.memory_space<hbm>> -> memref<8192xf32, #tpu.memory_space<hbm>>
      %dma_start3A_90 = arith.constant 24576 : i32
      %dma_start3A_91 = tpu.memref_slice %arg2[%select_n3A, %select_n3A_63, %dma_start3A_90] : memref<32x8x81920xf32, #tpu.memory_space<hbm>> -> memref<1x1x8192xf32, #tpu.memory_space<hbm>>
      %dma_start3A_92 = tpu.memref_squeeze %dma_start3A_91 : memref<1x1x8192xf32, #tpu.memory_space<hbm>> -> memref<8192xf32, #tpu.memory_space<hbm>>
      tpu.enqueue_dma source(%dma_start3A_92 : memref<8192xf32, #tpu.memory_space<hbm>>) target(%arg16 : memref<8192xf32, #tpu.memory_space<vmem>>) target_semaphore(%arg22 : memref<!tpu.dma_semaphore, #tpu.memory_space<semaphore_mem>>)
      %dma_start3A_93 = arith.constant 57344 : i32
      %dma_start3A_94 = tpu.memref_slice %arg2[%select_n3A, %select_n3A_63, %dma_start3A_93] : memref<32x8x81920xf32, #tpu.memory_space<hbm>> -> memref<1x1x8192xf32, #tpu.memory_space<hbm>>
      %dma_start3A_95 = tpu.memref_squeeze %dma_start3A_94 : memref<1x1x8192xf32, #tpu.memory_space<hbm>> -> memref<8192xf32, #tpu.memory_space<hbm>>
      %dma_start3A_96 = arith.constant 57344 : i32
      %dma_start3A_97 = tpu.memref_slice %arg2[%select_n3A, %select_n3A_63, %dma_start3A_96] : memref<32x8x81920xf32, #tpu.memory_space<hbm>> -> memref<1x1x8192xf32, #tpu.memory_space<hbm>>
      %dma_start3A_98 = tpu.memref_squeeze %dma_start3A_97 : memref<1x1x8192xf32, #tpu.memory_space<hbm>> -> memref<8192xf32, #tpu.memory_space<hbm>>
      tpu.enqueue_dma source(%dma_start3A_98 : memref<8192xf32, #tpu.memory_space<hbm>>) target(%arg18 : memref<8192xf32, #tpu.memory_space<vmem>>) target_semaphore(%arg22 : memref<!tpu.dma_semaphore, #tpu.memory_space<semaphore_mem>>)
      %dma_wait3A = arith.constant 0 : i32
      %dma_wait3A_99 = tpu.memref_slice %arg2[%select_n3A, %select_n3A_63, %dma_wait3A] : memref<32x8x81920xf32, #tpu.memory_space<hbm>> -> memref<1x1x8192xf32, #tpu.memory_space<hbm>>
      %dma_wait3A_100 = tpu.memref_squeeze %dma_wait3A_99 : memref<1x1x8192xf32, #tpu.memory_space<hbm>> -> memref<8192xf32, #tpu.memory_space<hbm>>
      %dma_wait3A_101 = arith.constant 0 : i32
      %dma_wait3A_102 = tpu.memref_slice %arg2[%select_n3A, %select_n3A_63, %dma_wait3A_101] : memref<32x8x81920xf32, #tpu.memory_space<hbm>> -> memref<1x1x8192xf32, #tpu.memory_space<hbm>>
      %dma_wait3A_103 = tpu.memref_squeeze %dma_wait3A_102 : memref<1x1x8192xf32, #tpu.memory_space<hbm>> -> memref<8192xf32, #tpu.memory_space<hbm>>
      tpu.wait_dma2 semaphore(%arg20 : memref<!tpu.dma_semaphore, #tpu.memory_space<semaphore_mem>>) src(%dma_wait3A_103 : memref<8192xf32, #tpu.memory_space<hbm>>) dst(%arg11 : memref<8192xf32, #tpu.memory_space<vmem>>)
      %dma_wait3A_104 = arith.constant 8192 : i32
      %dma_wait3A_105 = tpu.memref_slice %arg2[%select_n3A, %select_n3A_63, %dma_wait3A_104] : memref<32x8x81920xf32, #tpu.memory_space<hbm>> -> memref<1x1x8192xf32, #tpu.memory_space<hbm>>
      %dma_wait3A_106 = tpu.memref_squeeze %dma_wait3A_105 : memref<1x1x8192xf32, #tpu.memory_space<hbm>> -> memref<8192xf32, #tpu.memory_space<hbm>>
      %dma_wait3A_107 = arith.constant 8192 : i32
      %dma_wait3A_108 = tpu.memref_slice %arg2[%select_n3A, %select_n3A_63, %dma_wait3A_107] : memref<32x8x81920xf32, #tpu.memory_space<hbm>> -> memref<1x1x8192xf32, #tpu.memory_space<hbm>>
      %dma_wait3A_109 = tpu.memref_squeeze %dma_wait3A_108 : memref<1x1x8192xf32, #tpu.memory_space<hbm>> -> memref<8192xf32, #tpu.memory_space<hbm>>
      tpu.wait_dma2 semaphore(%arg20 : memref<!tpu.dma_semaphore, #tpu.memory_space<semaphore_mem>>) src(%dma_wait3A_109 : memref<8192xf32, #tpu.memory_space<hbm>>) dst(%arg12 : memref<8192xf32, #tpu.memory_space<vmem>>)
      %scan3A_110 = arith.constant 0 : i32
      %scan3A_111 = arith.constant 0 : i32
      %scan3A_112 = arith.constant 128 : i32
      %scan3A_113 = arith.addi %scan3A_111, %scan3A_112 : i32
      %scan3A_114 = arith.constant 1 : i32
      scf.for %scan3A_212 = %scan3A_111 to %scan3A_113 step %scan3A_114  : i32 {
        %mul3A_213 = arith.constant 32 : i32
        %mul3A_214 = arith.muli %scan3A_212, %mul3A_213 : i32
        %add3A_215 = arith.constant 0 : i32
        %add3A_216 = arith.addi %mul3A_214, %add3A_215 : i32
        %mul3A_217 = arith.constant 2 : i32
        %mul3A_218 = arith.muli %mul3A_217, %add3A_216 : i32
        %add3A_219 = vector.broadcast %mul3A_218 : i32 to vector<16xi32>
        %add3A_220 = arith.addi %add3A_219, %mul3A_3 : vector<16xi32>
        %gather3A = tpu.vector_load_idx %arg11[%add3A_220] : memref<8192xf32, #tpu.memory_space<vmem>>[vector<16xi32>], vector<16xf32>,
        %add3A_221 = arith.constant 1 : i32
        %add3A_222 = vector.broadcast %add3A_221 : i32 to vector<16xi32>
        %add3A_223 = arith.addi %add3A_220, %add3A_222 : vector<16xi32>
        %gather3A_224 = tpu.vector_load_idx %arg11[%add3A_223] : memref<8192xf32, #tpu.memory_space<vmem>>[vector<16xi32>], vector<16xf32>,
        %gather3A_225 = tpu.vector_load_idx %arg12[%add3A_220] : memref<8192xf32, #tpu.memory_space<vmem>>[vector<16xi32>], vector<16xf32>,
        %add3A_226 = arith.constant 1 : i32
        %add3A_227 = vector.broadcast %add3A_226 : i32 to vector<16xi32>
        %add3A_228 = arith.addi %add3A_220, %add3A_227 : vector<16xi32>
        %gather3A_229 = tpu.vector_load_idx %arg12[%add3A_228] : memref<8192xf32, #tpu.memory_space<vmem>>[vector<16xi32>], vector<16xf32>,
        %sub3A_230 = arith.subf %gather3A, %gather3A_225 : vector<16xf32>
        %sub3A_231 = arith.subf %gather3A_224, %gather3A_229 : vector<16xf32>
        %pack3A = tpu.pack_subelements %sub3A_230, %sub3A_231 {pack_format = #tpu.pack_format<interleaved>, positions = array<i32: 0, 1>} : vector<16xf32>, vector<16xf32> -> vector<32xbf16>
        %bitcast3A = vector.bitcast %pack3A : vector<32xbf16> to vector<16xf32>
        %swap3A_232 = arith.index_cast %add3A_216 : i32 to index
        %swap3A_233 = tpu.vector_load %arg9[%swap3A_232] {strides = array<i32>} : memref<4112xf32, #tpu.memory_space<vmem>>, vector<16xf32>,
        tpu.vector_store %arg9[%swap3A_232], %bitcast3A {strides = array<i32>} : memref<4112xf32, #tpu.memory_space<vmem>>, vector<16xf32>,
        %pack3A_234 = tpu.pack_subelements %gather3A_225, %gather3A_229 {pack_format = #tpu.pack_format<interleaved>, positions = array<i32: 0, 1>} : vector<16xf32>, vector<16xf32> -> vector<32xbf16>
        %bitcast3A_235 = vector.bitcast %pack3A_234 : vector<32xbf16> to vector<16xf32>
        %swap3A_236 = arith.index_cast %add3A_216 : i32 to index
        %swap3A_237 = tpu.vector_load %arg10[%swap3A_236] {strides = array<i32>} : memref<4112xf32, #tpu.memory_space<vmem>>, vector<16xf32>,
        tpu.vector_store %arg10[%swap3A_236], %bitcast3A_235 {strides = array<i32>} : memref<4112xf32, #tpu.memory_space<vmem>>, vector<16xf32>,
        %mul3A_238 = arith.constant 32 : i32
        %mul3A_239 = arith.muli %scan3A_212, %mul3A_238 : i32
        %add3A_240 = arith.constant 16 : i32
        %add3A_241 = arith.addi %mul3A_239, %add3A_240 : i32
        %mul3A_242 = arith.constant 2 : i32
        %mul3A_243 = arith.muli %mul3A_242, %add3A_241 : i32
        %add3A_244 = vector.broadcast %mul3A_243 : i32 to vector<16xi32>
        %add3A_245 = arith.addi %add3A_244, %mul3A_3 : vector<16xi32>
        %gather3A_246 = tpu.vector_load_idx %arg11[%add3A_245] : memref<8192xf32, #tpu.memory_space<vmem>>[vector<16xi32>], vector<16xf32>,
        %add3A_247 = arith.constant 1 : i32
        %add3A_248 = vector.broadcast %add3A_247 : i32 to vector<16xi32>
        %add3A_249 = arith.addi %add3A_245, %add3A_248 : vector<16xi32>
        %gather3A_250 = tpu.vector_load_idx %arg11[%add3A_249] : memref<8192xf32, #tpu.memory_space<vmem>>[vector<16xi32>], vector<16xf32>,
        %gather3A_251 = tpu.vector_load_idx %arg12[%add3A_245] : memref<8192xf32, #tpu.memory_space<vmem>>[vector<16xi32>], vector<16xf32>,
        %add3A_252 = arith.constant 1 : i32
        %add3A_253 = vector.broadcast %add3A_252 : i32 to vector<16xi32>
        %add3A_254 = arith.addi %add3A_245, %add3A_253 : vector<16xi32>
        %gather3A_255 = tpu.vector_load_idx %arg12[%add3A_254] : memref<8192xf32, #tpu.memory_space<vmem>>[vector<16xi32>], vector<16xf32>,
        %sub3A_256 = arith.subf %gather3A_246, %gather3A_251 : vector<16xf32>
        %sub3A_257 = arith.subf %gather3A_250, %gather3A_255 : vector<16xf32>
        %pack3A_258 = tpu.pack_subelements %sub3A_256, %sub3A_257 {pack_format = #tpu.pack_format<interleaved>, positions = array<i32: 0, 1>} : vector<16xf32>, vector<16xf32> -> vector<32xbf16>
        %bitcast3A_259 = vector.bitcast %pack3A_258 : vector<32xbf16> to vector<16xf32>
        %swap3A_260 = arith.index_cast %add3A_241 : i32 to index
        %swap3A_261 = tpu.vector_load %arg9[%swap3A_260] {strides = array<i32>} : memref<4112xf32, #tpu.memory_space<vmem>>, vector<16xf32>,
        tpu.vector_store %arg9[%swap3A_260], %bitcast3A_259 {strides = array<i32>} : memref<4112xf32, #tpu.memory_space<vmem>>, vector<16xf32>,
        %pack3A_262 = tpu.pack_subelements %gather3A_251, %gather3A_255 {pack_format = #tpu.pack_format<interleaved>, positions = array<i32: 0, 1>} : vector<16xf32>, vector<16xf32> -> vector<32xbf16>
        %bitcast3A_263 = vector.bitcast %pack3A_262 : vector<32xbf16> to vector<16xf32>
        %swap3A_264 = arith.index_cast %add3A_241 : i32 to index
        %swap3A_265 = tpu.vector_load %arg10[%swap3A_264] {strides = array<i32>} : memref<4112xf32, #tpu.memory_space<vmem>>, vector<16xf32>,
        tpu.vector_store %arg10[%swap3A_264], %bitcast3A_263 {strides = array<i32>} : memref<4112xf32, #tpu.memory_space<vmem>>, vector<16xf32>,
      }
      %scan3A_115 = arith.constant 128 : i32
      %dma_wait3A_116 = arith.constant 16384 : i32
      %dma_wait3A_117 = tpu.memref_slice %arg2[%select_n3A, %select_n3A_63, %dma_wait3A_116] : memref<32x8x81920xf32, #tpu.memory_space<hbm>> -> memref<1x1x8192xf32, #tpu.memory_space<hbm>>
      %dma_wait3A_118 = tpu.memref_squeeze %dma_wait3A_117 : memref<1x1x8192xf32, #tpu.memory_space<hbm>> -> memref<8192xf32, #tpu.memory_space<hbm>>
      %dma_wait3A_119 = arith.constant 16384 : i32
      %dma_wait3A_120 = tpu.memref_slice %arg2[%select_n3A, %select_n3A_63, %dma_wait3A_119] : memref<32x8x81920xf32, #tpu.memory_space<hbm>> -> memref<1x1x8192xf32, #tpu.memory_space<hbm>>
      %dma_wait3A_121 = tpu.memref_squeeze %dma_wait3A_120 : memref<1x1x8192xf32, #tpu.memory_space<hbm>> -> memref<8192xf32, #tpu.memory_space<hbm>>
      tpu.wait_dma2 semaphore(%arg21 : memref<!tpu.dma_semaphore, #tpu.memory_space<semaphore_mem>>) src(%dma_wait3A_121 : memref<8192xf32, #tpu.memory_space<hbm>>) dst(%arg15 : memref<8192xf32, #tpu.memory_space<vmem>>)
      %dma_wait3A_122 = arith.constant 49152 : i32
      %dma_wait3A_123 = tpu.memref_slice %arg2[%select_n3A, %select_n3A_63, %dma_wait3A_122] : memref<32x8x81920xf32, #tpu.memory_space<hbm>> -> memref<1x1x8192xf32, #tpu.memory_space<hbm>>
      %dma_wait3A_124 = tpu.memref_squeeze %dma_wait3A_123 : memref<1x1x8192xf32, #tpu.memory_space<hbm>> -> memref<8192xf32, #tpu.memory_space<hbm>>
      %dma_wait3A_125 = arith.constant 49152 : i32
      %dma_wait3A_126 = tpu.memref_slice %arg2[%select_n3A, %select_n3A_63, %dma_wait3A_125] : memref<32x8x81920xf32, #tpu.memory_space<hbm>> -> memref<1x1x8192xf32, #tpu.memory_space<hbm>>
      %dma_wait3A_127 = tpu.memref_squeeze %dma_wait3A_126 : memref<1x1x8192xf32, #tpu.memory_space<hbm>> -> memref<8192xf32, #tpu.memory_space<hbm>>
      tpu.wait_dma2 semaphore(%arg21 : memref<!tpu.dma_semaphore, #tpu.memory_space<semaphore_mem>>) src(%dma_wait3A_127 : memref<8192xf32, #tpu.memory_space<hbm>>) dst(%arg17 : memref<8192xf32, #tpu.memory_space<vmem>>)
      %scan3A_128 = arith.constant 0 : i32
      %scan3A_129 = arith.constant 64 : i32
      %scan3A_130 = arith.addi %scan3A_128, %scan3A_129 : i32
      %scan3A_131 = arith.constant 1 : i32
      %scan3A_132 = scf.for %scan3A_212 = %scan3A_128 to %scan3A_130 step %scan3A_131 iter_args(%scan3A_213 = %scan3A_30) -> (vector<16xf32>)  : i32 {
        %mul3A_214 = arith.constant 64 : i32
        %mul3A_215 = arith.muli %scan3A_212, %mul3A_214 : i32
        %add3A_216 = arith.constant 0 : i32
        %add3A_217 = arith.addi %mul3A_215, %add3A_216 : i32
        %mul3A_218 = arith.constant 2 : i32
        %mul3A_219 = arith.muli %mul3A_218, %add3A_217 : i32
        %add3A_220 = vector.broadcast %mul3A_219 : i32 to vector<16xi32>
        %add3A_221 = arith.addi %add3A_220, %mul3A_3 : vector<16xi32>
        %add3A_222 = arith.constant 0 : i32
        %add3A_223 = arith.addi %add3A_222, %add3A_217 : i32
        %get3A = arith.index_cast %add3A_223 : i32 to index
        %get3A_224 = tpu.vector_load %arg8[%get3A] {strides = array<i32>} : memref<16384xi32, #tpu.memory_space<vmem>>, vector<16xi32>,
        %and3A_225 = arith.constant 65535 : i32
        %and3A_226 = vector.broadcast %and3A_225 : i32 to vector<16xi32>
        %and3A_227 = arith.andi %get3A_224, %and3A_226 : vector<16xi32>
        %shift_right_logical3A = arith.constant 16 : i32
        %shift_right_logical3A_228 = vector.broadcast %shift_right_logical3A : i32 to vector<16xi32>
        %shift_right_logical3A_229 = arith.shrui %get3A_224, %shift_right_logical3A_228 : vector<16xi32>
        %gather3A = tpu.vector_load_idx %arg9[%and3A_227] : memref<4112xf32, #tpu.memory_space<vmem>>[vector<16xi32>], vector<16xf32>,
        %bitcast3A = vector.bitcast %gather3A : vector<16xf32> to vector<32xbf16>
        %unpack3A = tpu.unpack_subelements %bitcast3A, 0 {pack_format = #tpu.pack_format<interleaved>} : vector<32xbf16> -> vector<16xf32>
        %unpack3A_230 = tpu.unpack_subelements %bitcast3A, 1 {pack_format = #tpu.pack_format<interleaved>} : vector<32xbf16> -> vector<16xf32>
        %gather3A_231 = tpu.vector_load_idx %arg10[%and3A_227] : memref<4112xf32, #tpu.memory_space<vmem>>[vector<16xi32>], vector<16xf32>,
        %bitcast3A_232 = vector.bitcast %gather3A_231 : vector<16xf32> to vector<32xbf16>
        %unpack3A_233 = tpu.unpack_subelements %bitcast3A_232, 0 {pack_format = #tpu.pack_format<interleaved>} : vector<32xbf16> -> vector<16xf32>
        %unpack3A_234 = tpu.unpack_subelements %bitcast3A_232, 1 {pack_format = #tpu.pack_format<interleaved>} : vector<32xbf16> -> vector<16xf32>
        %gather3A_235 = tpu.vector_load_idx %arg9[%shift_right_logical3A_229] : memref<4112xf32, #tpu.memory_space<vmem>>[vector<16xi32>], vector<16xf32>,
        %bitcast3A_236 = vector.bitcast %gather3A_235 : vector<16xf32> to vector<32xbf16>
        %unpack3A_237 = tpu.unpack_subelements %bitcast3A_236, 0 {pack_format = #tpu.pack_format<interleaved>} : vector<32xbf16> -> vector<16xf32>
        %unpack3A_238 = tpu.unpack_subelements %bitcast3A_236, 1 {pack_format = #tpu.pack_format<interleaved>} : vector<32xbf16> -> vector<16xf32>
        %gather3A_239 = tpu.vector_load_idx %arg10[%shift_right_logical3A_229] : memref<4112xf32, #tpu.memory_space<vmem>>[vector<16xi32>], vector<16xf32>,
        %bitcast3A_240 = vector.bitcast %gather3A_239 : vector<16xf32> to vector<32xbf16>
        %unpack3A_241 = tpu.unpack_subelements %bitcast3A_240, 0 {pack_format = #tpu.pack_format<interleaved>} : vector<32xbf16> -> vector<16xf32>
        %unpack3A_242 = tpu.unpack_subelements %bitcast3A_240, 1 {pack_format = #tpu.pack_format<interleaved>} : vector<32xbf16> -> vector<16xf32>
        %gather3A_243 = tpu.vector_load_idx %arg15[%add3A_221] : memref<8192xf32, #tpu.memory_space<vmem>>[vector<16xi32>], vector<16xf32>,
        %gather3A_244 = tpu.vector_load_idx %arg17[%add3A_221] : memref<8192xf32, #tpu.memory_space<vmem>>[vector<16xi32>], vector<16xf32>,
        %sub3A_245 = arith.subf %gather3A_243, %gather3A_244 : vector<16xf32>
        %add3A_246 = arith.constant 1 : i32
        %add3A_247 = vector.broadcast %add3A_246 : i32 to vector<16xi32>
        %add3A_248 = arith.addi %add3A_221, %add3A_247 : vector<16xi32>
        %gather3A_249 = tpu.vector_load_idx %arg15[%add3A_248] : memref<8192xf32, #tpu.memory_space<vmem>>[vector<16xi32>], vector<16xf32>,
        %add3A_250 = arith.constant 1 : i32
        %add3A_251 = vector.broadcast %add3A_250 : i32 to vector<16xi32>
        %add3A_252 = arith.addi %add3A_221, %add3A_251 : vector<16xi32>
        %gather3A_253 = tpu.vector_load_idx %arg17[%add3A_252] : memref<8192xf32, #tpu.memory_space<vmem>>[vector<16xi32>], vector<16xf32>,
        %sub3A_254 = arith.subf %gather3A_249, %gather3A_253 : vector<16xf32>
        %mul3A_255 = arith.mulf %unpack3A, %unpack3A_241 : vector<16xf32>
        %mul3A_256 = arith.mulf %unpack3A_230, %unpack3A_242 : vector<16xf32>
        %add3A_257 = arith.addf %mul3A_255, %mul3A_256 : vector<16xf32>
        %mul3A_258 = arith.mulf %unpack3A_233, %unpack3A_237 : vector<16xf32>
        %add3A_259 = arith.addf %add3A_257, %mul3A_258 : vector<16xf32>
        %mul3A_260 = arith.mulf %unpack3A_234, %unpack3A_238 : vector<16xf32>
        %add3A_261 = arith.addf %add3A_259, %mul3A_260 : vector<16xf32>
        %mul3A_262 = arith.mulf %unpack3A_230, %unpack3A_241 : vector<16xf32>
        %mul3A_263 = arith.mulf %unpack3A, %unpack3A_242 : vector<16xf32>
        %sub3A_264 = arith.subf %mul3A_262, %mul3A_263 : vector<16xf32>
        %mul3A_265 = arith.mulf %unpack3A_234, %unpack3A_237 : vector<16xf32>
        %add3A_266 = arith.addf %sub3A_264, %mul3A_265 : vector<16xf32>
        %mul3A_267 = arith.mulf %unpack3A_233, %unpack3A_238 : vector<16xf32>
        %sub3A_268 = arith.subf %add3A_266, %mul3A_267 : vector<16xf32>
        %sub3A_269 = arith.subf %sub3A_245, %add3A_261 : vector<16xf32>
        %sub3A_270 = arith.subf %sub3A_254, %sub3A_268 : vector<16xf32>
        %mul3A_271 = arith.mulf %sub3A_269, %sub3A_269 : vector<16xf32>
        %mul3A_272 = arith.mulf %sub3A_270, %sub3A_270 : vector<16xf32>
        %add3A_273 = arith.addf %mul3A_271, %mul3A_272 : vector<16xf32>
        %mul3A_274 = arith.constant 64 : i32
        %mul3A_275 = arith.muli %scan3A_212, %mul3A_274 : i32
        %add3A_276 = arith.constant 16 : i32
        %add3A_277 = arith.addi %mul3A_275, %add3A_276 : i32
        %mul3A_278 = arith.constant 2 : i32
        %mul3A_279 = arith.muli %mul3A_278, %add3A_277 : i32
        %add3A_280 = vector.broadcast %mul3A_279 : i32 to vector<16xi32>
        %add3A_281 = arith.addi %add3A_280, %mul3A_3 : vector<16xi32>
        %add3A_282 = arith.constant 0 : i32
        %add3A_283 = arith.addi %add3A_282, %add3A_277 : i32
        %get3A_284 = arith.index_cast %add3A_283 : i32 to index
        %get3A_285 = tpu.vector_load %arg8[%get3A_284] {strides = array<i32>} : memref<16384xi32, #tpu.memory_space<vmem>>, vector<16xi32>,
        %and3A_286 = arith.constant 65535 : i32
        %and3A_287 = vector.broadcast %and3A_286 : i32 to vector<16xi32>
        %and3A_288 = arith.andi %get3A_285, %and3A_287 : vector<16xi32>
        %shift_right_logical3A_289 = arith.constant 16 : i32
        %shift_right_logical3A_290 = vector.broadcast %shift_right_logical3A_289 : i32 to vector<16xi32>
        %shift_right_logical3A_291 = arith.shrui %get3A_285, %shift_right_logical3A_290 : vector<16xi32>
        %gather3A_292 = tpu.vector_load_idx %arg9[%and3A_288] : memref<4112xf32, #tpu.memory_space<vmem>>[vector<16xi32>], vector<16xf32>,
        %bitcast3A_293 = vector.bitcast %gather3A_292 : vector<16xf32> to vector<32xbf16>
        %unpack3A_294 = tpu.unpack_subelements %bitcast3A_293, 0 {pack_format = #tpu.pack_format<interleaved>} : vector<32xbf16> -> vector<16xf32>
        %unpack3A_295 = tpu.unpack_subelements %bitcast3A_293, 1 {pack_format = #tpu.pack_format<interleaved>} : vector<32xbf16> -> vector<16xf32>
        %gather3A_296 = tpu.vector_load_idx %arg10[%and3A_288] : memref<4112xf32, #tpu.memory_space<vmem>>[vector<16xi32>], vector<16xf32>,
        %bitcast3A_297 = vector.bitcast %gather3A_296 : vector<16xf32> to vector<32xbf16>
        %unpack3A_298 = tpu.unpack_subelements %bitcast3A_297, 0 {pack_format = #tpu.pack_format<interleaved>} : vector<32xbf16> -> vector<16xf32>
        %unpack3A_299 = tpu.unpack_subelements %bitcast3A_297, 1 {pack_format = #tpu.pack_format<interleaved>} : vector<32xbf16> -> vector<16xf32>
        %gather3A_300 = tpu.vector_load_idx %arg9[%shift_right_logical3A_291] : memref<4112xf32, #tpu.memory_space<vmem>>[vector<16xi32>], vector<16xf32>,
        %bitcast3A_301 = vector.bitcast %gather3A_300 : vector<16xf32> to vector<32xbf16>
        %unpack3A_302 = tpu.unpack_subelements %bitcast3A_301, 0 {pack_format = #tpu.pack_format<interleaved>} : vector<32xbf16> -> vector<16xf32>
        %unpack3A_303 = tpu.unpack_subelements %bitcast3A_301, 1 {pack_format = #tpu.pack_format<interleaved>} : vector<32xbf16> -> vector<16xf32>
        %gather3A_304 = tpu.vector_load_idx %arg10[%shift_right_logical3A_291] : memref<4112xf32, #tpu.memory_space<vmem>>[vector<16xi32>], vector<16xf32>,
        %bitcast3A_305 = vector.bitcast %gather3A_304 : vector<16xf32> to vector<32xbf16>
        %unpack3A_306 = tpu.unpack_subelements %bitcast3A_305, 0 {pack_format = #tpu.pack_format<interleaved>} : vector<32xbf16> -> vector<16xf32>
        %unpack3A_307 = tpu.unpack_subelements %bitcast3A_305, 1 {pack_format = #tpu.pack_format<interleaved>} : vector<32xbf16> -> vector<16xf32>
        %gather3A_308 = tpu.vector_load_idx %arg15[%add3A_281] : memref<8192xf32, #tpu.memory_space<vmem>>[vector<16xi32>], vector<16xf32>,
        %gather3A_309 = tpu.vector_load_idx %arg17[%add3A_281] : memref<8192xf32, #tpu.memory_space<vmem>>[vector<16xi32>], vector<16xf32>,
        %sub3A_310 = arith.subf %gather3A_308, %gather3A_309 : vector<16xf32>
        %add3A_311 = arith.constant 1 : i32
        %add3A_312 = vector.broadcast %add3A_311 : i32 to vector<16xi32>
        %add3A_313 = arith.addi %add3A_281, %add3A_312 : vector<16xi32>
        %gather3A_314 = tpu.vector_load_idx %arg15[%add3A_313] : memref<8192xf32, #tpu.memory_space<vmem>>[vector<16xi32>], vector<16xf32>,
        %add3A_315 = arith.constant 1 : i32
        %add3A_316 = vector.broadcast %add3A_315 : i32 to vector<16xi32>
        %add3A_317 = arith.addi %add3A_281, %add3A_316 : vector<16xi32>
        %gather3A_318 = tpu.vector_load_idx %arg17[%add3A_317] : memref<8192xf32, #tpu.memory_space<vmem>>[vector<16xi32>], vector<16xf32>,
        %sub3A_319 = arith.subf %gather3A_314, %gather3A_318 : vector<16xf32>
        %mul3A_320 = arith.mulf %unpack3A_294, %unpack3A_306 : vector<16xf32>
        %mul3A_321 = arith.mulf %unpack3A_295, %unpack3A_307 : vector<16xf32>
        %add3A_322 = arith.addf %mul3A_320, %mul3A_321 : vector<16xf32>
        %mul3A_323 = arith.mulf %unpack3A_298, %unpack3A_302 : vector<16xf32>
        %add3A_324 = arith.addf %add3A_322, %mul3A_323 : vector<16xf32>
        %mul3A_325 = arith.mulf %unpack3A_299, %unpack3A_303 : vector<16xf32>
        %add3A_326 = arith.addf %add3A_324, %mul3A_325 : vector<16xf32>
        %mul3A_327 = arith.mulf %unpack3A_295, %unpack3A_306 : vector<16xf32>
        %mul3A_328 = arith.mulf %unpack3A_294, %unpack3A_307 : vector<16xf32>
        %sub3A_329 = arith.subf %mul3A_327, %mul3A_328 : vector<16xf32>
        %mul3A_330 = arith.mulf %unpack3A_299, %unpack3A_302 : vector<16xf32>
        %add3A_331 = arith.addf %sub3A_329, %mul3A_330 : vector<16xf32>
        %mul3A_332 = arith.mulf %unpack3A_298, %unpack3A_303 : vector<16xf32>
        %sub3A_333 = arith.subf %add3A_331, %mul3A_332 : vector<16xf32>
        %sub3A_334 = arith.subf %sub3A_310, %add3A_326 : vector<16xf32>
        %sub3A_335 = arith.subf %sub3A_319, %sub3A_333 : vector<16xf32>
        %mul3A_336 = arith.mulf %sub3A_334, %sub3A_334 : vector<16xf32>
        %mul3A_337 = arith.mulf %sub3A_335, %sub3A_335 : vector<16xf32>
        %add3A_338 = arith.addf %mul3A_336, %mul3A_337 : vector<16xf32>
        %mul3A_339 = arith.constant 64 : i32
        %mul3A_340 = arith.muli %scan3A_212, %mul3A_339 : i32
        %add3A_341 = arith.constant 32 : i32
        %add3A_342 = arith.addi %mul3A_340, %add3A_341 : i32
        %mul3A_343 = arith.constant 2 : i32
        %mul3A_344 = arith.muli %mul3A_343, %add3A_342 : i32
        %add3A_345 = vector.broadcast %mul3A_344 : i32 to vector<16xi32>
        %add3A_346 = arith.addi %add3A_345, %mul3A_3 : vector<16xi32>
        %add3A_347 = arith.constant 0 : i32
        %add3A_348 = arith.addi %add3A_347, %add3A_342 : i32
        %get3A_349 = arith.index_cast %add3A_348 : i32 to index
        %get3A_350 = tpu.vector_load %arg8[%get3A_349] {strides = array<i32>} : memref<16384xi32, #tpu.memory_space<vmem>>, vector<16xi32>,
        %and3A_351 = arith.constant 65535 : i32
        %and3A_352 = vector.broadcast %and3A_351 : i32 to vector<16xi32>
        %and3A_353 = arith.andi %get3A_350, %and3A_352 : vector<16xi32>
        %shift_right_logical3A_354 = arith.constant 16 : i32
        %shift_right_logical3A_355 = vector.broadcast %shift_right_logical3A_354 : i32 to vector<16xi32>
        %shift_right_logical3A_356 = arith.shrui %get3A_350, %shift_right_logical3A_355 : vector<16xi32>
        %gather3A_357 = tpu.vector_load_idx %arg9[%and3A_353] : memref<4112xf32, #tpu.memory_space<vmem>>[vector<16xi32>], vector<16xf32>,
        %bitcast3A_358 = vector.bitcast %gather3A_357 : vector<16xf32> to vector<32xbf16>
        %unpack3A_359 = tpu.unpack_subelements %bitcast3A_358, 0 {pack_format = #tpu.pack_format<interleaved>} : vector<32xbf16> -> vector<16xf32>
        %unpack3A_360 = tpu.unpack_subelements %bitcast3A_358, 1 {pack_format = #tpu.pack_format<interleaved>} : vector<32xbf16> -> vector<16xf32>
        %gather3A_361 = tpu.vector_load_idx %arg10[%and3A_353] : memref<4112xf32, #tpu.memory_space<vmem>>[vector<16xi32>], vector<16xf32>,
        %bitcast3A_362 = vector.bitcast %gather3A_361 : vector<16xf32> to vector<32xbf16>
        %unpack3A_363 = tpu.unpack_subelements %bitcast3A_362, 0 {pack_format = #tpu.pack_format<interleaved>} : vector<32xbf16> -> vector<16xf32>
        %unpack3A_364 = tpu.unpack_subelements %bitcast3A_362, 1 {pack_format = #tpu.pack_format<interleaved>} : vector<32xbf16> -> vector<16xf32>
        %gather3A_365 = tpu.vector_load_idx %arg9[%shift_right_logical3A_356] : memref<4112xf32, #tpu.memory_space<vmem>>[vector<16xi32>], vector<16xf32>,
        %bitcast3A_366 = vector.bitcast %gather3A_365 : vector<16xf32> to vector<32xbf16>
        %unpack3A_367 = tpu.unpack_subelements %bitcast3A_366, 0 {pack_format = #tpu.pack_format<interleaved>} : vector<32xbf16> -> vector<16xf32>
        %unpack3A_368 = tpu.unpack_subelements %bitcast3A_366, 1 {pack_format = #tpu.pack_format<interleaved>} : vector<32xbf16> -> vector<16xf32>
        %gather3A_369 = tpu.vector_load_idx %arg10[%shift_right_logical3A_356] : memref<4112xf32, #tpu.memory_space<vmem>>[vector<16xi32>], vector<16xf32>,
        %bitcast3A_370 = vector.bitcast %gather3A_369 : vector<16xf32> to vector<32xbf16>
        %unpack3A_371 = tpu.unpack_subelements %bitcast3A_370, 0 {pack_format = #tpu.pack_format<interleaved>} : vector<32xbf16> -> vector<16xf32>
        %unpack3A_372 = tpu.unpack_subelements %bitcast3A_370, 1 {pack_format = #tpu.pack_format<interleaved>} : vector<32xbf16> -> vector<16xf32>
        %gather3A_373 = tpu.vector_load_idx %arg15[%add3A_346] : memref<8192xf32, #tpu.memory_space<vmem>>[vector<16xi32>], vector<16xf32>,
        %gather3A_374 = tpu.vector_load_idx %arg17[%add3A_346] : memref<8192xf32, #tpu.memory_space<vmem>>[vector<16xi32>], vector<16xf32>,
        %sub3A_375 = arith.subf %gather3A_373, %gather3A_374 : vector<16xf32>
        %add3A_376 = arith.constant 1 : i32
        %add3A_377 = vector.broadcast %add3A_376 : i32 to vector<16xi32>
        %add3A_378 = arith.addi %add3A_346, %add3A_377 : vector<16xi32>
        %gather3A_379 = tpu.vector_load_idx %arg15[%add3A_378] : memref<8192xf32, #tpu.memory_space<vmem>>[vector<16xi32>], vector<16xf32>,
        %add3A_380 = arith.constant 1 : i32
        %add3A_381 = vector.broadcast %add3A_380 : i32 to vector<16xi32>
        %add3A_382 = arith.addi %add3A_346, %add3A_381 : vector<16xi32>
        %gather3A_383 = tpu.vector_load_idx %arg17[%add3A_382] : memref<8192xf32, #tpu.memory_space<vmem>>[vector<16xi32>], vector<16xf32>,
        %sub3A_384 = arith.subf %gather3A_379, %gather3A_383 : vector<16xf32>
        %mul3A_385 = arith.mulf %unpack3A_359, %unpack3A_371 : vector<16xf32>
        %mul3A_386 = arith.mulf %unpack3A_360, %unpack3A_372 : vector<16xf32>
        %add3A_387 = arith.addf %mul3A_385, %mul3A_386 : vector<16xf32>
        %mul3A_388 = arith.mulf %unpack3A_363, %unpack3A_367 : vector<16xf32>
        %add3A_389 = arith.addf %add3A_387, %mul3A_388 : vector<16xf32>
        %mul3A_390 = arith.mulf %unpack3A_364, %unpack3A_368 : vector<16xf32>
        %add3A_391 = arith.addf %add3A_389, %mul3A_390 : vector<16xf32>
        %mul3A_392 = arith.mulf %unpack3A_360, %unpack3A_371 : vector<16xf32>
        %mul3A_393 = arith.mulf %unpack3A_359, %unpack3A_372 : vector<16xf32>
        %sub3A_394 = arith.subf %mul3A_392, %mul3A_393 : vector<16xf32>
        %mul3A_395 = arith.mulf %unpack3A_364, %unpack3A_367 : vector<16xf32>
        %add3A_396 = arith.addf %sub3A_394, %mul3A_395 : vector<16xf32>
        %mul3A_397 = arith.mulf %unpack3A_363, %unpack3A_368 : vector<16xf32>
        %sub3A_398 = arith.subf %add3A_396, %mul3A_397 : vector<16xf32>
        %sub3A_399 = arith.subf %sub3A_375, %add3A_391 : vector<16xf32>
        %sub3A_400 = arith.subf %sub3A_384, %sub3A_398 : vector<16xf32>
        %mul3A_401 = arith.mulf %sub3A_399, %sub3A_399 : vector<16xf32>
        %mul3A_402 = arith.mulf %sub3A_400, %sub3A_400 : vector<16xf32>
        %add3A_403 = arith.addf %mul3A_401, %mul3A_402 : vector<16xf32>
        %mul3A_404 = arith.constant 64 : i32
        %mul3A_405 = arith.muli %scan3A_212, %mul3A_404 : i32
        %add3A_406 = arith.constant 48 : i32
        %add3A_407 = arith.addi %mul3A_405, %add3A_406 : i32
        %mul3A_408 = arith.constant 2 : i32
        %mul3A_409 = arith.muli %mul3A_408, %add3A_407 : i32
        %add3A_410 = vector.broadcast %mul3A_409 : i32 to vector<16xi32>
        %add3A_411 = arith.addi %add3A_410, %mul3A_3 : vector<16xi32>
        %add3A_412 = arith.constant 0 : i32
        %add3A_413 = arith.addi %add3A_412, %add3A_407 : i32
        %get3A_414 = arith.index_cast %add3A_413 : i32 to index
        %get3A_415 = tpu.vector_load %arg8[%get3A_414] {strides = array<i32>} : memref<16384xi32, #tpu.memory_space<vmem>>, vector<16xi32>,
        %and3A_416 = arith.constant 65535 : i32
        %and3A_417 = vector.broadcast %and3A_416 : i32 to vector<16xi32>
        %and3A_418 = arith.andi %get3A_415, %and3A_417 : vector<16xi32>
        %shift_right_logical3A_419 = arith.constant 16 : i32
        %shift_right_logical3A_420 = vector.broadcast %shift_right_logical3A_419 : i32 to vector<16xi32>
        %shift_right_logical3A_421 = arith.shrui %get3A_415, %shift_right_logical3A_420 : vector<16xi32>
        %gather3A_422 = tpu.vector_load_idx %arg9[%and3A_418] : memref<4112xf32, #tpu.memory_space<vmem>>[vector<16xi32>], vector<16xf32>,
        %bitcast3A_423 = vector.bitcast %gather3A_422 : vector<16xf32> to vector<32xbf16>
        %unpack3A_424 = tpu.unpack_subelements %bitcast3A_423, 0 {pack_format = #tpu.pack_format<interleaved>} : vector<32xbf16> -> vector<16xf32>
        %unpack3A_425 = tpu.unpack_subelements %bitcast3A_423, 1 {pack_format = #tpu.pack_format<interleaved>} : vector<32xbf16> -> vector<16xf32>
        %gather3A_426 = tpu.vector_load_idx %arg10[%and3A_418] : memref<4112xf32, #tpu.memory_space<vmem>>[vector<16xi32>], vector<16xf32>,
        %bitcast3A_427 = vector.bitcast %gather3A_426 : vector<16xf32> to vector<32xbf16>
        %unpack3A_428 = tpu.unpack_subelements %bitcast3A_427, 0 {pack_format = #tpu.pack_format<interleaved>} : vector<32xbf16> -> vector<16xf32>
        %unpack3A_429 = tpu.unpack_subelements %bitcast3A_427, 1 {pack_format = #tpu.pack_format<interleaved>} : vector<32xbf16> -> vector<16xf32>
        %gather3A_430 = tpu.vector_load_idx %arg9[%shift_right_logical3A_421] : memref<4112xf32, #tpu.memory_space<vmem>>[vector<16xi32>], vector<16xf32>,
        %bitcast3A_431 = vector.bitcast %gather3A_430 : vector<16xf32> to vector<32xbf16>
        %unpack3A_432 = tpu.unpack_subelements %bitcast3A_431, 0 {pack_format = #tpu.pack_format<interleaved>} : vector<32xbf16> -> vector<16xf32>
        %unpack3A_433 = tpu.unpack_subelements %bitcast3A_431, 1 {pack_format = #tpu.pack_format<interleaved>} : vector<32xbf16> -> vector<16xf32>
        %gather3A_434 = tpu.vector_load_idx %arg10[%shift_right_logical3A_421] : memref<4112xf32, #tpu.memory_space<vmem>>[vector<16xi32>], vector<16xf32>,
        %bitcast3A_435 = vector.bitcast %gather3A_434 : vector<16xf32> to vector<32xbf16>
        %unpack3A_436 = tpu.unpack_subelements %bitcast3A_435, 0 {pack_format = #tpu.pack_format<interleaved>} : vector<32xbf16> -> vector<16xf32>
        %unpack3A_437 = tpu.unpack_subelements %bitcast3A_435, 1 {pack_format = #tpu.pack_format<interleaved>} : vector<32xbf16> -> vector<16xf32>
        %gather3A_438 = tpu.vector_load_idx %arg15[%add3A_411] : memref<8192xf32, #tpu.memory_space<vmem>>[vector<16xi32>], vector<16xf32>,
        %gather3A_439 = tpu.vector_load_idx %arg17[%add3A_411] : memref<8192xf32, #tpu.memory_space<vmem>>[vector<16xi32>], vector<16xf32>,
        %sub3A_440 = arith.subf %gather3A_438, %gather3A_439 : vector<16xf32>
        %add3A_441 = arith.constant 1 : i32
        %add3A_442 = vector.broadcast %add3A_441 : i32 to vector<16xi32>
        %add3A_443 = arith.addi %add3A_411, %add3A_442 : vector<16xi32>
        %gather3A_444 = tpu.vector_load_idx %arg15[%add3A_443] : memref<8192xf32, #tpu.memory_space<vmem>>[vector<16xi32>], vector<16xf32>,
        %add3A_445 = arith.constant 1 : i32
        %add3A_446 = vector.broadcast %add3A_445 : i32 to vector<16xi32>
        %add3A_447 = arith.addi %add3A_411, %add3A_446 : vector<16xi32>
        %gather3A_448 = tpu.vector_load_idx %arg17[%add3A_447] : memref<8192xf32, #tpu.memory_space<vmem>>[vector<16xi32>], vector<16xf32>,
        %sub3A_449 = arith.subf %gather3A_444, %gather3A_448 : vector<16xf32>
        %mul3A_450 = arith.mulf %unpack3A_424, %unpack3A_436 : vector<16xf32>
        %mul3A_451 = arith.mulf %unpack3A_425, %unpack3A_437 : vector<16xf32>
        %add3A_452 = arith.addf %mul3A_450, %mul3A_451 : vector<16xf32>
        %mul3A_453 = arith.mulf %unpack3A_428, %unpack3A_432 : vector<16xf32>
        %add3A_454 = arith.addf %add3A_452, %mul3A_453 : vector<16xf32>
        %mul3A_455 = arith.mulf %unpack3A_429, %unpack3A_433 : vector<16xf32>
        %add3A_456 = arith.addf %add3A_454, %mul3A_455 : vector<16xf32>
        %mul3A_457 = arith.mulf %unpack3A_425, %unpack3A_436 : vector<16xf32>
        %mul3A_458 = arith.mulf %unpack3A_424, %unpack3A_437 : vector<16xf32>
        %sub3A_459 = arith.subf %mul3A_457, %mul3A_458 : vector<16xf32>
        %mul3A_460 = arith.mulf %unpack3A_429, %unpack3A_432 : vector<16xf32>
        %add3A_461 = arith.addf %sub3A_459, %mul3A_460 : vector<16xf32>
        %mul3A_462 = arith.mulf %unpack3A_428, %unpack3A_433 : vector<16xf32>
        %sub3A_463 = arith.subf %add3A_461, %mul3A_462 : vector<16xf32>
        %sub3A_464 = arith.subf %sub3A_440, %add3A_456 : vector<16xf32>
        %sub3A_465 = arith.subf %sub3A_449, %sub3A_463 : vector<16xf32>
        %mul3A_466 = arith.mulf %sub3A_464, %sub3A_464 : vector<16xf32>
        %mul3A_467 = arith.mulf %sub3A_465, %sub3A_465 : vector<16xf32>
        %add3A_468 = arith.addf %mul3A_466, %mul3A_467 : vector<16xf32>
        %add3A_469 = arith.addf %add3A_273, %add3A_338 : vector<16xf32>
        %add3A_470 = arith.addf %add3A_403, %add3A_468 : vector<16xf32>
        %add3A_471 = arith.addf %add3A_469, %add3A_470 : vector<16xf32>
        %add3A_472 = arith.addf %scan3A_213, %add3A_471 : vector<16xf32>
        scf.yield %add3A_472 : vector<16xf32>
      }
      %scan3A_133 = arith.constant 64 : i32
      %dma_start3A_134 = arith.constant 32768 : i32
      %dma_start3A_135 = tpu.memref_slice %arg2[%select_n3A, %select_n3A_63, %dma_start3A_134] : memref<32x8x81920xf32, #tpu.memory_space<hbm>> -> memref<1x1x8192xf32, #tpu.memory_space<hbm>>
      %dma_start3A_136 = tpu.memref_squeeze %dma_start3A_135 : memref<1x1x8192xf32, #tpu.memory_space<hbm>> -> memref<8192xf32, #tpu.memory_space<hbm>>
      %dma_start3A_137 = arith.constant 32768 : i32
      %dma_start3A_138 = tpu.memref_slice %arg2[%select_n3A, %select_n3A_63, %dma_start3A_137] : memref<32x8x81920xf32, #tpu.memory_space<hbm>> -> memref<1x1x8192xf32, #tpu.memory_space<hbm>>
      %dma_start3A_139 = tpu.memref_squeeze %dma_start3A_138 : memref<1x1x8192xf32, #tpu.memory_space<hbm>> -> memref<8192xf32, #tpu.memory_space<hbm>>
      tpu.enqueue_dma source(%dma_start3A_139 : memref<8192xf32, #tpu.memory_space<hbm>>) target(%arg15 : memref<8192xf32, #tpu.memory_space<vmem>>) target_semaphore(%arg21 : memref<!tpu.dma_semaphore, #tpu.memory_space<semaphore_mem>>)
      %dma_start3A_140 = arith.constant 65536 : i32
      %dma_start3A_141 = tpu.memref_slice %arg2[%select_n3A, %select_n3A_63, %dma_start3A_140] : memref<32x8x81920xf32, #tpu.memory_space<hbm>> -> memref<1x1x8192xf32, #tpu.memory_space<hbm>>
      %dma_start3A_142 = tpu.memref_squeeze %dma_start3A_141 : memref<1x1x8192xf32, #tpu.memory_space<hbm>> -> memref<8192xf32, #tpu.memory_space<hbm>>
      %dma_start3A_143 = arith.constant 65536 : i32
      %dma_start3A_144 = tpu.memref_slice %arg2[%select_n3A, %select_n3A_63, %dma_start3A_143] : memref<32x8x81920xf32, #tpu.memory_space<hbm>> -> memref<1x1x8192xf32, #tpu.memory_space<hbm>>
      %dma_start3A_145 = tpu.memref_squeeze %dma_start3A_144 : memref<1x1x8192xf32, #tpu.memory_space<hbm>> -> memref<8192xf32, #tpu.memory_space<hbm>>
      tpu.enqueue_dma source(%dma_start3A_145 : memref<8192xf32, #tpu.memory_space<hbm>>) target(%arg17 : memref<8192xf32, #tpu.memory_space<vmem>>) target_semaphore(%arg21 : memref<!tpu.dma_semaphore, #tpu.memory_space<semaphore_mem>>)
      %dma_wait3A_146 = arith.constant 24576 : i32
      %dma_wait3A_147 = tpu.memref_slice %arg2[%select_n3A, %select_n3A_63, %dma_wait3A_146] : memref<32x8x81920xf32, #tpu.memory_space<hbm>> -> memref<1x1x8192xf32, #tpu.memory_space<hbm>>
      %dma_wait3A_148 = tpu.memref_squeeze %dma_wait3A_147 : memref<1x1x8192xf32, #tpu.memory_space<hbm>> -> memref<8192xf32, #tpu.memory_space<hbm>>
      %dma_wait3A_149 = arith.constant 24576 : i32
      %dma_wait3A_150 = tpu.memref_slice %arg2[%select_n3A, %select_n3A_63, %dma_wait3A_149] : memref<32x8x81920xf32, #tpu.memory_space<hbm>> -> memref<1x1x8192xf32, #tpu.memory_space<hbm>>
      %dma_wait3A_151 = tpu.memref_squeeze %dma_wait3A_150 : memref<1x1x8192xf32, #tpu.memory_space<hbm>> -> memref<8192xf32, #tpu.memory_space<hbm>>
      tpu.wait_dma2 semaphore(%arg22 : memref<!tpu.dma_semaphore, #tpu.memory_space<semaphore_mem>>) src(%dma_wait3A_151 : memref<8192xf32, #tpu.memory_space<hbm>>) dst(%arg16 : memref<8192xf32, #tpu.memory_space<vmem>>)
      %dma_wait3A_152 = arith.constant 57344 : i32
      %dma_wait3A_153 = tpu.memref_slice %arg2[%select_n3A, %select_n3A_63, %dma_wait3A_152] : memref<32x8x81920xf32, #tpu.memory_space<hbm>> -> memref<1x1x8192xf32, #tpu.memory_space<hbm>>
      %dma_wait3A_154 = tpu.memref_squeeze %dma_wait3A_153 : memref<1x1x8192xf32, #tpu.memory_space<hbm>> -> memref<8192xf32, #tpu.memory_space<hbm>>
      %dma_wait3A_155 = arith.constant 57344 : i32
      %dma_wait3A_156 = tpu.memref_slice %arg2[%select_n3A, %select_n3A_63, %dma_wait3A_155] : memref<32x8x81920xf32, #tpu.memory_space<hbm>> -> memref<1x1x8192xf32, #tpu.memory_space<hbm>>
      %dma_wait3A_157 = tpu.memref_squeeze %dma_wait3A_156 : memref<1x1x8192xf32, #tpu.memory_space<hbm>> -> memref<8192xf32, #tpu.memory_space<hbm>>
      tpu.wait_dma2 semaphore(%arg22 : memref<!tpu.dma_semaphore, #tpu.memory_space<semaphore_mem>>) src(%dma_wait3A_157 : memref<8192xf32, #tpu.memory_space<hbm>>) dst(%arg18 : memref<8192xf32, #tpu.memory_space<vmem>>)
      %scan3A_158 = arith.constant 0 : i32
      %scan3A_159 = arith.constant 64 : i32
      %scan3A_160 = arith.addi %scan3A_158, %scan3A_159 : i32
      %scan3A_161 = arith.constant 1 : i32
      %scan3A_162 = scf.for %scan3A_212 = %scan3A_158 to %scan3A_160 step %scan3A_161 iter_args(%scan3A_213 = %scan3A_132) -> (vector<16xf32>)  : i32 {
        %mul3A_214 = arith.constant 64 : i32
        %mul3A_215 = arith.muli %scan3A_212, %mul3A_214 : i32
        %add3A_216 = arith.constant 0 : i32
        %add3A_217 = arith.addi %mul3A_215, %add3A_216 : i32
        %mul3A_218 = arith.constant 2 : i32
        %mul3A_219 = arith.muli %mul3A_218, %add3A_217 : i32
        %add3A_220 = vector.broadcast %mul3A_219 : i32 to vector<16xi32>
        %add3A_221 = arith.addi %add3A_220, %mul3A_3 : vector<16xi32>
        %add3A_222 = arith.constant 4096 : i32
        %add3A_223 = arith.addi %add3A_222, %add3A_217 : i32
        %get3A = arith.index_cast %add3A_223 : i32 to index
        %get3A_224 = tpu.vector_load %arg8[%get3A] {strides = array<i32>} : memref<16384xi32, #tpu.memory_space<vmem>>, vector<16xi32>,
        %and3A_225 = arith.constant 65535 : i32
        %and3A_226 = vector.broadcast %and3A_225 : i32 to vector<16xi32>
        %and3A_227 = arith.andi %get3A_224, %and3A_226 : vector<16xi32>
        %shift_right_logical3A = arith.constant 16 : i32
        %shift_right_logical3A_228 = vector.broadcast %shift_right_logical3A : i32 to vector<16xi32>
        %shift_right_logical3A_229 = arith.shrui %get3A_224, %shift_right_logical3A_228 : vector<16xi32>
        %gather3A = tpu.vector_load_idx %arg9[%and3A_227] : memref<4112xf32, #tpu.memory_space<vmem>>[vector<16xi32>], vector<16xf32>,
        %bitcast3A = vector.bitcast %gather3A : vector<16xf32> to vector<32xbf16>
        %unpack3A = tpu.unpack_subelements %bitcast3A, 0 {pack_format = #tpu.pack_format<interleaved>} : vector<32xbf16> -> vector<16xf32>
        %unpack3A_230 = tpu.unpack_subelements %bitcast3A, 1 {pack_format = #tpu.pack_format<interleaved>} : vector<32xbf16> -> vector<16xf32>
        %gather3A_231 = tpu.vector_load_idx %arg10[%and3A_227] : memref<4112xf32, #tpu.memory_space<vmem>>[vector<16xi32>], vector<16xf32>,
        %bitcast3A_232 = vector.bitcast %gather3A_231 : vector<16xf32> to vector<32xbf16>
        %unpack3A_233 = tpu.unpack_subelements %bitcast3A_232, 0 {pack_format = #tpu.pack_format<interleaved>} : vector<32xbf16> -> vector<16xf32>
        %unpack3A_234 = tpu.unpack_subelements %bitcast3A_232, 1 {pack_format = #tpu.pack_format<interleaved>} : vector<32xbf16> -> vector<16xf32>
        %gather3A_235 = tpu.vector_load_idx %arg9[%shift_right_logical3A_229] : memref<4112xf32, #tpu.memory_space<vmem>>[vector<16xi32>], vector<16xf32>,
        %bitcast3A_236 = vector.bitcast %gather3A_235 : vector<16xf32> to vector<32xbf16>
        %unpack3A_237 = tpu.unpack_subelements %bitcast3A_236, 0 {pack_format = #tpu.pack_format<interleaved>} : vector<32xbf16> -> vector<16xf32>
        %unpack3A_238 = tpu.unpack_subelements %bitcast3A_236, 1 {pack_format = #tpu.pack_format<interleaved>} : vector<32xbf16> -> vector<16xf32>
        %gather3A_239 = tpu.vector_load_idx %arg10[%shift_right_logical3A_229] : memref<4112xf32, #tpu.memory_space<vmem>>[vector<16xi32>], vector<16xf32>,
        %bitcast3A_240 = vector.bitcast %gather3A_239 : vector<16xf32> to vector<32xbf16>
        %unpack3A_241 = tpu.unpack_subelements %bitcast3A_240, 0 {pack_format = #tpu.pack_format<interleaved>} : vector<32xbf16> -> vector<16xf32>
        %unpack3A_242 = tpu.unpack_subelements %bitcast3A_240, 1 {pack_format = #tpu.pack_format<interleaved>} : vector<32xbf16> -> vector<16xf32>
        %gather3A_243 = tpu.vector_load_idx %arg16[%add3A_221] : memref<8192xf32, #tpu.memory_space<vmem>>[vector<16xi32>], vector<16xf32>,
        %gather3A_244 = tpu.vector_load_idx %arg18[%add3A_221] : memref<8192xf32, #tpu.memory_space<vmem>>[vector<16xi32>], vector<16xf32>,
        %sub3A_245 = arith.subf %gather3A_243, %gather3A_244 : vector<16xf32>
        %add3A_246 = arith.constant 1 : i32
        %add3A_247 = vector.broadcast %add3A_246 : i32 to vector<16xi32>
        %add3A_248 = arith.addi %add3A_221, %add3A_247 : vector<16xi32>
        %gather3A_249 = tpu.vector_load_idx %arg16[%add3A_248] : memref<8192xf32, #tpu.memory_space<vmem>>[vector<16xi32>], vector<16xf32>,
        %add3A_250 = arith.constant 1 : i32
        %add3A_251 = vector.broadcast %add3A_250 : i32 to vector<16xi32>
        %add3A_252 = arith.addi %add3A_221, %add3A_251 : vector<16xi32>
        %gather3A_253 = tpu.vector_load_idx %arg18[%add3A_252] : memref<8192xf32, #tpu.memory_space<vmem>>[vector<16xi32>], vector<16xf32>,
        %sub3A_254 = arith.subf %gather3A_249, %gather3A_253 : vector<16xf32>
        %mul3A_255 = arith.mulf %unpack3A, %unpack3A_241 : vector<16xf32>
        %mul3A_256 = arith.mulf %unpack3A_230, %unpack3A_242 : vector<16xf32>
        %add3A_257 = arith.addf %mul3A_255, %mul3A_256 : vector<16xf32>
        %mul3A_258 = arith.mulf %unpack3A_233, %unpack3A_237 : vector<16xf32>
        %add3A_259 = arith.addf %add3A_257, %mul3A_258 : vector<16xf32>
        %mul3A_260 = arith.mulf %unpack3A_234, %unpack3A_238 : vector<16xf32>
        %add3A_261 = arith.addf %add3A_259, %mul3A_260 : vector<16xf32>
        %mul3A_262 = arith.mulf %unpack3A_230, %unpack3A_241 : vector<16xf32>
        %mul3A_263 = arith.mulf %unpack3A, %unpack3A_242 : vector<16xf32>
        %sub3A_264 = arith.subf %mul3A_262, %mul3A_263 : vector<16xf32>
        %mul3A_265 = arith.mulf %unpack3A_234, %unpack3A_237 : vector<16xf32>
        %add3A_266 = arith.addf %sub3A_264, %mul3A_265 : vector<16xf32>
        %mul3A_267 = arith.mulf %unpack3A_233, %unpack3A_238 : vector<16xf32>
        %sub3A_268 = arith.subf %add3A_266, %mul3A_267 : vector<16xf32>
        %sub3A_269 = arith.subf %sub3A_245, %add3A_261 : vector<16xf32>
        %sub3A_270 = arith.subf %sub3A_254, %sub3A_268 : vector<16xf32>
        %mul3A_271 = arith.mulf %sub3A_269, %sub3A_269 : vector<16xf32>
        %mul3A_272 = arith.mulf %sub3A_270, %sub3A_270 : vector<16xf32>
        %add3A_273 = arith.addf %mul3A_271, %mul3A_272 : vector<16xf32>
        %mul3A_274 = arith.constant 64 : i32
        %mul3A_275 = arith.muli %scan3A_212, %mul3A_274 : i32
        %add3A_276 = arith.constant 16 : i32
        %add3A_277 = arith.addi %mul3A_275, %add3A_276 : i32
        %mul3A_278 = arith.constant 2 : i32
        %mul3A_279 = arith.muli %mul3A_278, %add3A_277 : i32
        %add3A_280 = vector.broadcast %mul3A_279 : i32 to vector<16xi32>
        %add3A_281 = arith.addi %add3A_280, %mul3A_3 : vector<16xi32>
        %add3A_282 = arith.constant 4096 : i32
        %add3A_283 = arith.addi %add3A_282, %add3A_277 : i32
        %get3A_284 = arith.index_cast %add3A_283 : i32 to index
        %get3A_285 = tpu.vector_load %arg8[%get3A_284] {strides = array<i32>} : memref<16384xi32, #tpu.memory_space<vmem>>, vector<16xi32>,
        %and3A_286 = arith.constant 65535 : i32
        %and3A_287 = vector.broadcast %and3A_286 : i32 to vector<16xi32>
        %and3A_288 = arith.andi %get3A_285, %and3A_287 : vector<16xi32>
        %shift_right_logical3A_289 = arith.constant 16 : i32
        %shift_right_logical3A_290 = vector.broadcast %shift_right_logical3A_289 : i32 to vector<16xi32>
        %shift_right_logical3A_291 = arith.shrui %get3A_285, %shift_right_logical3A_290 : vector<16xi32>
        %gather3A_292 = tpu.vector_load_idx %arg9[%and3A_288] : memref<4112xf32, #tpu.memory_space<vmem>>[vector<16xi32>], vector<16xf32>,
        %bitcast3A_293 = vector.bitcast %gather3A_292 : vector<16xf32> to vector<32xbf16>
        %unpack3A_294 = tpu.unpack_subelements %bitcast3A_293, 0 {pack_format = #tpu.pack_format<interleaved>} : vector<32xbf16> -> vector<16xf32>
        %unpack3A_295 = tpu.unpack_subelements %bitcast3A_293, 1 {pack_format = #tpu.pack_format<interleaved>} : vector<32xbf16> -> vector<16xf32>
        %gather3A_296 = tpu.vector_load_idx %arg10[%and3A_288] : memref<4112xf32, #tpu.memory_space<vmem>>[vector<16xi32>], vector<16xf32>,
        %bitcast3A_297 = vector.bitcast %gather3A_296 : vector<16xf32> to vector<32xbf16>
        %unpack3A_298 = tpu.unpack_subelements %bitcast3A_297, 0 {pack_format = #tpu.pack_format<interleaved>} : vector<32xbf16> -> vector<16xf32>
        %unpack3A_299 = tpu.unpack_subelements %bitcast3A_297, 1 {pack_format = #tpu.pack_format<interleaved>} : vector<32xbf16> -> vector<16xf32>
        %gather3A_300 = tpu.vector_load_idx %arg9[%shift_right_logical3A_291] : memref<4112xf32, #tpu.memory_space<vmem>>[vector<16xi32>], vector<16xf32>,
        %bitcast3A_301 = vector.bitcast %gather3A_300 : vector<16xf32> to vector<32xbf16>
        %unpack3A_302 = tpu.unpack_subelements %bitcast3A_301, 0 {pack_format = #tpu.pack_format<interleaved>} : vector<32xbf16> -> vector<16xf32>
        %unpack3A_303 = tpu.unpack_subelements %bitcast3A_301, 1 {pack_format = #tpu.pack_format<interleaved>} : vector<32xbf16> -> vector<16xf32>
        %gather3A_304 = tpu.vector_load_idx %arg10[%shift_right_logical3A_291] : memref<4112xf32, #tpu.memory_space<vmem>>[vector<16xi32>], vector<16xf32>,
        %bitcast3A_305 = vector.bitcast %gather3A_304 : vector<16xf32> to vector<32xbf16>
        %unpack3A_306 = tpu.unpack_subelements %bitcast3A_305, 0 {pack_format = #tpu.pack_format<interleaved>} : vector<32xbf16> -> vector<16xf32>
        %unpack3A_307 = tpu.unpack_subelements %bitcast3A_305, 1 {pack_format = #tpu.pack_format<interleaved>} : vector<32xbf16> -> vector<16xf32>
        %gather3A_308 = tpu.vector_load_idx %arg16[%add3A_281] : memref<8192xf32, #tpu.memory_space<vmem>>[vector<16xi32>], vector<16xf32>,
        %gather3A_309 = tpu.vector_load_idx %arg18[%add3A_281] : memref<8192xf32, #tpu.memory_space<vmem>>[vector<16xi32>], vector<16xf32>,
        %sub3A_310 = arith.subf %gather3A_308, %gather3A_309 : vector<16xf32>
        %add3A_311 = arith.constant 1 : i32
        %add3A_312 = vector.broadcast %add3A_311 : i32 to vector<16xi32>
        %add3A_313 = arith.addi %add3A_281, %add3A_312 : vector<16xi32>
        %gather3A_314 = tpu.vector_load_idx %arg16[%add3A_313] : memref<8192xf32, #tpu.memory_space<vmem>>[vector<16xi32>], vector<16xf32>,
        %add3A_315 = arith.constant 1 : i32
        %add3A_316 = vector.broadcast %add3A_315 : i32 to vector<16xi32>
        %add3A_317 = arith.addi %add3A_281, %add3A_316 : vector<16xi32>
        %gather3A_318 = tpu.vector_load_idx %arg18[%add3A_317] : memref<8192xf32, #tpu.memory_space<vmem>>[vector<16xi32>], vector<16xf32>,
        %sub3A_319 = arith.subf %gather3A_314, %gather3A_318 : vector<16xf32>
        %mul3A_320 = arith.mulf %unpack3A_294, %unpack3A_306 : vector<16xf32>
        %mul3A_321 = arith.mulf %unpack3A_295, %unpack3A_307 : vector<16xf32>
        %add3A_322 = arith.addf %mul3A_320, %mul3A_321 : vector<16xf32>
        %mul3A_323 = arith.mulf %unpack3A_298, %unpack3A_302 : vector<16xf32>
        %add3A_324 = arith.addf %add3A_322, %mul3A_323 : vector<16xf32>
        %mul3A_325 = arith.mulf %unpack3A_299, %unpack3A_303 : vector<16xf32>
        %add3A_326 = arith.addf %add3A_324, %mul3A_325 : vector<16xf32>
        %mul3A_327 = arith.mulf %unpack3A_295, %unpack3A_306 : vector<16xf32>
        %mul3A_328 = arith.mulf %unpack3A_294, %unpack3A_307 : vector<16xf32>
        %sub3A_329 = arith.subf %mul3A_327, %mul3A_328 : vector<16xf32>
        %mul3A_330 = arith.mulf %unpack3A_299, %unpack3A_302 : vector<16xf32>
        %add3A_331 = arith.addf %sub3A_329, %mul3A_330 : vector<16xf32>
        %mul3A_332 = arith.mulf %unpack3A_298, %unpack3A_303 : vector<16xf32>
        %sub3A_333 = arith.subf %add3A_331, %mul3A_332 : vector<16xf32>
        %sub3A_334 = arith.subf %sub3A_310, %add3A_326 : vector<16xf32>
        %sub3A_335 = arith.subf %sub3A_319, %sub3A_333 : vector<16xf32>
        %mul3A_336 = arith.mulf %sub3A_334, %sub3A_334 : vector<16xf32>
        %mul3A_337 = arith.mulf %sub3A_335, %sub3A_335 : vector<16xf32>
        %add3A_338 = arith.addf %mul3A_336, %mul3A_337 : vector<16xf32>
        %mul3A_339 = arith.constant 64 : i32
        %mul3A_340 = arith.muli %scan3A_212, %mul3A_339 : i32
        %add3A_341 = arith.constant 32 : i32
        %add3A_342 = arith.addi %mul3A_340, %add3A_341 : i32
        %mul3A_343 = arith.constant 2 : i32
        %mul3A_344 = arith.muli %mul3A_343, %add3A_342 : i32
        %add3A_345 = vector.broadcast %mul3A_344 : i32 to vector<16xi32>
        %add3A_346 = arith.addi %add3A_345, %mul3A_3 : vector<16xi32>
        %add3A_347 = arith.constant 4096 : i32
        %add3A_348 = arith.addi %add3A_347, %add3A_342 : i32
        %get3A_349 = arith.index_cast %add3A_348 : i32 to index
        %get3A_350 = tpu.vector_load %arg8[%get3A_349] {strides = array<i32>} : memref<16384xi32, #tpu.memory_space<vmem>>, vector<16xi32>,
        %and3A_351 = arith.constant 65535 : i32
        %and3A_352 = vector.broadcast %and3A_351 : i32 to vector<16xi32>
        %and3A_353 = arith.andi %get3A_350, %and3A_352 : vector<16xi32>
        %shift_right_logical3A_354 = arith.constant 16 : i32
        %shift_right_logical3A_355 = vector.broadcast %shift_right_logical3A_354 : i32 to vector<16xi32>
        %shift_right_logical3A_356 = arith.shrui %get3A_350, %shift_right_logical3A_355 : vector<16xi32>
        %gather3A_357 = tpu.vector_load_idx %arg9[%and3A_353] : memref<4112xf32, #tpu.memory_space<vmem>>[vector<16xi32>], vector<16xf32>,
        %bitcast3A_358 = vector.bitcast %gather3A_357 : vector<16xf32> to vector<32xbf16>
        %unpack3A_359 = tpu.unpack_subelements %bitcast3A_358, 0 {pack_format = #tpu.pack_format<interleaved>} : vector<32xbf16> -> vector<16xf32>
        %unpack3A_360 = tpu.unpack_subelements %bitcast3A_358, 1 {pack_format = #tpu.pack_format<interleaved>} : vector<32xbf16> -> vector<16xf32>
        %gather3A_361 = tpu.vector_load_idx %arg10[%and3A_353] : memref<4112xf32, #tpu.memory_space<vmem>>[vector<16xi32>], vector<16xf32>,
        %bitcast3A_362 = vector.bitcast %gather3A_361 : vector<16xf32> to vector<32xbf16>
        %unpack3A_363 = tpu.unpack_subelements %bitcast3A_362, 0 {pack_format = #tpu.pack_format<interleaved>} : vector<32xbf16> -> vector<16xf32>
        %unpack3A_364 = tpu.unpack_subelements %bitcast3A_362, 1 {pack_format = #tpu.pack_format<interleaved>} : vector<32xbf16> -> vector<16xf32>
        %gather3A_365 = tpu.vector_load_idx %arg9[%shift_right_logical3A_356] : memref<4112xf32, #tpu.memory_space<vmem>>[vector<16xi32>], vector<16xf32>,
        %bitcast3A_366 = vector.bitcast %gather3A_365 : vector<16xf32> to vector<32xbf16>
        %unpack3A_367 = tpu.unpack_subelements %bitcast3A_366, 0 {pack_format = #tpu.pack_format<interleaved>} : vector<32xbf16> -> vector<16xf32>
        %unpack3A_368 = tpu.unpack_subelements %bitcast3A_366, 1 {pack_format = #tpu.pack_format<interleaved>} : vector<32xbf16> -> vector<16xf32>
        %gather3A_369 = tpu.vector_load_idx %arg10[%shift_right_logical3A_356] : memref<4112xf32, #tpu.memory_space<vmem>>[vector<16xi32>], vector<16xf32>,
        %bitcast3A_370 = vector.bitcast %gather3A_369 : vector<16xf32> to vector<32xbf16>
        %unpack3A_371 = tpu.unpack_subelements %bitcast3A_370, 0 {pack_format = #tpu.pack_format<interleaved>} : vector<32xbf16> -> vector<16xf32>
        %unpack3A_372 = tpu.unpack_subelements %bitcast3A_370, 1 {pack_format = #tpu.pack_format<interleaved>} : vector<32xbf16> -> vector<16xf32>
        %gather3A_373 = tpu.vector_load_idx %arg16[%add3A_346] : memref<8192xf32, #tpu.memory_space<vmem>>[vector<16xi32>], vector<16xf32>,
        %gather3A_374 = tpu.vector_load_idx %arg18[%add3A_346] : memref<8192xf32, #tpu.memory_space<vmem>>[vector<16xi32>], vector<16xf32>,
        %sub3A_375 = arith.subf %gather3A_373, %gather3A_374 : vector<16xf32>
        %add3A_376 = arith.constant 1 : i32
        %add3A_377 = vector.broadcast %add3A_376 : i32 to vector<16xi32>
        %add3A_378 = arith.addi %add3A_346, %add3A_377 : vector<16xi32>
        %gather3A_379 = tpu.vector_load_idx %arg16[%add3A_378] : memref<8192xf32, #tpu.memory_space<vmem>>[vector<16xi32>], vector<16xf32>,
        %add3A_380 = arith.constant 1 : i32
        %add3A_381 = vector.broadcast %add3A_380 : i32 to vector<16xi32>
        %add3A_382 = arith.addi %add3A_346, %add3A_381 : vector<16xi32>
        %gather3A_383 = tpu.vector_load_idx %arg18[%add3A_382] : memref<8192xf32, #tpu.memory_space<vmem>>[vector<16xi32>], vector<16xf32>,
        %sub3A_384 = arith.subf %gather3A_379, %gather3A_383 : vector<16xf32>
        %mul3A_385 = arith.mulf %unpack3A_359, %unpack3A_371 : vector<16xf32>
        %mul3A_386 = arith.mulf %unpack3A_360, %unpack3A_372 : vector<16xf32>
        %add3A_387 = arith.addf %mul3A_385, %mul3A_386 : vector<16xf32>
        %mul3A_388 = arith.mulf %unpack3A_363, %unpack3A_367 : vector<16xf32>
        %add3A_389 = arith.addf %add3A_387, %mul3A_388 : vector<16xf32>
        %mul3A_390 = arith.mulf %unpack3A_364, %unpack3A_368 : vector<16xf32>
        %add3A_391 = arith.addf %add3A_389, %mul3A_390 : vector<16xf32>
        %mul3A_392 = arith.mulf %unpack3A_360, %unpack3A_371 : vector<16xf32>
        %mul3A_393 = arith.mulf %unpack3A_359, %unpack3A_372 : vector<16xf32>
        %sub3A_394 = arith.subf %mul3A_392, %mul3A_393 : vector<16xf32>
        %mul3A_395 = arith.mulf %unpack3A_364, %unpack3A_367 : vector<16xf32>
        %add3A_396 = arith.addf %sub3A_394, %mul3A_395 : vector<16xf32>
        %mul3A_397 = arith.mulf %unpack3A_363, %unpack3A_368 : vector<16xf32>
        %sub3A_398 = arith.subf %add3A_396, %mul3A_397 : vector<16xf32>
        %sub3A_399 = arith.subf %sub3A_375, %add3A_391 : vector<16xf32>
        %sub3A_400 = arith.subf %sub3A_384, %sub3A_398 : vector<16xf32>
        %mul3A_401 = arith.mulf %sub3A_399, %sub3A_399 : vector<16xf32>
        %mul3A_402 = arith.mulf %sub3A_400, %sub3A_400 : vector<16xf32>
        %add3A_403 = arith.addf %mul3A_401, %mul3A_402 : vector<16xf32>
        %mul3A_404 = arith.constant 64 : i32
        %mul3A_405 = arith.muli %scan3A_212, %mul3A_404 : i32
        %add3A_406 = arith.constant 48 : i32
        %add3A_407 = arith.addi %mul3A_405, %add3A_406 : i32
        %mul3A_408 = arith.constant 2 : i32
        %mul3A_409 = arith.muli %mul3A_408, %add3A_407 : i32
        %add3A_410 = vector.broadcast %mul3A_409 : i32 to vector<16xi32>
        %add3A_411 = arith.addi %add3A_410, %mul3A_3 : vector<16xi32>
        %add3A_412 = arith.constant 4096 : i32
        %add3A_413 = arith.addi %add3A_412, %add3A_407 : i32
        %get3A_414 = arith.index_cast %add3A_413 : i32 to index
        %get3A_415 = tpu.vector_load %arg8[%get3A_414] {strides = array<i32>} : memref<16384xi32, #tpu.memory_space<vmem>>, vector<16xi32>,
        %and3A_416 = arith.constant 65535 : i32
        %and3A_417 = vector.broadcast %and3A_416 : i32 to vector<16xi32>
        %and3A_418 = arith.andi %get3A_415, %and3A_417 : vector<16xi32>
        %shift_right_logical3A_419 = arith.constant 16 : i32
        %shift_right_logical3A_420 = vector.broadcast %shift_right_logical3A_419 : i32 to vector<16xi32>
        %shift_right_logical3A_421 = arith.shrui %get3A_415, %shift_right_logical3A_420 : vector<16xi32>
        %gather3A_422 = tpu.vector_load_idx %arg9[%and3A_418] : memref<4112xf32, #tpu.memory_space<vmem>>[vector<16xi32>], vector<16xf32>,
        %bitcast3A_423 = vector.bitcast %gather3A_422 : vector<16xf32> to vector<32xbf16>
        %unpack3A_424 = tpu.unpack_subelements %bitcast3A_423, 0 {pack_format = #tpu.pack_format<interleaved>} : vector<32xbf16> -> vector<16xf32>
        %unpack3A_425 = tpu.unpack_subelements %bitcast3A_423, 1 {pack_format = #tpu.pack_format<interleaved>} : vector<32xbf16> -> vector<16xf32>
        %gather3A_426 = tpu.vector_load_idx %arg10[%and3A_418] : memref<4112xf32, #tpu.memory_space<vmem>>[vector<16xi32>], vector<16xf32>,
        %bitcast3A_427 = vector.bitcast %gather3A_426 : vector<16xf32> to vector<32xbf16>
        %unpack3A_428 = tpu.unpack_subelements %bitcast3A_427, 0 {pack_format = #tpu.pack_format<interleaved>} : vector<32xbf16> -> vector<16xf32>
        %unpack3A_429 = tpu.unpack_subelements %bitcast3A_427, 1 {pack_format = #tpu.pack_format<interleaved>} : vector<32xbf16> -> vector<16xf32>
        %gather3A_430 = tpu.vector_load_idx %arg9[%shift_right_logical3A_421] : memref<4112xf32, #tpu.memory_space<vmem>>[vector<16xi32>], vector<16xf32>,
        %bitcast3A_431 = vector.bitcast %gather3A_430 : vector<16xf32> to vector<32xbf16>
        %unpack3A_432 = tpu.unpack_subelements %bitcast3A_431, 0 {pack_format = #tpu.pack_format<interleaved>} : vector<32xbf16> -> vector<16xf32>
        %unpack3A_433 = tpu.unpack_subelements %bitcast3A_431, 1 {pack_format = #tpu.pack_format<interleaved>} : vector<32xbf16> -> vector<16xf32>
        %gather3A_434 = tpu.vector_load_idx %arg10[%shift_right_logical3A_421] : memref<4112xf32, #tpu.memory_space<vmem>>[vector<16xi32>], vector<16xf32>,
        %bitcast3A_435 = vector.bitcast %gather3A_434 : vector<16xf32> to vector<32xbf16>
        %unpack3A_436 = tpu.unpack_subelements %bitcast3A_435, 0 {pack_format = #tpu.pack_format<interleaved>} : vector<32xbf16> -> vector<16xf32>
        %unpack3A_437 = tpu.unpack_subelements %bitcast3A_435, 1 {pack_format = #tpu.pack_format<interleaved>} : vector<32xbf16> -> vector<16xf32>
        %gather3A_438 = tpu.vector_load_idx %arg16[%add3A_411] : memref<8192xf32, #tpu.memory_space<vmem>>[vector<16xi32>], vector<16xf32>,
        %gather3A_439 = tpu.vector_load_idx %arg18[%add3A_411] : memref<8192xf32, #tpu.memory_space<vmem>>[vector<16xi32>], vector<16xf32>,
        %sub3A_440 = arith.subf %gather3A_438, %gather3A_439 : vector<16xf32>
        %add3A_441 = arith.constant 1 : i32
        %add3A_442 = vector.broadcast %add3A_441 : i32 to vector<16xi32>
        %add3A_443 = arith.addi %add3A_411, %add3A_442 : vector<16xi32>
        %gather3A_444 = tpu.vector_load_idx %arg16[%add3A_443] : memref<8192xf32, #tpu.memory_space<vmem>>[vector<16xi32>], vector<16xf32>,
        %add3A_445 = arith.constant 1 : i32
        %add3A_446 = vector.broadcast %add3A_445 : i32 to vector<16xi32>
        %add3A_447 = arith.addi %add3A_411, %add3A_446 : vector<16xi32>
        %gather3A_448 = tpu.vector_load_idx %arg18[%add3A_447] : memref<8192xf32, #tpu.memory_space<vmem>>[vector<16xi32>], vector<16xf32>,
        %sub3A_449 = arith.subf %gather3A_444, %gather3A_448 : vector<16xf32>
        %mul3A_450 = arith.mulf %unpack3A_424, %unpack3A_436 : vector<16xf32>
        %mul3A_451 = arith.mulf %unpack3A_425, %unpack3A_437 : vector<16xf32>
        %add3A_452 = arith.addf %mul3A_450, %mul3A_451 : vector<16xf32>
        %mul3A_453 = arith.mulf %unpack3A_428, %unpack3A_432 : vector<16xf32>
        %add3A_454 = arith.addf %add3A_452, %mul3A_453 : vector<16xf32>
        %mul3A_455 = arith.mulf %unpack3A_429, %unpack3A_433 : vector<16xf32>
        %add3A_456 = arith.addf %add3A_454, %mul3A_455 : vector<16xf32>
        %mul3A_457 = arith.mulf %unpack3A_425, %unpack3A_436 : vector<16xf32>
        %mul3A_458 = arith.mulf %unpack3A_424, %unpack3A_437 : vector<16xf32>
        %sub3A_459 = arith.subf %mul3A_457, %mul3A_458 : vector<16xf32>
        %mul3A_460 = arith.mulf %unpack3A_429, %unpack3A_432 : vector<16xf32>
        %add3A_461 = arith.addf %sub3A_459, %mul3A_460 : vector<16xf32>
        %mul3A_462 = arith.mulf %unpack3A_428, %unpack3A_433 : vector<16xf32>
        %sub3A_463 = arith.subf %add3A_461, %mul3A_462 : vector<16xf32>
        %sub3A_464 = arith.subf %sub3A_440, %add3A_456 : vector<16xf32>
        %sub3A_465 = arith.subf %sub3A_449, %sub3A_463 : vector<16xf32>
        %mul3A_466 = arith.mulf %sub3A_464, %sub3A_464 : vector<16xf32>
        %mul3A_467 = arith.mulf %sub3A_465, %sub3A_465 : vector<16xf32>
        %add3A_468 = arith.addf %mul3A_466, %mul3A_467 : vector<16xf32>
        %add3A_469 = arith.addf %add3A_273, %add3A_338 : vector<16xf32>
        %add3A_470 = arith.addf %add3A_403, %add3A_468 : vector<16xf32>
        %add3A_471 = arith.addf %add3A_469, %add3A_470 : vector<16xf32>
        %add3A_472 = arith.addf %scan3A_213, %add3A_471 : vector<16xf32>
        scf.yield %add3A_472 : vector<16xf32>
      }
      %scan3A_163 = arith.constant 64 : i32
      %dma_start3A_164 = arith.constant 40960 : i32
      %dma_start3A_165 = tpu.memref_slice %arg2[%select_n3A, %select_n3A_63, %dma_start3A_164] : memref<32x8x81920xf32, #tpu.memory_space<hbm>> -> memref<1x1x8192xf32, #tpu.memory_space<hbm>>
      %dma_start3A_166 = tpu.memref_squeeze %dma_start3A_165 : memref<1x1x8192xf32, #tpu.memory_space<hbm>> -> memref<8192xf32, #tpu.memory_space<hbm>>
      %dma_start3A_167 = arith.constant 40960 : i32
      %dma_start3A_168 = tpu.memref_slice %arg2[%select_n3A, %select_n3A_63, %dma_start3A_167] : memref<32x8x81920xf32, #tpu.memory_space<hbm>> -> memref<1x1x8192xf32, #tpu.memory_space<hbm>>
      %dma_start3A_169 = tpu.memref_squeeze %dma_start3A_168 : memref<1x1x8192xf32, #tpu.memory_space<hbm>> -> memref<8192xf32, #tpu.memory_space<hbm>>
      tpu.enqueue_dma source(%dma_start3A_169 : memref<8192xf32, #tpu.memory_space<hbm>>) target(%arg16 : memref<8192xf32, #tpu.memory_space<vmem>>) target_semaphore(%arg22 : memref<!tpu.dma_semaphore, #tpu.memory_space<semaphore_mem>>)
      %dma_start3A_170 = arith.constant 73728 : i32
      %dma_start3A_171 = tpu.memref_slice %arg2[%select_n3A, %select_n3A_63, %dma_start3A_170] : memref<32x8x81920xf32, #tpu.memory_space<hbm>> -> memref<1x1x8192xf32, #tpu.memory_space<hbm>>
      %dma_start3A_172 = tpu.memref_squeeze %dma_start3A_171 : memref<1x1x8192xf32, #tpu.memory_space<hbm>> -> memref<8192xf32, #tpu.memory_space<hbm>>
      %dma_start3A_173 = arith.constant 73728 : i32
      %dma_start3A_174 = tpu.memref_slice %arg2[%select_n3A, %select_n3A_63, %dma_start3A_173] : memref<32x8x81920xf32, #tpu.memory_space<hbm>> -> memref<1x1x8192xf32, #tpu.memory_space<hbm>>
      %dma_start3A_175 = tpu.memref_squeeze %dma_start3A_174 : memref<1x1x8192xf32, #tpu.memory_space<hbm>> -> memref<8192xf32, #tpu.memory_space<hbm>>
      tpu.enqueue_dma source(%dma_start3A_175 : memref<8192xf32, #tpu.memory_space<hbm>>) target(%arg18 : memref<8192xf32, #tpu.memory_space<vmem>>) target_semaphore(%arg22 : memref<!tpu.dma_semaphore, #tpu.memory_space<semaphore_mem>>)
      %dma_wait3A_176 = arith.constant 32768 : i32
      %dma_wait3A_177 = tpu.memref_slice %arg2[%select_n3A, %select_n3A_63, %dma_wait3A_176] : memref<32x8x81920xf32, #tpu.memory_space<hbm>> -> memref<1x1x8192xf32, #tpu.memory_space<hbm>>
      %dma_wait3A_178 = tpu.memref_squeeze %dma_wait3A_177 : memref<1x1x8192xf32, #tpu.memory_space<hbm>> -> memref<8192xf32, #tpu.memory_space<hbm>>
      %dma_wait3A_179 = arith.constant 32768 : i32
      %dma_wait3A_180 = tpu.memref_slice %arg2[%select_n3A, %select_n3A_63, %dma_wait3A_179] : memref<32x8x81920xf32, #tpu.memory_space<hbm>> -> memref<1x1x8192xf32, #tpu.memory_space<hbm>>
      %dma_wait3A_181 = tpu.memref_squeeze %dma_wait3A_180 : memref<1x1x8192xf32, #tpu.memory_space<hbm>> -> memref<8192xf32, #tpu.memory_space<hbm>>
      tpu.wait_dma2 semaphore(%arg21 : memref<!tpu.dma_semaphore, #tpu.memory_space<semaphore_mem>>) src(%dma_wait3A_181 : memref<8192xf32, #tpu.memory_space<hbm>>) dst(%arg15 : memref<8192xf32, #tpu.memory_space<vmem>>)
      %dma_wait3A_182 = arith.constant 65536 : i32
      %dma_wait3A_183 = tpu.memref_slice %arg2[%select_n3A, %select_n3A_63, %dma_wait3A_182] : memref<32x8x81920xf32, #tpu.memory_space<hbm>> -> memref<1x1x8192xf32, #tpu.memory_space<hbm>>
      %dma_wait3A_184 = tpu.memref_squeeze %dma_wait3A_183 : memref<1x1x8192xf32, #tpu.memory_space<hbm>> -> memref<8192xf32, #tpu.memory_space<hbm>>
      %dma_wait3A_185 = arith.constant 65536 : i32
      %dma_wait3A_186 = tpu.memref_slice %arg2[%select_n3A, %select_n3A_63, %dma_wait3A_185] : memref<32x8x81920xf32, #tpu.memory_space<hbm>> -> memref<1x1x8192xf32, #tpu.memory_space<hbm>>
      %dma_wait3A_187 = tpu.memref_squeeze %dma_wait3A_186 : memref<1x1x8192xf32, #tpu.memory_space<hbm>> -> memref<8192xf32, #tpu.memory_space<hbm>>
      tpu.wait_dma2 semaphore(%arg21 : memref<!tpu.dma_semaphore, #tpu.memory_space<semaphore_mem>>) src(%dma_wait3A_187 : memref<8192xf32, #tpu.memory_space<hbm>>) dst(%arg17 : memref<8192xf32, #tpu.memory_space<vmem>>)
      %scan3A_188 = arith.constant 0 : i32
      %scan3A_189 = arith.constant 64 : i32
      %scan3A_190 = arith.addi %scan3A_188, %scan3A_189 : i32
      %scan3A_191 = arith.constant 1 : i32
      %scan3A_192 = scf.for %scan3A_212 = %scan3A_188 to %scan3A_190 step %scan3A_191 iter_args(%scan3A_213 = %scan3A_162) -> (vector<16xf32>)  : i32 {
        %mul3A_214 = arith.constant 64 : i32
        %mul3A_215 = arith.muli %scan3A_212, %mul3A_214 : i32
        %add3A_216 = arith.constant 0 : i32
        %add3A_217 = arith.addi %mul3A_215, %add3A_216 : i32
        %mul3A_218 = arith.constant 2 : i32
        %mul3A_219 = arith.muli %mul3A_218, %add3A_217 : i32
        %add3A_220 = vector.broadcast %mul3A_219 : i32 to vector<16xi32>
        %add3A_221 = arith.addi %add3A_220, %mul3A_3 : vector<16xi32>
        %add3A_222 = arith.constant 8192 : i32
        %add3A_223 = arith.addi %add3A_222, %add3A_217 : i32
        %get3A = arith.index_cast %add3A_223 : i32 to index
        %get3A_224 = tpu.vector_load %arg8[%get3A] {strides = array<i32>} : memref<16384xi32, #tpu.memory_space<vmem>>, vector<16xi32>,
        %and3A_225 = arith.constant 65535 : i32
        %and3A_226 = vector.broadcast %and3A_225 : i32 to vector<16xi32>
        %and3A_227 = arith.andi %get3A_224, %and3A_226 : vector<16xi32>
        %shift_right_logical3A = arith.constant 16 : i32
        %shift_right_logical3A_228 = vector.broadcast %shift_right_logical3A : i32 to vector<16xi32>
        %shift_right_logical3A_229 = arith.shrui %get3A_224, %shift_right_logical3A_228 : vector<16xi32>
        %gather3A = tpu.vector_load_idx %arg9[%and3A_227] : memref<4112xf32, #tpu.memory_space<vmem>>[vector<16xi32>], vector<16xf32>,
        %bitcast3A = vector.bitcast %gather3A : vector<16xf32> to vector<32xbf16>
        %unpack3A = tpu.unpack_subelements %bitcast3A, 0 {pack_format = #tpu.pack_format<interleaved>} : vector<32xbf16> -> vector<16xf32>
        %unpack3A_230 = tpu.unpack_subelements %bitcast3A, 1 {pack_format = #tpu.pack_format<interleaved>} : vector<32xbf16> -> vector<16xf32>
        %gather3A_231 = tpu.vector_load_idx %arg10[%and3A_227] : memref<4112xf32, #tpu.memory_space<vmem>>[vector<16xi32>], vector<16xf32>,
        %bitcast3A_232 = vector.bitcast %gather3A_231 : vector<16xf32> to vector<32xbf16>
        %unpack3A_233 = tpu.unpack_subelements %bitcast3A_232, 0 {pack_format = #tpu.pack_format<interleaved>} : vector<32xbf16> -> vector<16xf32>
        %unpack3A_234 = tpu.unpack_subelements %bitcast3A_232, 1 {pack_format = #tpu.pack_format<interleaved>} : vector<32xbf16> -> vector<16xf32>
        %gather3A_235 = tpu.vector_load_idx %arg9[%shift_right_logical3A_229] : memref<4112xf32, #tpu.memory_space<vmem>>[vector<16xi32>], vector<16xf32>,
        %bitcast3A_236 = vector.bitcast %gather3A_235 : vector<16xf32> to vector<32xbf16>
        %unpack3A_237 = tpu.unpack_subelements %bitcast3A_236, 0 {pack_format = #tpu.pack_format<interleaved>} : vector<32xbf16> -> vector<16xf32>
        %unpack3A_238 = tpu.unpack_subelements %bitcast3A_236, 1 {pack_format = #tpu.pack_format<interleaved>} : vector<32xbf16> -> vector<16xf32>
        %gather3A_239 = tpu.vector_load_idx %arg10[%shift_right_logical3A_229] : memref<4112xf32, #tpu.memory_space<vmem>>[vector<16xi32>], vector<16xf32>,
        %bitcast3A_240 = vector.bitcast %gather3A_239 : vector<16xf32> to vector<32xbf16>
        %unpack3A_241 = tpu.unpack_subelements %bitcast3A_240, 0 {pack_format = #tpu.pack_format<interleaved>} : vector<32xbf16> -> vector<16xf32>
        %unpack3A_242 = tpu.unpack_subelements %bitcast3A_240, 1 {pack_format = #tpu.pack_format<interleaved>} : vector<32xbf16> -> vector<16xf32>
        %gather3A_243 = tpu.vector_load_idx %arg15[%add3A_221] : memref<8192xf32, #tpu.memory_space<vmem>>[vector<16xi32>], vector<16xf32>,
        %gather3A_244 = tpu.vector_load_idx %arg17[%add3A_221] : memref<8192xf32, #tpu.memory_space<vmem>>[vector<16xi32>], vector<16xf32>,
        %sub3A_245 = arith.subf %gather3A_243, %gather3A_244 : vector<16xf32>
        %add3A_246 = arith.constant 1 : i32
        %add3A_247 = vector.broadcast %add3A_246 : i32 to vector<16xi32>
        %add3A_248 = arith.addi %add3A_221, %add3A_247 : vector<16xi32>
        %gather3A_249 = tpu.vector_load_idx %arg15[%add3A_248] : memref<8192xf32, #tpu.memory_space<vmem>>[vector<16xi32>], vector<16xf32>,
        %add3A_250 = arith.constant 1 : i32
        %add3A_251 = vector.broadcast %add3A_250 : i32 to vector<16xi32>
        %add3A_252 = arith.addi %add3A_221, %add3A_251 : vector<16xi32>
        %gather3A_253 = tpu.vector_load_idx %arg17[%add3A_252] : memref<8192xf32, #tpu.memory_space<vmem>>[vector<16xi32>], vector<16xf32>,
        %sub3A_254 = arith.subf %gather3A_249, %gather3A_253 : vector<16xf32>
        %mul3A_255 = arith.mulf %unpack3A, %unpack3A_241 : vector<16xf32>
        %mul3A_256 = arith.mulf %unpack3A_230, %unpack3A_242 : vector<16xf32>
        %add3A_257 = arith.addf %mul3A_255, %mul3A_256 : vector<16xf32>
        %mul3A_258 = arith.mulf %unpack3A_233, %unpack3A_237 : vector<16xf32>
        %add3A_259 = arith.addf %add3A_257, %mul3A_258 : vector<16xf32>
        %mul3A_260 = arith.mulf %unpack3A_234, %unpack3A_238 : vector<16xf32>
        %add3A_261 = arith.addf %add3A_259, %mul3A_260 : vector<16xf32>
        %mul3A_262 = arith.mulf %unpack3A_230, %unpack3A_241 : vector<16xf32>
        %mul3A_263 = arith.mulf %unpack3A, %unpack3A_242 : vector<16xf32>
        %sub3A_264 = arith.subf %mul3A_262, %mul3A_263 : vector<16xf32>
        %mul3A_265 = arith.mulf %unpack3A_234, %unpack3A_237 : vector<16xf32>
        %add3A_266 = arith.addf %sub3A_264, %mul3A_265 : vector<16xf32>
        %mul3A_267 = arith.mulf %unpack3A_233, %unpack3A_238 : vector<16xf32>
        %sub3A_268 = arith.subf %add3A_266, %mul3A_267 : vector<16xf32>
        %sub3A_269 = arith.subf %sub3A_245, %add3A_261 : vector<16xf32>
        %sub3A_270 = arith.subf %sub3A_254, %sub3A_268 : vector<16xf32>
        %mul3A_271 = arith.mulf %sub3A_269, %sub3A_269 : vector<16xf32>
        %mul3A_272 = arith.mulf %sub3A_270, %sub3A_270 : vector<16xf32>
        %add3A_273 = arith.addf %mul3A_271, %mul3A_272 : vector<16xf32>
        %mul3A_274 = arith.constant 64 : i32
        %mul3A_275 = arith.muli %scan3A_212, %mul3A_274 : i32
        %add3A_276 = arith.constant 16 : i32
        %add3A_277 = arith.addi %mul3A_275, %add3A_276 : i32
        %mul3A_278 = arith.constant 2 : i32
        %mul3A_279 = arith.muli %mul3A_278, %add3A_277 : i32
        %add3A_280 = vector.broadcast %mul3A_279 : i32 to vector<16xi32>
        %add3A_281 = arith.addi %add3A_280, %mul3A_3 : vector<16xi32>
        %add3A_282 = arith.constant 8192 : i32
        %add3A_283 = arith.addi %add3A_282, %add3A_277 : i32
        %get3A_284 = arith.index_cast %add3A_283 : i32 to index
        %get3A_285 = tpu.vector_load %arg8[%get3A_284] {strides = array<i32>} : memref<16384xi32, #tpu.memory_space<vmem>>, vector<16xi32>,
        %and3A_286 = arith.constant 65535 : i32
        %and3A_287 = vector.broadcast %and3A_286 : i32 to vector<16xi32>
        %and3A_288 = arith.andi %get3A_285, %and3A_287 : vector<16xi32>
        %shift_right_logical3A_289 = arith.constant 16 : i32
        %shift_right_logical3A_290 = vector.broadcast %shift_right_logical3A_289 : i32 to vector<16xi32>
        %shift_right_logical3A_291 = arith.shrui %get3A_285, %shift_right_logical3A_290 : vector<16xi32>
        %gather3A_292 = tpu.vector_load_idx %arg9[%and3A_288] : memref<4112xf32, #tpu.memory_space<vmem>>[vector<16xi32>], vector<16xf32>,
        %bitcast3A_293 = vector.bitcast %gather3A_292 : vector<16xf32> to vector<32xbf16>
        %unpack3A_294 = tpu.unpack_subelements %bitcast3A_293, 0 {pack_format = #tpu.pack_format<interleaved>} : vector<32xbf16> -> vector<16xf32>
        %unpack3A_295 = tpu.unpack_subelements %bitcast3A_293, 1 {pack_format = #tpu.pack_format<interleaved>} : vector<32xbf16> -> vector<16xf32>
        %gather3A_296 = tpu.vector_load_idx %arg10[%and3A_288] : memref<4112xf32, #tpu.memory_space<vmem>>[vector<16xi32>], vector<16xf32>,
        %bitcast3A_297 = vector.bitcast %gather3A_296 : vector<16xf32> to vector<32xbf16>
        %unpack3A_298 = tpu.unpack_subelements %bitcast3A_297, 0 {pack_format = #tpu.pack_format<interleaved>} : vector<32xbf16> -> vector<16xf32>
        %unpack3A_299 = tpu.unpack_subelements %bitcast3A_297, 1 {pack_format = #tpu.pack_format<interleaved>} : vector<32xbf16> -> vector<16xf32>
        %gather3A_300 = tpu.vector_load_idx %arg9[%shift_right_logical3A_291] : memref<4112xf32, #tpu.memory_space<vmem>>[vector<16xi32>], vector<16xf32>,
        %bitcast3A_301 = vector.bitcast %gather3A_300 : vector<16xf32> to vector<32xbf16>
        %unpack3A_302 = tpu.unpack_subelements %bitcast3A_301, 0 {pack_format = #tpu.pack_format<interleaved>} : vector<32xbf16> -> vector<16xf32>
        %unpack3A_303 = tpu.unpack_subelements %bitcast3A_301, 1 {pack_format = #tpu.pack_format<interleaved>} : vector<32xbf16> -> vector<16xf32>
        %gather3A_304 = tpu.vector_load_idx %arg10[%shift_right_logical3A_291] : memref<4112xf32, #tpu.memory_space<vmem>>[vector<16xi32>], vector<16xf32>,
        %bitcast3A_305 = vector.bitcast %gather3A_304 : vector<16xf32> to vector<32xbf16>
        %unpack3A_306 = tpu.unpack_subelements %bitcast3A_305, 0 {pack_format = #tpu.pack_format<interleaved>} : vector<32xbf16> -> vector<16xf32>
        %unpack3A_307 = tpu.unpack_subelements %bitcast3A_305, 1 {pack_format = #tpu.pack_format<interleaved>} : vector<32xbf16> -> vector<16xf32>
        %gather3A_308 = tpu.vector_load_idx %arg15[%add3A_281] : memref<8192xf32, #tpu.memory_space<vmem>>[vector<16xi32>], vector<16xf32>,
        %gather3A_309 = tpu.vector_load_idx %arg17[%add3A_281] : memref<8192xf32, #tpu.memory_space<vmem>>[vector<16xi32>], vector<16xf32>,
        %sub3A_310 = arith.subf %gather3A_308, %gather3A_309 : vector<16xf32>
        %add3A_311 = arith.constant 1 : i32
        %add3A_312 = vector.broadcast %add3A_311 : i32 to vector<16xi32>
        %add3A_313 = arith.addi %add3A_281, %add3A_312 : vector<16xi32>
        %gather3A_314 = tpu.vector_load_idx %arg15[%add3A_313] : memref<8192xf32, #tpu.memory_space<vmem>>[vector<16xi32>], vector<16xf32>,
        %add3A_315 = arith.constant 1 : i32
        %add3A_316 = vector.broadcast %add3A_315 : i32 to vector<16xi32>
        %add3A_317 = arith.addi %add3A_281, %add3A_316 : vector<16xi32>
        %gather3A_318 = tpu.vector_load_idx %arg17[%add3A_317] : memref<8192xf32, #tpu.memory_space<vmem>>[vector<16xi32>], vector<16xf32>,
        %sub3A_319 = arith.subf %gather3A_314, %gather3A_318 : vector<16xf32>
        %mul3A_320 = arith.mulf %unpack3A_294, %unpack3A_306 : vector<16xf32>
        %mul3A_321 = arith.mulf %unpack3A_295, %unpack3A_307 : vector<16xf32>
        %add3A_322 = arith.addf %mul3A_320, %mul3A_321 : vector<16xf32>
        %mul3A_323 = arith.mulf %unpack3A_298, %unpack3A_302 : vector<16xf32>
        %add3A_324 = arith.addf %add3A_322, %mul3A_323 : vector<16xf32>
        %mul3A_325 = arith.mulf %unpack3A_299, %unpack3A_303 : vector<16xf32>
        %add3A_326 = arith.addf %add3A_324, %mul3A_325 : vector<16xf32>
        %mul3A_327 = arith.mulf %unpack3A_295, %unpack3A_306 : vector<16xf32>
        %mul3A_328 = arith.mulf %unpack3A_294, %unpack3A_307 : vector<16xf32>
        %sub3A_329 = arith.subf %mul3A_327, %mul3A_328 : vector<16xf32>
        %mul3A_330 = arith.mulf %unpack3A_299, %unpack3A_302 : vector<16xf32>
        %add3A_331 = arith.addf %sub3A_329, %mul3A_330 : vector<16xf32>
        %mul3A_332 = arith.mulf %unpack3A_298, %unpack3A_303 : vector<16xf32>
        %sub3A_333 = arith.subf %add3A_331, %mul3A_332 : vector<16xf32>
        %sub3A_334 = arith.subf %sub3A_310, %add3A_326 : vector<16xf32>
        %sub3A_335 = arith.subf %sub3A_319, %sub3A_333 : vector<16xf32>
        %mul3A_336 = arith.mulf %sub3A_334, %sub3A_334 : vector<16xf32>
        %mul3A_337 = arith.mulf %sub3A_335, %sub3A_335 : vector<16xf32>
        %add3A_338 = arith.addf %mul3A_336, %mul3A_337 : vector<16xf32>
        %mul3A_339 = arith.constant 64 : i32
        %mul3A_340 = arith.muli %scan3A_212, %mul3A_339 : i32
        %add3A_341 = arith.constant 32 : i32
        %add3A_342 = arith.addi %mul3A_340, %add3A_341 : i32
        %mul3A_343 = arith.constant 2 : i32
        %mul3A_344 = arith.muli %mul3A_343, %add3A_342 : i32
        %add3A_345 = vector.broadcast %mul3A_344 : i32 to vector<16xi32>
        %add3A_346 = arith.addi %add3A_345, %mul3A_3 : vector<16xi32>
        %add3A_347 = arith.constant 8192 : i32
        %add3A_348 = arith.addi %add3A_347, %add3A_342 : i32
        %get3A_349 = arith.index_cast %add3A_348 : i32 to index
        %get3A_350 = tpu.vector_load %arg8[%get3A_349] {strides = array<i32>} : memref<16384xi32, #tpu.memory_space<vmem>>, vector<16xi32>,
        %and3A_351 = arith.constant 65535 : i32
        %and3A_352 = vector.broadcast %and3A_351 : i32 to vector<16xi32>
        %and3A_353 = arith.andi %get3A_350, %and3A_352 : vector<16xi32>
        %shift_right_logical3A_354 = arith.constant 16 : i32
        %shift_right_logical3A_355 = vector.broadcast %shift_right_logical3A_354 : i32 to vector<16xi32>
        %shift_right_logical3A_356 = arith.shrui %get3A_350, %shift_right_logical3A_355 : vector<16xi32>
        %gather3A_357 = tpu.vector_load_idx %arg9[%and3A_353] : memref<4112xf32, #tpu.memory_space<vmem>>[vector<16xi32>], vector<16xf32>,
        %bitcast3A_358 = vector.bitcast %gather3A_357 : vector<16xf32> to vector<32xbf16>
        %unpack3A_359 = tpu.unpack_subelements %bitcast3A_358, 0 {pack_format = #tpu.pack_format<interleaved>} : vector<32xbf16> -> vector<16xf32>
        %unpack3A_360 = tpu.unpack_subelements %bitcast3A_358, 1 {pack_format = #tpu.pack_format<interleaved>} : vector<32xbf16> -> vector<16xf32>
        %gather3A_361 = tpu.vector_load_idx %arg10[%and3A_353] : memref<4112xf32, #tpu.memory_space<vmem>>[vector<16xi32>], vector<16xf32>,
        %bitcast3A_362 = vector.bitcast %gather3A_361 : vector<16xf32> to vector<32xbf16>
        %unpack3A_363 = tpu.unpack_subelements %bitcast3A_362, 0 {pack_format = #tpu.pack_format<interleaved>} : vector<32xbf16> -> vector<16xf32>
        %unpack3A_364 = tpu.unpack_subelements %bitcast3A_362, 1 {pack_format = #tpu.pack_format<interleaved>} : vector<32xbf16> -> vector<16xf32>
        %gather3A_365 = tpu.vector_load_idx %arg9[%shift_right_logical3A_356] : memref<4112xf32, #tpu.memory_space<vmem>>[vector<16xi32>], vector<16xf32>,
        %bitcast3A_366 = vector.bitcast %gather3A_365 : vector<16xf32> to vector<32xbf16>
        %unpack3A_367 = tpu.unpack_subelements %bitcast3A_366, 0 {pack_format = #tpu.pack_format<interleaved>} : vector<32xbf16> -> vector<16xf32>
        %unpack3A_368 = tpu.unpack_subelements %bitcast3A_366, 1 {pack_format = #tpu.pack_format<interleaved>} : vector<32xbf16> -> vector<16xf32>
        %gather3A_369 = tpu.vector_load_idx %arg10[%shift_right_logical3A_356] : memref<4112xf32, #tpu.memory_space<vmem>>[vector<16xi32>], vector<16xf32>,
        %bitcast3A_370 = vector.bitcast %gather3A_369 : vector<16xf32> to vector<32xbf16>
        %unpack3A_371 = tpu.unpack_subelements %bitcast3A_370, 0 {pack_format = #tpu.pack_format<interleaved>} : vector<32xbf16> -> vector<16xf32>
        %unpack3A_372 = tpu.unpack_subelements %bitcast3A_370, 1 {pack_format = #tpu.pack_format<interleaved>} : vector<32xbf16> -> vector<16xf32>
        %gather3A_373 = tpu.vector_load_idx %arg15[%add3A_346] : memref<8192xf32, #tpu.memory_space<vmem>>[vector<16xi32>], vector<16xf32>,
        %gather3A_374 = tpu.vector_load_idx %arg17[%add3A_346] : memref<8192xf32, #tpu.memory_space<vmem>>[vector<16xi32>], vector<16xf32>,
        %sub3A_375 = arith.subf %gather3A_373, %gather3A_374 : vector<16xf32>
        %add3A_376 = arith.constant 1 : i32
        %add3A_377 = vector.broadcast %add3A_376 : i32 to vector<16xi32>
        %add3A_378 = arith.addi %add3A_346, %add3A_377 : vector<16xi32>
        %gather3A_379 = tpu.vector_load_idx %arg15[%add3A_378] : memref<8192xf32, #tpu.memory_space<vmem>>[vector<16xi32>], vector<16xf32>,
        %add3A_380 = arith.constant 1 : i32
        %add3A_381 = vector.broadcast %add3A_380 : i32 to vector<16xi32>
        %add3A_382 = arith.addi %add3A_346, %add3A_381 : vector<16xi32>
        %gather3A_383 = tpu.vector_load_idx %arg17[%add3A_382] : memref<8192xf32, #tpu.memory_space<vmem>>[vector<16xi32>], vector<16xf32>,
        %sub3A_384 = arith.subf %gather3A_379, %gather3A_383 : vector<16xf32>
        %mul3A_385 = arith.mulf %unpack3A_359, %unpack3A_371 : vector<16xf32>
        %mul3A_386 = arith.mulf %unpack3A_360, %unpack3A_372 : vector<16xf32>
        %add3A_387 = arith.addf %mul3A_385, %mul3A_386 : vector<16xf32>
        %mul3A_388 = arith.mulf %unpack3A_363, %unpack3A_367 : vector<16xf32>
        %add3A_389 = arith.addf %add3A_387, %mul3A_388 : vector<16xf32>
        %mul3A_390 = arith.mulf %unpack3A_364, %unpack3A_368 : vector<16xf32>
        %add3A_391 = arith.addf %add3A_389, %mul3A_390 : vector<16xf32>
        %mul3A_392 = arith.mulf %unpack3A_360, %unpack3A_371 : vector<16xf32>
        %mul3A_393 = arith.mulf %unpack3A_359, %unpack3A_372 : vector<16xf32>
        %sub3A_394 = arith.subf %mul3A_392, %mul3A_393 : vector<16xf32>
        %mul3A_395 = arith.mulf %unpack3A_364, %unpack3A_367 : vector<16xf32>
        %add3A_396 = arith.addf %sub3A_394, %mul3A_395 : vector<16xf32>
        %mul3A_397 = arith.mulf %unpack3A_363, %unpack3A_368 : vector<16xf32>
        %sub3A_398 = arith.subf %add3A_396, %mul3A_397 : vector<16xf32>
        %sub3A_399 = arith.subf %sub3A_375, %add3A_391 : vector<16xf32>
        %sub3A_400 = arith.subf %sub3A_384, %sub3A_398 : vector<16xf32>
        %mul3A_401 = arith.mulf %sub3A_399, %sub3A_399 : vector<16xf32>
        %mul3A_402 = arith.mulf %sub3A_400, %sub3A_400 : vector<16xf32>
        %add3A_403 = arith.addf %mul3A_401, %mul3A_402 : vector<16xf32>
        %mul3A_404 = arith.constant 64 : i32
        %mul3A_405 = arith.muli %scan3A_212, %mul3A_404 : i32
        %add3A_406 = arith.constant 48 : i32
        %add3A_407 = arith.addi %mul3A_405, %add3A_406 : i32
        %mul3A_408 = arith.constant 2 : i32
        %mul3A_409 = arith.muli %mul3A_408, %add3A_407 : i32
        %add3A_410 = vector.broadcast %mul3A_409 : i32 to vector<16xi32>
        %add3A_411 = arith.addi %add3A_410, %mul3A_3 : vector<16xi32>
        %add3A_412 = arith.constant 8192 : i32
        %add3A_413 = arith.addi %add3A_412, %add3A_407 : i32
        %get3A_414 = arith.index_cast %add3A_413 : i32 to index
        %get3A_415 = tpu.vector_load %arg8[%get3A_414] {strides = array<i32>} : memref<16384xi32, #tpu.memory_space<vmem>>, vector<16xi32>,
        %and3A_416 = arith.constant 65535 : i32
        %and3A_417 = vector.broadcast %and3A_416 : i32 to vector<16xi32>
        %and3A_418 = arith.andi %get3A_415, %and3A_417 : vector<16xi32>
        %shift_right_logical3A_419 = arith.constant 16 : i32
        %shift_right_logical3A_420 = vector.broadcast %shift_right_logical3A_419 : i32 to vector<16xi32>
        %shift_right_logical3A_421 = arith.shrui %get3A_415, %shift_right_logical3A_420 : vector<16xi32>
        %gather3A_422 = tpu.vector_load_idx %arg9[%and3A_418] : memref<4112xf32, #tpu.memory_space<vmem>>[vector<16xi32>], vector<16xf32>,
        %bitcast3A_423 = vector.bitcast %gather3A_422 : vector<16xf32> to vector<32xbf16>
        %unpack3A_424 = tpu.unpack_subelements %bitcast3A_423, 0 {pack_format = #tpu.pack_format<interleaved>} : vector<32xbf16> -> vector<16xf32>
        %unpack3A_425 = tpu.unpack_subelements %bitcast3A_423, 1 {pack_format = #tpu.pack_format<interleaved>} : vector<32xbf16> -> vector<16xf32>
        %gather3A_426 = tpu.vector_load_idx %arg10[%and3A_418] : memref<4112xf32, #tpu.memory_space<vmem>>[vector<16xi32>], vector<16xf32>,
        %bitcast3A_427 = vector.bitcast %gather3A_426 : vector<16xf32> to vector<32xbf16>
        %unpack3A_428 = tpu.unpack_subelements %bitcast3A_427, 0 {pack_format = #tpu.pack_format<interleaved>} : vector<32xbf16> -> vector<16xf32>
        %unpack3A_429 = tpu.unpack_subelements %bitcast3A_427, 1 {pack_format = #tpu.pack_format<interleaved>} : vector<32xbf16> -> vector<16xf32>
        %gather3A_430 = tpu.vector_load_idx %arg9[%shift_right_logical3A_421] : memref<4112xf32, #tpu.memory_space<vmem>>[vector<16xi32>], vector<16xf32>,
        %bitcast3A_431 = vector.bitcast %gather3A_430 : vector<16xf32> to vector<32xbf16>
        %unpack3A_432 = tpu.unpack_subelements %bitcast3A_431, 0 {pack_format = #tpu.pack_format<interleaved>} : vector<32xbf16> -> vector<16xf32>
        %unpack3A_433 = tpu.unpack_subelements %bitcast3A_431, 1 {pack_format = #tpu.pack_format<interleaved>} : vector<32xbf16> -> vector<16xf32>
        %gather3A_434 = tpu.vector_load_idx %arg10[%shift_right_logical3A_421] : memref<4112xf32, #tpu.memory_space<vmem>>[vector<16xi32>], vector<16xf32>,
        %bitcast3A_435 = vector.bitcast %gather3A_434 : vector<16xf32> to vector<32xbf16>
        %unpack3A_436 = tpu.unpack_subelements %bitcast3A_435, 0 {pack_format = #tpu.pack_format<interleaved>} : vector<32xbf16> -> vector<16xf32>
        %unpack3A_437 = tpu.unpack_subelements %bitcast3A_435, 1 {pack_format = #tpu.pack_format<interleaved>} : vector<32xbf16> -> vector<16xf32>
        %gather3A_438 = tpu.vector_load_idx %arg15[%add3A_411] : memref<8192xf32, #tpu.memory_space<vmem>>[vector<16xi32>], vector<16xf32>,
        %gather3A_439 = tpu.vector_load_idx %arg17[%add3A_411] : memref<8192xf32, #tpu.memory_space<vmem>>[vector<16xi32>], vector<16xf32>,
        %sub3A_440 = arith.subf %gather3A_438, %gather3A_439 : vector<16xf32>
        %add3A_441 = arith.constant 1 : i32
        %add3A_442 = vector.broadcast %add3A_441 : i32 to vector<16xi32>
        %add3A_443 = arith.addi %add3A_411, %add3A_442 : vector<16xi32>
        %gather3A_444 = tpu.vector_load_idx %arg15[%add3A_443] : memref<8192xf32, #tpu.memory_space<vmem>>[vector<16xi32>], vector<16xf32>,
        %add3A_445 = arith.constant 1 : i32
        %add3A_446 = vector.broadcast %add3A_445 : i32 to vector<16xi32>
        %add3A_447 = arith.addi %add3A_411, %add3A_446 : vector<16xi32>
        %gather3A_448 = tpu.vector_load_idx %arg17[%add3A_447] : memref<8192xf32, #tpu.memory_space<vmem>>[vector<16xi32>], vector<16xf32>,
        %sub3A_449 = arith.subf %gather3A_444, %gather3A_448 : vector<16xf32>
        %mul3A_450 = arith.mulf %unpack3A_424, %unpack3A_436 : vector<16xf32>
        %mul3A_451 = arith.mulf %unpack3A_425, %unpack3A_437 : vector<16xf32>
        %add3A_452 = arith.addf %mul3A_450, %mul3A_451 : vector<16xf32>
        %mul3A_453 = arith.mulf %unpack3A_428, %unpack3A_432 : vector<16xf32>
        %add3A_454 = arith.addf %add3A_452, %mul3A_453 : vector<16xf32>
        %mul3A_455 = arith.mulf %unpack3A_429, %unpack3A_433 : vector<16xf32>
        %add3A_456 = arith.addf %add3A_454, %mul3A_455 : vector<16xf32>
        %mul3A_457 = arith.mulf %unpack3A_425, %unpack3A_436 : vector<16xf32>
        %mul3A_458 = arith.mulf %unpack3A_424, %unpack3A_437 : vector<16xf32>
        %sub3A_459 = arith.subf %mul3A_457, %mul3A_458 : vector<16xf32>
        %mul3A_460 = arith.mulf %unpack3A_429, %unpack3A_432 : vector<16xf32>
        %add3A_461 = arith.addf %sub3A_459, %mul3A_460 : vector<16xf32>
        %mul3A_462 = arith.mulf %unpack3A_428, %unpack3A_433 : vector<16xf32>
        %sub3A_463 = arith.subf %add3A_461, %mul3A_462 : vector<16xf32>
        %sub3A_464 = arith.subf %sub3A_440, %add3A_456 : vector<16xf32>
        %sub3A_465 = arith.subf %sub3A_449, %sub3A_463 : vector<16xf32>
        %mul3A_466 = arith.mulf %sub3A_464, %sub3A_464 : vector<16xf32>
        %mul3A_467 = arith.mulf %sub3A_465, %sub3A_465 : vector<16xf32>
        %add3A_468 = arith.addf %mul3A_466, %mul3A_467 : vector<16xf32>
        %add3A_469 = arith.addf %add3A_273, %add3A_338 : vector<16xf32>
        %add3A_470 = arith.addf %add3A_403, %add3A_468 : vector<16xf32>
        %add3A_471 = arith.addf %add3A_469, %add3A_470 : vector<16xf32>
        %add3A_472 = arith.addf %scan3A_213, %add3A_471 : vector<16xf32>
        scf.yield %add3A_472 : vector<16xf32>
      }
      %scan3A_193 = arith.constant 64 : i32
      %dma_wait3A_194 = arith.constant 40960 : i32
      %dma_wait3A_195 = tpu.memref_slice %arg2[%select_n3A, %select_n3A_63, %dma_wait3A_194] : memref<32x8x81920xf32, #tpu.memory_space<hbm>> -> memref<1x1x8192xf32, #tpu.memory_space<hbm>>
      %dma_wait3A_196 = tpu.memref_squeeze %dma_wait3A_195 : memref<1x1x8192xf32, #tpu.memory_space<hbm>> -> memref<8192xf32, #tpu.memory_space<hbm>>
      %dma_wait3A_197 = arith.constant 40960 : i32
      %dma_wait3A_198 = tpu.memref_slice %arg2[%select_n3A, %select_n3A_63, %dma_wait3A_197] : memref<32x8x81920xf32, #tpu.memory_space<hbm>> -> memref<1x1x8192xf32, #tpu.memory_space<hbm>>
      %dma_wait3A_199 = tpu.memref_squeeze %dma_wait3A_198 : memref<1x1x8192xf32, #tpu.memory_space<hbm>> -> memref<8192xf32, #tpu.memory_space<hbm>>
      tpu.wait_dma2 semaphore(%arg22 : memref<!tpu.dma_semaphore, #tpu.memory_space<semaphore_mem>>) src(%dma_wait3A_199 : memref<8192xf32, #tpu.memory_space<hbm>>) dst(%arg16 : memref<8192xf32, #tpu.memory_space<vmem>>)
      %dma_wait3A_200 = arith.constant 73728 : i32
      %dma_wait3A_201 = tpu.memref_slice %arg2[%select_n3A, %select_n3A_63, %dma_wait3A_200] : memref<32x8x81920xf32, #tpu.memory_space<hbm>> -> memref<1x1x8192xf32, #tpu.memory_space<hbm>>
      %dma_wait3A_202 = tpu.memref_squeeze %dma_wait3A_201 : memref<1x1x8192xf32, #tpu.memory_space<hbm>> -> memref<8192xf32, #tpu.memory_space<hbm>>
      %dma_wait3A_203 = arith.constant 73728 : i32
      %dma_wait3A_204 = tpu.memref_slice %arg2[%select_n3A, %select_n3A_63, %dma_wait3A_203] : memref<32x8x81920xf32, #tpu.memory_space<hbm>> -> memref<1x1x8192xf32, #tpu.memory_space<hbm>>
      %dma_wait3A_205 = tpu.memref_squeeze %dma_wait3A_204 : memref<1x1x8192xf32, #tpu.memory_space<hbm>> -> memref<8192xf32, #tpu.memory_space<hbm>>
      tpu.wait_dma2 semaphore(%arg22 : memref<!tpu.dma_semaphore, #tpu.memory_space<semaphore_mem>>) src(%dma_wait3A_205 : memref<8192xf32, #tpu.memory_space<hbm>>) dst(%arg18 : memref<8192xf32, #tpu.memory_space<vmem>>)
      %scan3A_206 = arith.constant 0 : i32
      %scan3A_207 = arith.constant 64 : i32
      %scan3A_208 = arith.addi %scan3A_206, %scan3A_207 : i32
      %scan3A_209 = arith.constant 1 : i32
      %scan3A_210 = scf.for %scan3A_212 = %scan3A_206 to %scan3A_208 step %scan3A_209 iter_args(%scan3A_213 = %scan3A_192) -> (vector<16xf32>)  : i32 {
        %mul3A_214 = arith.constant 64 : i32
        %mul3A_215 = arith.muli %scan3A_212, %mul3A_214 : i32
        %add3A_216 = arith.constant 0 : i32
        %add3A_217 = arith.addi %mul3A_215, %add3A_216 : i32
        %mul3A_218 = arith.constant 2 : i32
        %mul3A_219 = arith.muli %mul3A_218, %add3A_217 : i32
        %add3A_220 = vector.broadcast %mul3A_219 : i32 to vector<16xi32>
        %add3A_221 = arith.addi %add3A_220, %mul3A_3 : vector<16xi32>
        %add3A_222 = arith.constant 12288 : i32
        %add3A_223 = arith.addi %add3A_222, %add3A_217 : i32
        %get3A = arith.index_cast %add3A_223 : i32 to index
        %get3A_224 = tpu.vector_load %arg8[%get3A] {strides = array<i32>} : memref<16384xi32, #tpu.memory_space<vmem>>, vector<16xi32>,
        %and3A_225 = arith.constant 65535 : i32
        %and3A_226 = vector.broadcast %and3A_225 : i32 to vector<16xi32>
        %and3A_227 = arith.andi %get3A_224, %and3A_226 : vector<16xi32>
        %shift_right_logical3A = arith.constant 16 : i32
        %shift_right_logical3A_228 = vector.broadcast %shift_right_logical3A : i32 to vector<16xi32>
        %shift_right_logical3A_229 = arith.shrui %get3A_224, %shift_right_logical3A_228 : vector<16xi32>
        %gather3A = tpu.vector_load_idx %arg9[%and3A_227] : memref<4112xf32, #tpu.memory_space<vmem>>[vector<16xi32>], vector<16xf32>,
        %bitcast3A = vector.bitcast %gather3A : vector<16xf32> to vector<32xbf16>
        %unpack3A = tpu.unpack_subelements %bitcast3A, 0 {pack_format = #tpu.pack_format<interleaved>} : vector<32xbf16> -> vector<16xf32>
        %unpack3A_230 = tpu.unpack_subelements %bitcast3A, 1 {pack_format = #tpu.pack_format<interleaved>} : vector<32xbf16> -> vector<16xf32>
        %gather3A_231 = tpu.vector_load_idx %arg10[%and3A_227] : memref<4112xf32, #tpu.memory_space<vmem>>[vector<16xi32>], vector<16xf32>,
        %bitcast3A_232 = vector.bitcast %gather3A_231 : vector<16xf32> to vector<32xbf16>
        %unpack3A_233 = tpu.unpack_subelements %bitcast3A_232, 0 {pack_format = #tpu.pack_format<interleaved>} : vector<32xbf16> -> vector<16xf32>
        %unpack3A_234 = tpu.unpack_subelements %bitcast3A_232, 1 {pack_format = #tpu.pack_format<interleaved>} : vector<32xbf16> -> vector<16xf32>
        %gather3A_235 = tpu.vector_load_idx %arg9[%shift_right_logical3A_229] : memref<4112xf32, #tpu.memory_space<vmem>>[vector<16xi32>], vector<16xf32>,
        %bitcast3A_236 = vector.bitcast %gather3A_235 : vector<16xf32> to vector<32xbf16>
        %unpack3A_237 = tpu.unpack_subelements %bitcast3A_236, 0 {pack_format = #tpu.pack_format<interleaved>} : vector<32xbf16> -> vector<16xf32>
        %unpack3A_238 = tpu.unpack_subelements %bitcast3A_236, 1 {pack_format = #tpu.pack_format<interleaved>} : vector<32xbf16> -> vector<16xf32>
        %gather3A_239 = tpu.vector_load_idx %arg10[%shift_right_logical3A_229] : memref<4112xf32, #tpu.memory_space<vmem>>[vector<16xi32>], vector<16xf32>,
        %bitcast3A_240 = vector.bitcast %gather3A_239 : vector<16xf32> to vector<32xbf16>
        %unpack3A_241 = tpu.unpack_subelements %bitcast3A_240, 0 {pack_format = #tpu.pack_format<interleaved>} : vector<32xbf16> -> vector<16xf32>
        %unpack3A_242 = tpu.unpack_subelements %bitcast3A_240, 1 {pack_format = #tpu.pack_format<interleaved>} : vector<32xbf16> -> vector<16xf32>
        %gather3A_243 = tpu.vector_load_idx %arg16[%add3A_221] : memref<8192xf32, #tpu.memory_space<vmem>>[vector<16xi32>], vector<16xf32>,
        %gather3A_244 = tpu.vector_load_idx %arg18[%add3A_221] : memref<8192xf32, #tpu.memory_space<vmem>>[vector<16xi32>], vector<16xf32>,
        %sub3A_245 = arith.subf %gather3A_243, %gather3A_244 : vector<16xf32>
        %add3A_246 = arith.constant 1 : i32
        %add3A_247 = vector.broadcast %add3A_246 : i32 to vector<16xi32>
        %add3A_248 = arith.addi %add3A_221, %add3A_247 : vector<16xi32>
        %gather3A_249 = tpu.vector_load_idx %arg16[%add3A_248] : memref<8192xf32, #tpu.memory_space<vmem>>[vector<16xi32>], vector<16xf32>,
        %add3A_250 = arith.constant 1 : i32
        %add3A_251 = vector.broadcast %add3A_250 : i32 to vector<16xi32>
        %add3A_252 = arith.addi %add3A_221, %add3A_251 : vector<16xi32>
        %gather3A_253 = tpu.vector_load_idx %arg18[%add3A_252] : memref<8192xf32, #tpu.memory_space<vmem>>[vector<16xi32>], vector<16xf32>,
        %sub3A_254 = arith.subf %gather3A_249, %gather3A_253 : vector<16xf32>
        %mul3A_255 = arith.mulf %unpack3A, %unpack3A_241 : vector<16xf32>
        %mul3A_256 = arith.mulf %unpack3A_230, %unpack3A_242 : vector<16xf32>
        %add3A_257 = arith.addf %mul3A_255, %mul3A_256 : vector<16xf32>
        %mul3A_258 = arith.mulf %unpack3A_233, %unpack3A_237 : vector<16xf32>
        %add3A_259 = arith.addf %add3A_257, %mul3A_258 : vector<16xf32>
        %mul3A_260 = arith.mulf %unpack3A_234, %unpack3A_238 : vector<16xf32>
        %add3A_261 = arith.addf %add3A_259, %mul3A_260 : vector<16xf32>
        %mul3A_262 = arith.mulf %unpack3A_230, %unpack3A_241 : vector<16xf32>
        %mul3A_263 = arith.mulf %unpack3A, %unpack3A_242 : vector<16xf32>
        %sub3A_264 = arith.subf %mul3A_262, %mul3A_263 : vector<16xf32>
        %mul3A_265 = arith.mulf %unpack3A_234, %unpack3A_237 : vector<16xf32>
        %add3A_266 = arith.addf %sub3A_264, %mul3A_265 : vector<16xf32>
        %mul3A_267 = arith.mulf %unpack3A_233, %unpack3A_238 : vector<16xf32>
        %sub3A_268 = arith.subf %add3A_266, %mul3A_267 : vector<16xf32>
        %sub3A_269 = arith.subf %sub3A_245, %add3A_261 : vector<16xf32>
        %sub3A_270 = arith.subf %sub3A_254, %sub3A_268 : vector<16xf32>
        %mul3A_271 = arith.mulf %sub3A_269, %sub3A_269 : vector<16xf32>
        %mul3A_272 = arith.mulf %sub3A_270, %sub3A_270 : vector<16xf32>
        %add3A_273 = arith.addf %mul3A_271, %mul3A_272 : vector<16xf32>
        %mul3A_274 = arith.constant 64 : i32
        %mul3A_275 = arith.muli %scan3A_212, %mul3A_274 : i32
        %add3A_276 = arith.constant 16 : i32
        %add3A_277 = arith.addi %mul3A_275, %add3A_276 : i32
        %mul3A_278 = arith.constant 2 : i32
        %mul3A_279 = arith.muli %mul3A_278, %add3A_277 : i32
        %add3A_280 = vector.broadcast %mul3A_279 : i32 to vector<16xi32>
        %add3A_281 = arith.addi %add3A_280, %mul3A_3 : vector<16xi32>
        %add3A_282 = arith.constant 12288 : i32
        %add3A_283 = arith.addi %add3A_282, %add3A_277 : i32
        %get3A_284 = arith.index_cast %add3A_283 : i32 to index
        %get3A_285 = tpu.vector_load %arg8[%get3A_284] {strides = array<i32>} : memref<16384xi32, #tpu.memory_space<vmem>>, vector<16xi32>,
        %and3A_286 = arith.constant 65535 : i32
        %and3A_287 = vector.broadcast %and3A_286 : i32 to vector<16xi32>
        %and3A_288 = arith.andi %get3A_285, %and3A_287 : vector<16xi32>
        %shift_right_logical3A_289 = arith.constant 16 : i32
        %shift_right_logical3A_290 = vector.broadcast %shift_right_logical3A_289 : i32 to vector<16xi32>
        %shift_right_logical3A_291 = arith.shrui %get3A_285, %shift_right_logical3A_290 : vector<16xi32>
        %gather3A_292 = tpu.vector_load_idx %arg9[%and3A_288] : memref<4112xf32, #tpu.memory_space<vmem>>[vector<16xi32>], vector<16xf32>,
        %bitcast3A_293 = vector.bitcast %gather3A_292 : vector<16xf32> to vector<32xbf16>
        %unpack3A_294 = tpu.unpack_subelements %bitcast3A_293, 0 {pack_format = #tpu.pack_format<interleaved>} : vector<32xbf16> -> vector<16xf32>
        %unpack3A_295 = tpu.unpack_subelements %bitcast3A_293, 1 {pack_format = #tpu.pack_format<interleaved>} : vector<32xbf16> -> vector<16xf32>
        %gather3A_296 = tpu.vector_load_idx %arg10[%and3A_288] : memref<4112xf32, #tpu.memory_space<vmem>>[vector<16xi32>], vector<16xf32>,
        %bitcast3A_297 = vector.bitcast %gather3A_296 : vector<16xf32> to vector<32xbf16>
        %unpack3A_298 = tpu.unpack_subelements %bitcast3A_297, 0 {pack_format = #tpu.pack_format<interleaved>} : vector<32xbf16> -> vector<16xf32>
        %unpack3A_299 = tpu.unpack_subelements %bitcast3A_297, 1 {pack_format = #tpu.pack_format<interleaved>} : vector<32xbf16> -> vector<16xf32>
        %gather3A_300 = tpu.vector_load_idx %arg9[%shift_right_logical3A_291] : memref<4112xf32, #tpu.memory_space<vmem>>[vector<16xi32>], vector<16xf32>,
        %bitcast3A_301 = vector.bitcast %gather3A_300 : vector<16xf32> to vector<32xbf16>
        %unpack3A_302 = tpu.unpack_subelements %bitcast3A_301, 0 {pack_format = #tpu.pack_format<interleaved>} : vector<32xbf16> -> vector<16xf32>
        %unpack3A_303 = tpu.unpack_subelements %bitcast3A_301, 1 {pack_format = #tpu.pack_format<interleaved>} : vector<32xbf16> -> vector<16xf32>
        %gather3A_304 = tpu.vector_load_idx %arg10[%shift_right_logical3A_291] : memref<4112xf32, #tpu.memory_space<vmem>>[vector<16xi32>], vector<16xf32>,
        %bitcast3A_305 = vector.bitcast %gather3A_304 : vector<16xf32> to vector<32xbf16>
        %unpack3A_306 = tpu.unpack_subelements %bitcast3A_305, 0 {pack_format = #tpu.pack_format<interleaved>} : vector<32xbf16> -> vector<16xf32>
        %unpack3A_307 = tpu.unpack_subelements %bitcast3A_305, 1 {pack_format = #tpu.pack_format<interleaved>} : vector<32xbf16> -> vector<16xf32>
        %gather3A_308 = tpu.vector_load_idx %arg16[%add3A_281] : memref<8192xf32, #tpu.memory_space<vmem>>[vector<16xi32>], vector<16xf32>,
        %gather3A_309 = tpu.vector_load_idx %arg18[%add3A_281] : memref<8192xf32, #tpu.memory_space<vmem>>[vector<16xi32>], vector<16xf32>,
        %sub3A_310 = arith.subf %gather3A_308, %gather3A_309 : vector<16xf32>
        %add3A_311 = arith.constant 1 : i32
        %add3A_312 = vector.broadcast %add3A_311 : i32 to vector<16xi32>
        %add3A_313 = arith.addi %add3A_281, %add3A_312 : vector<16xi32>
        %gather3A_314 = tpu.vector_load_idx %arg16[%add3A_313] : memref<8192xf32, #tpu.memory_space<vmem>>[vector<16xi32>], vector<16xf32>,
        %add3A_315 = arith.constant 1 : i32
        %add3A_316 = vector.broadcast %add3A_315 : i32 to vector<16xi32>
        %add3A_317 = arith.addi %add3A_281, %add3A_316 : vector<16xi32>
        %gather3A_318 = tpu.vector_load_idx %arg18[%add3A_317] : memref<8192xf32, #tpu.memory_space<vmem>>[vector<16xi32>], vector<16xf32>,
        %sub3A_319 = arith.subf %gather3A_314, %gather3A_318 : vector<16xf32>
        %mul3A_320 = arith.mulf %unpack3A_294, %unpack3A_306 : vector<16xf32>
        %mul3A_321 = arith.mulf %unpack3A_295, %unpack3A_307 : vector<16xf32>
        %add3A_322 = arith.addf %mul3A_320, %mul3A_321 : vector<16xf32>
        %mul3A_323 = arith.mulf %unpack3A_298, %unpack3A_302 : vector<16xf32>
        %add3A_324 = arith.addf %add3A_322, %mul3A_323 : vector<16xf32>
        %mul3A_325 = arith.mulf %unpack3A_299, %unpack3A_303 : vector<16xf32>
        %add3A_326 = arith.addf %add3A_324, %mul3A_325 : vector<16xf32>
        %mul3A_327 = arith.mulf %unpack3A_295, %unpack3A_306 : vector<16xf32>
        %mul3A_328 = arith.mulf %unpack3A_294, %unpack3A_307 : vector<16xf32>
        %sub3A_329 = arith.subf %mul3A_327, %mul3A_328 : vector<16xf32>
        %mul3A_330 = arith.mulf %unpack3A_299, %unpack3A_302 : vector<16xf32>
        %add3A_331 = arith.addf %sub3A_329, %mul3A_330 : vector<16xf32>
        %mul3A_332 = arith.mulf %unpack3A_298, %unpack3A_303 : vector<16xf32>
        %sub3A_333 = arith.subf %add3A_331, %mul3A_332 : vector<16xf32>
        %sub3A_334 = arith.subf %sub3A_310, %add3A_326 : vector<16xf32>
        %sub3A_335 = arith.subf %sub3A_319, %sub3A_333 : vector<16xf32>
        %mul3A_336 = arith.mulf %sub3A_334, %sub3A_334 : vector<16xf32>
        %mul3A_337 = arith.mulf %sub3A_335, %sub3A_335 : vector<16xf32>
        %add3A_338 = arith.addf %mul3A_336, %mul3A_337 : vector<16xf32>
        %mul3A_339 = arith.constant 64 : i32
        %mul3A_340 = arith.muli %scan3A_212, %mul3A_339 : i32
        %add3A_341 = arith.constant 32 : i32
        %add3A_342 = arith.addi %mul3A_340, %add3A_341 : i32
        %mul3A_343 = arith.constant 2 : i32
        %mul3A_344 = arith.muli %mul3A_343, %add3A_342 : i32
        %add3A_345 = vector.broadcast %mul3A_344 : i32 to vector<16xi32>
        %add3A_346 = arith.addi %add3A_345, %mul3A_3 : vector<16xi32>
        %add3A_347 = arith.constant 12288 : i32
        %add3A_348 = arith.addi %add3A_347, %add3A_342 : i32
        %get3A_349 = arith.index_cast %add3A_348 : i32 to index
        %get3A_350 = tpu.vector_load %arg8[%get3A_349] {strides = array<i32>} : memref<16384xi32, #tpu.memory_space<vmem>>, vector<16xi32>,
        %and3A_351 = arith.constant 65535 : i32
        %and3A_352 = vector.broadcast %and3A_351 : i32 to vector<16xi32>
        %and3A_353 = arith.andi %get3A_350, %and3A_352 : vector<16xi32>
        %shift_right_logical3A_354 = arith.constant 16 : i32
        %shift_right_logical3A_355 = vector.broadcast %shift_right_logical3A_354 : i32 to vector<16xi32>
        %shift_right_logical3A_356 = arith.shrui %get3A_350, %shift_right_logical3A_355 : vector<16xi32>
        %gather3A_357 = tpu.vector_load_idx %arg9[%and3A_353] : memref<4112xf32, #tpu.memory_space<vmem>>[vector<16xi32>], vector<16xf32>,
        %bitcast3A_358 = vector.bitcast %gather3A_357 : vector<16xf32> to vector<32xbf16>
        %unpack3A_359 = tpu.unpack_subelements %bitcast3A_358, 0 {pack_format = #tpu.pack_format<interleaved>} : vector<32xbf16> -> vector<16xf32>
        %unpack3A_360 = tpu.unpack_subelements %bitcast3A_358, 1 {pack_format = #tpu.pack_format<interleaved>} : vector<32xbf16> -> vector<16xf32>
        %gather3A_361 = tpu.vector_load_idx %arg10[%and3A_353] : memref<4112xf32, #tpu.memory_space<vmem>>[vector<16xi32>], vector<16xf32>,
        %bitcast3A_362 = vector.bitcast %gather3A_361 : vector<16xf32> to vector<32xbf16>
        %unpack3A_363 = tpu.unpack_subelements %bitcast3A_362, 0 {pack_format = #tpu.pack_format<interleaved>} : vector<32xbf16> -> vector<16xf32>
        %unpack3A_364 = tpu.unpack_subelements %bitcast3A_362, 1 {pack_format = #tpu.pack_format<interleaved>} : vector<32xbf16> -> vector<16xf32>
        %gather3A_365 = tpu.vector_load_idx %arg9[%shift_right_logical3A_356] : memref<4112xf32, #tpu.memory_space<vmem>>[vector<16xi32>], vector<16xf32>,
        %bitcast3A_366 = vector.bitcast %gather3A_365 : vector<16xf32> to vector<32xbf16>
        %unpack3A_367 = tpu.unpack_subelements %bitcast3A_366, 0 {pack_format = #tpu.pack_format<interleaved>} : vector<32xbf16> -> vector<16xf32>
        %unpack3A_368 = tpu.unpack_subelements %bitcast3A_366, 1 {pack_format = #tpu.pack_format<interleaved>} : vector<32xbf16> -> vector<16xf32>
        %gather3A_369 = tpu.vector_load_idx %arg10[%shift_right_logical3A_356] : memref<4112xf32, #tpu.memory_space<vmem>>[vector<16xi32>], vector<16xf32>,
        %bitcast3A_370 = vector.bitcast %gather3A_369 : vector<16xf32> to vector<32xbf16>
        %unpack3A_371 = tpu.unpack_subelements %bitcast3A_370, 0 {pack_format = #tpu.pack_format<interleaved>} : vector<32xbf16> -> vector<16xf32>
        %unpack3A_372 = tpu.unpack_subelements %bitcast3A_370, 1 {pack_format = #tpu.pack_format<interleaved>} : vector<32xbf16> -> vector<16xf32>
        %gather3A_373 = tpu.vector_load_idx %arg16[%add3A_346] : memref<8192xf32, #tpu.memory_space<vmem>>[vector<16xi32>], vector<16xf32>,
        %gather3A_374 = tpu.vector_load_idx %arg18[%add3A_346] : memref<8192xf32, #tpu.memory_space<vmem>>[vector<16xi32>], vector<16xf32>,
        %sub3A_375 = arith.subf %gather3A_373, %gather3A_374 : vector<16xf32>
        %add3A_376 = arith.constant 1 : i32
        %add3A_377 = vector.broadcast %add3A_376 : i32 to vector<16xi32>
        %add3A_378 = arith.addi %add3A_346, %add3A_377 : vector<16xi32>
        %gather3A_379 = tpu.vector_load_idx %arg16[%add3A_378] : memref<8192xf32, #tpu.memory_space<vmem>>[vector<16xi32>], vector<16xf32>,
        %add3A_380 = arith.constant 1 : i32
        %add3A_381 = vector.broadcast %add3A_380 : i32 to vector<16xi32>
        %add3A_382 = arith.addi %add3A_346, %add3A_381 : vector<16xi32>
        %gather3A_383 = tpu.vector_load_idx %arg18[%add3A_382] : memref<8192xf32, #tpu.memory_space<vmem>>[vector<16xi32>], vector<16xf32>,
        %sub3A_384 = arith.subf %gather3A_379, %gather3A_383 : vector<16xf32>
        %mul3A_385 = arith.mulf %unpack3A_359, %unpack3A_371 : vector<16xf32>
        %mul3A_386 = arith.mulf %unpack3A_360, %unpack3A_372 : vector<16xf32>
        %add3A_387 = arith.addf %mul3A_385, %mul3A_386 : vector<16xf32>
        %mul3A_388 = arith.mulf %unpack3A_363, %unpack3A_367 : vector<16xf32>
        %add3A_389 = arith.addf %add3A_387, %mul3A_388 : vector<16xf32>
        %mul3A_390 = arith.mulf %unpack3A_364, %unpack3A_368 : vector<16xf32>
        %add3A_391 = arith.addf %add3A_389, %mul3A_390 : vector<16xf32>
        %mul3A_392 = arith.mulf %unpack3A_360, %unpack3A_371 : vector<16xf32>
        %mul3A_393 = arith.mulf %unpack3A_359, %unpack3A_372 : vector<16xf32>
        %sub3A_394 = arith.subf %mul3A_392, %mul3A_393 : vector<16xf32>
        %mul3A_395 = arith.mulf %unpack3A_364, %unpack3A_367 : vector<16xf32>
        %add3A_396 = arith.addf %sub3A_394, %mul3A_395 : vector<16xf32>
        %mul3A_397 = arith.mulf %unpack3A_363, %unpack3A_368 : vector<16xf32>
        %sub3A_398 = arith.subf %add3A_396, %mul3A_397 : vector<16xf32>
        %sub3A_399 = arith.subf %sub3A_375, %add3A_391 : vector<16xf32>
        %sub3A_400 = arith.subf %sub3A_384, %sub3A_398 : vector<16xf32>
        %mul3A_401 = arith.mulf %sub3A_399, %sub3A_399 : vector<16xf32>
        %mul3A_402 = arith.mulf %sub3A_400, %sub3A_400 : vector<16xf32>
        %add3A_403 = arith.addf %mul3A_401, %mul3A_402 : vector<16xf32>
        %mul3A_404 = arith.constant 64 : i32
        %mul3A_405 = arith.muli %scan3A_212, %mul3A_404 : i32
        %add3A_406 = arith.constant 48 : i32
        %add3A_407 = arith.addi %mul3A_405, %add3A_406 : i32
        %mul3A_408 = arith.constant 2 : i32
        %mul3A_409 = arith.muli %mul3A_408, %add3A_407 : i32
        %add3A_410 = vector.broadcast %mul3A_409 : i32 to vector<16xi32>
        %add3A_411 = arith.addi %add3A_410, %mul3A_3 : vector<16xi32>
        %add3A_412 = arith.constant 12288 : i32
        %add3A_413 = arith.addi %add3A_412, %add3A_407 : i32
        %get3A_414 = arith.index_cast %add3A_413 : i32 to index
        %get3A_415 = tpu.vector_load %arg8[%get3A_414] {strides = array<i32>} : memref<16384xi32, #tpu.memory_space<vmem>>, vector<16xi32>,
        %and3A_416 = arith.constant 65535 : i32
        %and3A_417 = vector.broadcast %and3A_416 : i32 to vector<16xi32>
        %and3A_418 = arith.andi %get3A_415, %and3A_417 : vector<16xi32>
        %shift_right_logical3A_419 = arith.constant 16 : i32
        %shift_right_logical3A_420 = vector.broadcast %shift_right_logical3A_419 : i32 to vector<16xi32>
        %shift_right_logical3A_421 = arith.shrui %get3A_415, %shift_right_logical3A_420 : vector<16xi32>
        %gather3A_422 = tpu.vector_load_idx %arg9[%and3A_418] : memref<4112xf32, #tpu.memory_space<vmem>>[vector<16xi32>], vector<16xf32>,
        %bitcast3A_423 = vector.bitcast %gather3A_422 : vector<16xf32> to vector<32xbf16>
        %unpack3A_424 = tpu.unpack_subelements %bitcast3A_423, 0 {pack_format = #tpu.pack_format<interleaved>} : vector<32xbf16> -> vector<16xf32>
        %unpack3A_425 = tpu.unpack_subelements %bitcast3A_423, 1 {pack_format = #tpu.pack_format<interleaved>} : vector<32xbf16> -> vector<16xf32>
        %gather3A_426 = tpu.vector_load_idx %arg10[%and3A_418] : memref<4112xf32, #tpu.memory_space<vmem>>[vector<16xi32>], vector<16xf32>,
        %bitcast3A_427 = vector.bitcast %gather3A_426 : vector<16xf32> to vector<32xbf16>
        %unpack3A_428 = tpu.unpack_subelements %bitcast3A_427, 0 {pack_format = #tpu.pack_format<interleaved>} : vector<32xbf16> -> vector<16xf32>
        %unpack3A_429 = tpu.unpack_subelements %bitcast3A_427, 1 {pack_format = #tpu.pack_format<interleaved>} : vector<32xbf16> -> vector<16xf32>
        %gather3A_430 = tpu.vector_load_idx %arg9[%shift_right_logical3A_421] : memref<4112xf32, #tpu.memory_space<vmem>>[vector<16xi32>], vector<16xf32>,
        %bitcast3A_431 = vector.bitcast %gather3A_430 : vector<16xf32> to vector<32xbf16>
        %unpack3A_432 = tpu.unpack_subelements %bitcast3A_431, 0 {pack_format = #tpu.pack_format<interleaved>} : vector<32xbf16> -> vector<16xf32>
        %unpack3A_433 = tpu.unpack_subelements %bitcast3A_431, 1 {pack_format = #tpu.pack_format<interleaved>} : vector<32xbf16> -> vector<16xf32>
        %gather3A_434 = tpu.vector_load_idx %arg10[%shift_right_logical3A_421] : memref<4112xf32, #tpu.memory_space<vmem>>[vector<16xi32>], vector<16xf32>,
        %bitcast3A_435 = vector.bitcast %gather3A_434 : vector<16xf32> to vector<32xbf16>
        %unpack3A_436 = tpu.unpack_subelements %bitcast3A_435, 0 {pack_format = #tpu.pack_format<interleaved>} : vector<32xbf16> -> vector<16xf32>
        %unpack3A_437 = tpu.unpack_subelements %bitcast3A_435, 1 {pack_format = #tpu.pack_format<interleaved>} : vector<32xbf16> -> vector<16xf32>
        %gather3A_438 = tpu.vector_load_idx %arg16[%add3A_411] : memref<8192xf32, #tpu.memory_space<vmem>>[vector<16xi32>], vector<16xf32>,
        %gather3A_439 = tpu.vector_load_idx %arg18[%add3A_411] : memref<8192xf32, #tpu.memory_space<vmem>>[vector<16xi32>], vector<16xf32>,
        %sub3A_440 = arith.subf %gather3A_438, %gather3A_439 : vector<16xf32>
        %add3A_441 = arith.constant 1 : i32
        %add3A_442 = vector.broadcast %add3A_441 : i32 to vector<16xi32>
        %add3A_443 = arith.addi %add3A_411, %add3A_442 : vector<16xi32>
        %gather3A_444 = tpu.vector_load_idx %arg16[%add3A_443] : memref<8192xf32, #tpu.memory_space<vmem>>[vector<16xi32>], vector<16xf32>,
        %add3A_445 = arith.constant 1 : i32
        %add3A_446 = vector.broadcast %add3A_445 : i32 to vector<16xi32>
        %add3A_447 = arith.addi %add3A_411, %add3A_446 : vector<16xi32>
        %gather3A_448 = tpu.vector_load_idx %arg18[%add3A_447] : memref<8192xf32, #tpu.memory_space<vmem>>[vector<16xi32>], vector<16xf32>,
        %sub3A_449 = arith.subf %gather3A_444, %gather3A_448 : vector<16xf32>
        %mul3A_450 = arith.mulf %unpack3A_424, %unpack3A_436 : vector<16xf32>
        %mul3A_451 = arith.mulf %unpack3A_425, %unpack3A_437 : vector<16xf32>
        %add3A_452 = arith.addf %mul3A_450, %mul3A_451 : vector<16xf32>
        %mul3A_453 = arith.mulf %unpack3A_428, %unpack3A_432 : vector<16xf32>
        %add3A_454 = arith.addf %add3A_452, %mul3A_453 : vector<16xf32>
        %mul3A_455 = arith.mulf %unpack3A_429, %unpack3A_433 : vector<16xf32>
        %add3A_456 = arith.addf %add3A_454, %mul3A_455 : vector<16xf32>
        %mul3A_457 = arith.mulf %unpack3A_425, %unpack3A_436 : vector<16xf32>
        %mul3A_458 = arith.mulf %unpack3A_424, %unpack3A_437 : vector<16xf32>
        %sub3A_459 = arith.subf %mul3A_457, %mul3A_458 : vector<16xf32>
        %mul3A_460 = arith.mulf %unpack3A_429, %unpack3A_432 : vector<16xf32>
        %add3A_461 = arith.addf %sub3A_459, %mul3A_460 : vector<16xf32>
        %mul3A_462 = arith.mulf %unpack3A_428, %unpack3A_433 : vector<16xf32>
        %sub3A_463 = arith.subf %add3A_461, %mul3A_462 : vector<16xf32>
        %sub3A_464 = arith.subf %sub3A_440, %add3A_456 : vector<16xf32>
        %sub3A_465 = arith.subf %sub3A_449, %sub3A_463 : vector<16xf32>
        %mul3A_466 = arith.mulf %sub3A_464, %sub3A_464 : vector<16xf32>
        %mul3A_467 = arith.mulf %sub3A_465, %sub3A_465 : vector<16xf32>
        %add3A_468 = arith.addf %mul3A_466, %mul3A_467 : vector<16xf32>
        %add3A_469 = arith.addf %add3A_273, %add3A_338 : vector<16xf32>
        %add3A_470 = arith.addf %add3A_403, %add3A_468 : vector<16xf32>
        %add3A_471 = arith.addf %add3A_469, %add3A_470 : vector<16xf32>
        %add3A_472 = arith.addf %scan3A_213, %add3A_471 : vector<16xf32>
        scf.yield %add3A_472 : vector<16xf32>
      }
      %scan3A_211 = arith.constant 64 : i32
      scf.yield %scan3A_210 : vector<16xf32>
    }
    %scan3A_24 = arith.constant 8 : i32
    %swap3A_25 = arith.constant 0 : index
    %swap3A_26 = tpu.vector_load %arg19[%swap3A_25] {strides = array<i32>} : memref<16xf32, #tpu.memory_space<vmem>>, vector<16xf32>,
    tpu.vector_store %arg19[%swap3A_25], %scan3A_23 {strides = array<i32>} : memref<16xf32, #tpu.memory_space<vmem>>, vector<16xf32>,
    %mul3A_27 = arith.constant 16 : i32
    %mul3A_28 = arith.muli %add3A, %mul3A_27 : i32
    "tpu.region"() ({
      %run_scoped3A = tpu.sem_alloc : memref<!tpu.dma_semaphore, #tpu.memory_space<semaphore_mem>>
      %dma_start3A = tpu.memref_slice %arg7[%mul3A_28] : memref<512xf32, #tpu.memory_space<hbm>> -> memref<16xf32, #tpu.memory_space<hbm>>
      %dma_start3A_29 = tpu.memref_slice %arg7[%mul3A_28] : memref<512xf32, #tpu.memory_space<hbm>> -> memref<16xf32, #tpu.memory_space<hbm>>
      tpu.enqueue_dma source(%arg19 : memref<16xf32, #tpu.memory_space<vmem>>) target(%dma_start3A_29 : memref<16xf32, #tpu.memory_space<hbm>>) target_semaphore(%run_scoped3A : memref<!tpu.dma_semaphore, #tpu.memory_space<semaphore_mem>>)
      %dma_wait3A = tpu.memref_slice %arg7[%mul3A_28] : memref<512xf32, #tpu.memory_space<hbm>> -> memref<16xf32, #tpu.memory_space<hbm>>
      %dma_wait3A_30 = tpu.memref_slice %arg7[%mul3A_28] : memref<512xf32, #tpu.memory_space<hbm>> -> memref<16xf32, #tpu.memory_space<hbm>>
      tpu.wait_dma2 semaphore(%run_scoped3A : memref<!tpu.dma_semaphore, #tpu.memory_space<semaphore_mem>>) src(%arg19 : memref<16xf32, #tpu.memory_space<vmem>>) dst(%dma_wait3A_30 : memref<16xf32, #tpu.memory_space<hbm>>)
      tpu.yield
    }) : () -> ()
    return
  }
}

</mosaic_0001>

<sc_bundles>
// kernel: kernel.3.cloned.1.call-start
scs
__scs_entry_jumppad:
0x0: {  	(pc) =	sbr.rel $0x88, $3  }
0x1: {  	(tag) =	ssettag $0x0;
	lr =	simm.s32 $0x1  }
0x2: {  	[smem:$0x3F99] =	sst lr;
	_ =	strace $0xD0000000  }
0x3: {  	_ = 	snop  }
0x4: {  	_ = 	snop  }
0x5: {  	_ = 	snop  }
0x6: {  	_ = 	snop  }
0x7: {  	_ = 	snop  }
__scs_overlays_trampoline_lowered:
0x8: {  	[smem:$0x3FA8] =	sst s0  }
0x9: {  	[smem:$0x3FA9] =	sst s1  }
0xa: {  	[smem:$0x3FAA] =	sst s2  }
0xb: {  	[smem:$0x3FAB] =	sst s3  }
0xc: {  	[smem:$0x3FAC] =	sst s4  }
0xd: {  	[smem:$0x3FAD] =	sst s5  }
0xe: {  	[smem:$0x3FAE] =	sst s6  }
0xf: {  	[smem:$0x3FAF] =	sst s7  }
0x10: {  	[smem:$0x3FB0] =	sst s8  }
0x11: {  	[smem:$0x3FB1] =	sst s9;
	s0 =	simm.s32 @!p0 $0x0  }
0x12: {  	s1 =	sld [smem:$0x3F97];
	s0 =	simm.s32 @p0 $0x1  }
0x13: {  	[smem:$0x3FB2] =	sst s0;
	s0 =	simm.s32 @!p1 $0x0  }
0x14: {  	s2 =	sld [smem:$0x3F96];
	s0 =	simm.s32 @p1 $0x1  }
0x15: {  	[smem:$0x3FB3] =	sst s0;
	s0 =	simm.s32 @!p2 $0x0  }
0x16: {  	s3 =	sld [smem:$0x3FDB];
	s0 =	simm.s32 @p2 $0x1  }
0x17: {  	s4 =	simm.s32 $0x1BF5;
	[smem:$0x3FB5] =	sst s0  }
0x18: {  	s0 =	sld [smem:$0x3F98];
	_ =	swait.ge [sflag:s4], $0x0  }
0x19: {  	s7 =	sld [smem:$0x3F99]  }
0x1a: {  	s8 =	sadd.s32 $0xFFFFE003, lr  }
0x1b: {  	s9 =	sadd.s32 $0xFFFFFEF7, lr;
	s5 =	simm.s32 $0xFFFFFFFF;
	p2 =	slt.u32 s8, $0xFFFFF086  }
0x1c: {  	p1 =	slt.u32 s9, $0xF7A;
	s5 =	simm.s32 @!p2 $0x0  }
0x1d: {  	s5 =	simm.s32 @p1 $0x1;
	p0 =	seq.s32 s7, s2  }
0x1e: {  	s7 =	smul.u32 @!p0 $0xF7A, s2;
	p2 =	seq.s32 @!p0 s5, $0x0  }
0x1f: {  	s9 =	smul.u32 $0xF7A, s1;
	s8 =	simm.s32 @!p0 $0x1BF5;
	p2 =	por !p2, p0  }
0x20: {  	[sflag:s8] =	ssyncset.s32 @!p0 $0xFFFFF086;
	s6 =	sadd.s32 @!p0 s3, s7;
	s7 =	simm.s32 @!p0 $0x108  }
0x21: {  	s3 =	sadd.s32 s3, s9;
	s6 =	sadd.s32 @!p0 $0x88, s6;
	s7 =	simm.s32 @p2 $0x1082  }
0x22: {  	[simem:s7], [sflag:s8] =	dma.local @!p0 [hbm:s6], $0xF7A  }
0x23: {  	s9 =	sor.u32 $0xD0000000, s2;
	s6 =	simm.s32 $0x108;
	_ =	swait.ge @!p0 [sflag:s8], $0x0  }
0x24: {  	s3 =	sadd.s32 $0x88, s3;
	s6 =	simm.s32 @!p1 $0x1082;
	[sflag:s4] =	ssyncset.s32 $0xFFFFF086  }
0x25: {  	[simem:s6], [sflag:s4] =	dma.local [hbm:s3], $0xF7A  }
0x26: {  	[smem:$0x3F99] =	sst s1;
	(tag) =	ssettag s2;
	_ =	strace s9  }
0x27: {  	s1 =	sld [smem:$0x3FA9]  }
0x28: {  	s2 =	sld [smem:$0x3FAA]  }
0x29: {  	s4 =	sld [smem:$0x3FAC]  }
0x2a: {  	p0 =	seq.s32 s5, $0x0;
	s5 =	sld [smem:$0x3FAD]  }
0x2b: {  	s6 =	sld [smem:$0x3FAE]  }
0x2c: {  	s7 =	sld [smem:$0x3FAF]  }
0x2d: {  	s3 =	simm.s32 $0x108;
	s8 =	sld [smem:$0x3FB0]  }
0x2e: {  	s3 =	simm.s32 @!p0 $0x1082;
	s9 =	sld [smem:$0x3FB1]  }
0x2f: {  	lr =	sadd.s32 s0, s3;
	s0 =	sld [smem:$0x3FA8]  }
0x30: {  	s3 =	sld [smem:$0x3FAB]  }
0x31: {  	[smem:$0x3FB4] =	sst s10  }
0x32: {  	s10 =	sld [smem:$0x3FB2];
	_ =	sdelay $0x3  }
0x33: {  	p0 =	seq.s32 s10, $0x1;
	s10 =	sld [smem:$0x3FB4];
	_ =	sdelay $0x3  }
0x34: {  	[smem:$0x3FB4] =	sst s10  }
0x35: {  	s10 =	sld [smem:$0x3FB3];
	_ =	sdelay $0x3  }
0x36: {  	p1 =	seq.s32 s10, $0x1;
	s10 =	sld [smem:$0x3FB4];
	_ =	sdelay $0x3  }
0x37: {  	[smem:$0x3FB4] =	sst s10  }
0x38: {  	s10 =	sld [smem:$0x3FB5]  }
0x39: {  	_ = 	snop;
	(pc) =	sbr.ind lr, $3  }
0x3a: {  	_ = 	snop  }
0x3b: {  	_ = 	snop  }
0x3c: {  	p2 =	seq.s32 s10, $0x1;
	s10 =	sld [smem:$0x3FB4]  }
0x3d: {  	_ =	shalt  }
0x3e: {  	_ =	shalt  }
0x3f: {  	_ =	shalt  }
0x40: {  	_ =	shalt  }
0x41: {  	_ =	shalt  }
0x42: {  	_ =	shalt  }
0x43: {  	_ =	shalt  }
0x44: {  	_ =	shalt  }
0x45: {  	_ =	shalt  }
0x46: {  	_ =	shalt  }
0x47: {  	_ =	shalt  }
0x48: {  	_ =	shalt  }
0x49: {  	_ =	shalt  }
0x4a: {  	_ =	shalt  }
0x4b: {  	_ =	shalt  }
0x4c: {  	_ =	shalt  }
0x4d: {  	_ =	shalt  }
0x4e: {  	_ =	shalt  }
0x4f: {  	_ =	shalt  }
0x50: {  	_ =	shalt  }
0x51: {  	_ =	shalt  }
0x52: {  	_ =	shalt  }
0x53: {  	_ =	shalt  }
0x54: {  	_ =	shalt  }
0x55: {  	_ =	shalt  }
0x56: {  	_ =	shalt  }
0x57: {  	_ =	shalt  }
0x58: {  	_ =	shalt  }
0x59: {  	_ =	shalt  }
0x5a: {  	_ =	shalt  }
0x5b: {  	_ =	shalt  }
0x5c: {  	_ =	shalt  }
0x5d: {  	_ =	shalt  }
0x5e: {  	_ =	shalt  }
0x5f: {  	_ =	shalt  }
0x60: {  	_ =	shalt  }
0x61: {  	_ =	shalt  }
0x62: {  	_ =	shalt  }
0x63: {  	_ =	shalt  }
0x64: {  	_ =	shalt  }
0x65: {  	_ =	shalt  }
0x66: {  	_ =	shalt  }
0x67: {  	_ =	shalt  }
0x68: {  	_ =	shalt  }
0x69: {  	_ =	shalt  }
0x6a: {  	_ =	shalt  }
0x6b: {  	_ =	shalt  }
0x6c: {  	_ =	shalt  }
0x6d: {  	_ =	shalt  }
0x6e: {  	_ =	shalt  }
0x6f: {  	_ =	shalt  }
0x70: {  	_ =	shalt  }
0x71: {  	_ =	shalt  }
0x72: {  	_ =	shalt  }
0x73: {  	_ =	shalt  }
0x74: {  	_ =	shalt  }
0x75: {  	_ =	shalt  }
0x76: {  	_ =	shalt  }
0x77: {  	_ =	shalt  }
0x78: {  	_ =	shalt  }
0x79: {  	_ =	shalt  }
0x7a: {  	_ =	shalt  }
0x7b: {  	_ =	shalt  }
0x7c: {  	_ =	shalt  }
0x7d: {  	_ =	shalt  }
0x7e: {  	_ =	shalt  }
0x7f: {  	_ =	shalt  }
0x80: {  	_ =	shalt  }
0x81: {  	_ =	shalt  }
0x82: {  	_ =	shalt  }
0x83: {  	_ =	shalt  }
0x84: {  	_ =	shalt  }
0x85: {  	_ =	shalt  }
0x86: {  	_ =	shalt  }
0x87: {  	_ =	shalt  }
.Lfunc_end0:
.L_simem_size_0:
called_computation.2_lowered:
.L_overlay_start_0:
0x88: {  	s2 =	sld [smem:$0x3FD9]  }
0x89: {  	s3 =	sld [smem:$0x3FFE];
	_ =	sdelay $0x1  }
0x8a: {  	s1 =	srdreg.scid  }
0x8b: {  	s0 =	sand.u32 $0x1, s1  }
0x8c: {  	s16 =	sshll.u32 s0, $0xA;
	s2 =	sadd.s32 s3, s2  }
0x8d: {  	s2 =	sadd.s32 s2, s16  }
0x8e: {  	[smem:$0x3FC0] =	sst s2  }
0x8f: {  	_ = 	snop  }
0x90: {  	(tm) =	ssettm $0x1  }
0x91: {  	s17 =	sld [smem:$0x3FFB];
	_ =	sdelay $0x3  }
0x92: {  	_ =	strace s17  }
0x93: {  	s2 =	sld [smem:$0x3FFC];
	_ =	sdelay $0x3  }
0x94: {  	_ =	strace s2  }
0x95: {  	s2 =	sld [smem:$0x3FFD];
	_ =	sdelay $0x3  }
0x96: {  	_ =	strace s2  }
0x97: {  	_ =	strace $0x8FFFFFFF  }
0x98: {  	s18 =	sld [smem:$0x3FDB];
	_ =	sdelay $0x1  }
0x99: {  	s19 =	simm.s32 $_scs_section_size  }
0x9a: {  	s4 =	simm.s32 $_size__tile_overlayer_lowered;
	s5 =	simm.s32 $_tile_overlayer_lowered  }
0x9b: {  	s22 =	simm.s32 $0x1BFF;
	s21 =	sshll.u32 s5, $0x1;
	s2 =	sadd.s32 s19, s18  }
0x9c: {  	s6 =	simm.s32 $0x0;
	s20 =	sshll.u32 s4, $0x1;
	s4 =	sadd.s32 s21, s2  }
0x9d: {  	[timem:s6], [sflag:s22] =	dma.local [hbm:s4], s20  }
0x9e: {  	_ =	swait.ge [sflag:s22], s20  }
0x9f: {  	s3 =	ssub.s32 $0x0, s20;
	[sflag:s22] =	ssyncset.done $0x0  }
0xa0: {  	[sflag:s22] =	ssyncadd.s32 s3;
	_ =	sdelay $0x1  }
0xa1: {  	s23 =	simm.s32 $0x1B8B  }
0xa2: {  	_ =	swait.ge [sflag:s23], $0x1  }
0xa3: {  	[sflag:s23] =	ssyncset.done $0x0  }
0xa4: {  	s25 =	simm.s32 $0x1B8E;
	s24 =	sld [smem:$0x3FFE];
	[sflag:s23] =	ssyncadd.s32 $0xFFFFFFFF  }
0xa5: {  	s26 =	simm.s32 $execute0_lowered;
	[smem:$0x3FD2] =	sst s25  }
0xa6: {  	s4 =	sshll.u32 s26, $0x1;
	_ =	strace $0x8000004C;
	[dreg:$0x1] =	wrdreg $0xFFFFFFFF  }
0xa7: {  	s28 =	simm.s32 $_size_execute0_lowered;
	s2 =	sadd.s32 s2, s4;
	[dreg:$0x0] =	wrdreg $0x0  }
0xa8: {  	s4 =	sshll.u32 s28, $0x1;
	[dreg:$0x2] =	wrdreg s2  }
0xa9: {  	[dreg:$0x3] =	wrdreg s4  }
0xaa: {  	[dreg:$0x4] =	wrdreg $0xC0  }
0xab: {  	_ =	task [dreg:s6], $0x5FFFF  }
0xac: {  	[dreg:$0x1] =	wrdreg $0xFFFFFFFF  }
0xad: {  	[dreg:$0x0] =	wrdreg $0x60  }
0xae: {  	[dreg:$0x2] =	wrdreg s24  }
0xaf: {  	[dreg:$0x3] =	wrdreg $0x9  }
0xb0: {  	_ =	task.clear_ibuf [dreg:s6], $0x4FFFF;
	_ =	strace $0x9000004C  }
0xb1: {  	s29 =	simm.s32 $0x9;
	_ =	strace $0x8000004E  }
0xb2: {  	_ =	swait.ge [sflag:s29], $0x1  }
0xb3: {  	[sflag:s29] =	ssyncadd.s32 $0xFFFFFFFF  }
0xb4: {  	_ =	strace $0x9000004E  }
0xb5: {  	_ =	sfence  }
0xb6: {  	s30 =	sld [smem:$0x0];
	_ =	sdelay $0x2  }
0xb7: {  	s31 =	sshll.u32 s1, $0xD;
	s1 =	sshrl.u32 s1, $0x2  }
0xb8: {  	s3 =	sand.u32 $0x4000, s31;
	s1 =	sadd.s32 s1, s30  }
0xb9: {  	s0 =	sor.u32 s3, s0;
	s1 =	sshll.u32 s1, $0x11  }
0xba: {  	s0 =	sor.u32 s1, s0  }
0xbb: {  	s0 =	sadd.s32 $0x8F2B, s0  }
0xbc: {  	[sflag:s0] =	ssyncadd.remote.s32 $0x1  }
0xbd: {  	_ =	sfence.sel $0xFFFF  }
0xbe: {  	[dreg:$0x0] =	wrdreg $0xFFFFFFFF;
	(pc) =	sbr.abs _section_cstart, $3  }
0xbf: {  	[dreg:$0x1] =	wrdreg $0xFFFFFFFF  }
0xc0: {  	_ =	task.clear_ibuf [dreg:s6], $0x2FFFF;
	_ =	strace $0x9FFFFFFF  }
0xc1: {  	(tm) =	ssettm $0x7FFFFFFF  }
tec
execute0_lowered:
.L_overlay_start_1:
0x0: {  	(tag) =	ssettag $0x1  }
0x1: {  	s0 =	rddreg [dreg:$0x0]  }
0x2: {  	s1 =	simm.s32 $0x0;
	s2 =	srdreg.scid;
	s4 =	stileid.u32  }
0x3: {  	s12 =	simm.s32 $0xA100;
	s13 =	simm.s32 $0x4;
	s14 =	simm.s32 $0xE100  }
0x4: {  	s15 =	simm.s32 $0x1;
	s16 =	simm.s32 $0x80;
	s17 =	simm.s32 $0x400  }
0x5: {  	s18 =	simm.s32 $0x6100;
	s19 =	simm.s32 $0x8100;
	s20 =	simm.s32 $0x12100  }
0x6: {  	s21 =	simm.s32 $0x16100;
	s22 =	simm.s32 $0x14100;
	s23 =	simm.s32 $0x18100  }
0x7: {  	s24 =	simm.s32 $0x2;
	s28 =	simm.s32 $0x3;
	s30 =	simm.s32 $0x0  }
0x8: {  	[smem:$0x7FF] =	sst s1;
	s3 =	sadd.s32 $0x1A00, s0;
	s5 =	sadd.s32 $0xA01A00, s0  }
0x9: {  	s2 =	sand.u32 $0x1, s2;
	s4 =	sshll.u32 s4, $0x1;
	s25 =	sadd.s32 $0xA02200, s0  }
0xa: {  	s26 =	sadd.s32 $0xA02A00, s0;
	_ =	strace $0x8000004D;
	[dreg:$0x2] =	wrdreg s5  }
0xb: {  	v0 =	vlaneseq.u32;
	s7 =	sadd.s32 $0xA03200, s0;
	s9 =	sadd.s32 $0x3A00, s0;
	[dreg:$0x3] =	wrdreg s25  }
0xc: {  	v0 =	vmul.u32 $0x2, v0;
	s6 =	sor.u32 s2, s4;
	s2 =	ssub.s32 $0x2, s2;
	[dreg:$0x4] =	wrdreg s26  }
0xd: {  	[dreg:$0x5] =	wrdreg s7;
	s29 =	sshll.u32 s6, $0x1;
	s31 =	sshrl.u32 s2, $0x1  }
0xe: {  	v1 =	vimm.f32 $0.0e+00;
	s25 =	simm.s32 $0x4000;
	v2 =	vor.u32 $0x1, v0;
	s4 =	sadd.s32 s29, s0;
	s2 =	ssub.s32 s2, s31  }
0xf: {  	s26 =	simm.s32 $0x5080;
	v3 =	vor.u32 $0x21, v0;
	v4 =	vor.u32 $0x41, v0;
	v5 =	vor.u32 $0x61, v0;
	s10 =	sadd.s32 $0x281A00, s4;
	s11 =	smax.u32 s2, $0x1  }
.LBB2_1:
0x10: {  	[tilespmem:$0x5000] =	vst v1  }
0x11: {  	[tilespmem:$0x6080] =	vst v1;
	s0 =	rddreg [dreg:$0x2]  }
0x12: {  	[tilespmem:s12], [sflag:$0x4] =	stream.linear.gather [hbm4b:s0+s1], $0x4000, $0x38;
	[tilespmem:$0x1A180] =	vst v63  }
0x13: {  	_ =	swait.ge [sflag:s13], $0x4000  }
0x14: {  	[sflag:s13] =	ssyncset.done $0x0  }
0x15: {  	v6 =	vor.u32 s1, v0;
	s29 =	rddreg [dreg:$0x4];
	[sflag:s13] =	ssyncadd.s32 $0xFFFFC000  }
0x16: {  	v7 =	vor.u32 s1, v2;
	[tilespmem:s14], [sflag:$0x4] =	stream.linear.gather [hbm4b:s29+s1], $0x4000, $0x38;
	[tilespmem:$0x1A180] =	vst v63  }
0x17: {  	_ =	swait.ge [sflag:s13], $0x4000  }
0x18: {  	[sflag:s13] =	ssyncset.done $0x0  }
0x19: {  	[sflag:s13] =	ssyncadd.s32 $0xFFFFC000  }
0x1a: {  	v8 =	vld.idx.msk [tilespmem:v6+s14+$0x0], $0xffff  }
0x1b: {  	v9 =	vld.idx.msk [tilespmem:v7+s14+$0x0], $0xffff  }
0x1c: {  	v6 =	vld.idx.msk [tilespmem:v6+s12+$0x0], $0xffff  }
0x1d: {  	v7 =	vld.idx.msk [tilespmem:v7+s12+$0x0], $0xffff;
	_ =	sdelay $0x1  }
0x1e: {  	s31 =	simm.s32 $0x20  }
0x1f: {  	vm0 =	vle.f32 v8, $0.0e+00;
	vm1 =	vle.f32 v9, $0.0e+00;
	v8 =	vor.u32 s31, v0  }
0x20: {  	v9 =	vor.u32 s31, v2;
	vm0 =	vmand vm0, vm1  }
0x21: {  	v7 =	vshll.u32 v7, $0x10;
	v6 =	vnsel vm0, $0x1000, v6  }
0x22: {  	s0 =	simm.s32 $0x10;
	v6 =	vor.u32 v7, v6  }
0x23: {  	[tilespmem:s0+$0xFFFFFFF0] =	vst v6  }
0x24: {  	v6 =	vld.idx.msk [tilespmem:v8+s14+$0x0], $0xffff  }
0x25: {  	v7 =	vld.idx.msk [tilespmem:v9+s14+$0x0], $0xffff  }
0x26: {  	v9 =	vld.idx.msk [tilespmem:v9+s12+$0x0], $0xffff;
	_ =	sdelay $0x1  }
0x27: {  	v8 =	vld.idx.msk [tilespmem:v8+s12+$0x0], $0xffff  }
0x28: {  	s2 =	simm.s32 $0x40  }
0x29: {  	vm0 =	vle.f32 v6, $0.0e+00;
	v6 =	vor.u32 s2, v0;
	vm1 =	vle.f32 v7, $0.0e+00  }
0x2a: {  	s4 =	simm.s32 $0x80;
	s5 =	simm.s32 $0x10;
	v7 =	vor.u32 s2, v2;
	v9 =	vshll.u32 v9, $0x10;
	vm0 =	vmand vm0, vm1  }
.LBB2_2:
0x2b: {  	p0 =	sne.s32 s4, $0x3FC0  }
0x2c: {  	v8 =	vnsel vm0, $0x1000, v8;
	s0 =	sadd.s32 $0x20, s0;
	s7 =	smov.u32 s4;
	s4 =	sadd.s32 $0x40, s4  }
0x2d: {  	v8 =	vor.u32 v9, v8  }
0x2e: {  	[tilespmem:s5+$0x0] =	vst v8;
	s5 =	smov.u32 s0  }
0x2f: {  	v8 =	vld.idx.msk [tilespmem:v6+s14+$0x0], $0xffff  }
0x30: {  	v9 =	vld.idx.msk [tilespmem:v7+s14+$0x0], $0xffff  }
0x31: {  	v6 =	vld.idx.msk [tilespmem:v6+s12+$0x0], $0xffff  }
0x32: {  	v7 =	vld.idx.msk [tilespmem:v7+s12+$0x0], $0xffff;
	_ =	sdelay $0x2  }
0x33: {  	s29 =	sadd.s32 $0x20, s2;
	s2 =	smov.u32 s7  }
0x34: {  	vm0 =	vle.f32 v8, $0.0e+00;
	v8 =	vor.u32 s29, v2;
	vm1 =	vle.f32 v9, $0.0e+00  }
0x35: {  	v9 =	vor.u32 s29, v0;
	vm0 =	vmand vm0, vm1  }
0x36: {  	v6 =	vnsel vm0, $0x1000, v6;
	v7 =	vshll.u32 v7, $0x10  }
0x37: {  	v6 =	vor.u32 v7, v6  }
0x38: {  	[tilespmem:s0+$0xFFFFFFF0] =	vst v6  }
0x39: {  	v10 =	vld.idx.msk [tilespmem:v8+s12+$0x0], $0xffff  }
0x3a: {  	v6 =	vld.idx.msk [tilespmem:v9+s14+$0x0], $0xffff  }
0x3b: {  	v7 =	vld.idx.msk [tilespmem:v8+s14+$0x0], $0xffff  }
0x3c: {  	v8 =	vld.idx.msk [tilespmem:v9+s12+$0x0], $0xffff;
	_ =	sdelay $0x1  }
.Ltmp0:
0x3d: {  	(pc) =	sbr.rel @p0 .LBB2_2-.Ltmp0, $4  }
0x3e: {  	_ = 	snop  }
0x3f: {  	vm0 =	vle.f32 v6, $0.0e+00  }
0x40: {  	v6 =	vor.u32 s2, v0;
	vm1 =	vle.f32 v7, $0.0e+00  }
0x41: {  	v9 =	vshll.u32 v10, $0x10;
	v7 =	vor.u32 s2, v2;
	vm0 =	vmand vm0, vm1  }
0x42: {  	_ = 	snop  }
0x43: {  	v8 =	vnsel vm0, $0x1000, v8  }
0x44: {  	v8 =	vor.u32 v9, v8  }
0x45: {  	[tilespmem:s5+$0x0] =	vst v8  }
0x46: {  	v8 =	vld.idx.msk [tilespmem:v6+s14+$0x0], $0xffff  }
0x47: {  	v9 =	vld.idx.msk [tilespmem:v7+s14+$0x0], $0xffff  }
0x48: {  	v6 =	vld.idx.msk [tilespmem:v6+s12+$0x0], $0xffff  }
0x49: {  	v7 =	vld.idx.msk [tilespmem:v7+s12+$0x0], $0xffff;
	_ =	sdelay $0x1  }
0x4a: {  	s2 =	sadd.s32 $0x20, s2  }
0x4b: {  	vm0 =	vle.f32 v8, $0.0e+00;
	vm1 =	vle.f32 v9, $0.0e+00;
	v8 =	vor.u32 s2, v0  }
0x4c: {  	v9 =	vor.u32 s2, v2;
	vm0 =	vmand vm0, vm1  }
0x4d: {  	v7 =	vshll.u32 v7, $0x10;
	v6 =	vnsel vm0, $0x1000, v6  }
0x4e: {  	s0 =	sadd.s32 $0x20, s0;
	v6 =	vor.u32 v7, v6  }
0x4f: {  	[tilespmem:s0+$0xFFFFFFF0] =	vst v6  }
0x50: {  	v6 =	vld.idx.msk [tilespmem:v8+s14+$0x0], $0xffff  }
0x51: {  	v7 =	vld.idx.msk [tilespmem:v9+s14+$0x0], $0xffff  }
0x52: {  	v9 =	vld.idx.msk [tilespmem:v9+s12+$0x0], $0xffff  }
0x53: {  	v8 =	vld.idx.msk [tilespmem:v8+s12+$0x0], $0xffff;
	_ =	sdelay $0x2  }
0x54: {  	vm0 =	vle.f32 v6, $0.0e+00;
	vm1 =	vle.f32 v7, $0.0e+00  }
0x55: {  	vm0 =	vmand vm0, vm1  }
0x56: {  	v6 =	vshll.u32 v9, $0x10;
	v7 =	vnsel vm0, $0x1000, v8  }
0x57: {  	v6 =	vor.u32 v6, v7  }
0x58: {  	s31 =	simm.s32 $0x0;
	s5 =	rddreg [dreg:$0x3];
	[tilespmem:s0+$0x0] =	vst v6  }
0x59: {  	[tilespmem:s12], [sflag:$0x4] =	stream.linear.gather [hbm4b:s5+s31], $0x4000, $0x38;
	[tilespmem:$0x1A180] =	vst v63  }
0x5a: {  	_ =	swait.ge [sflag:s13], $0x4000  }
0x5b: {  	[sflag:s13] =	ssyncset.done $0x0  }
0x5c: {  	v6 =	vor.u32 s31, v0;
	s7 =	rddreg [dreg:$0x5];
	[sflag:s13] =	ssyncadd.s32 $0xFFFFC000  }
0x5d: {  	v7 =	vor.u32 s31, v2;
	[tilespmem:s14], [sflag:$0x4] =	stream.linear.gather [hbm4b:s7+s31], $0x4000, $0x38;
	[tilespmem:$0x1A180] =	vst v63  }
0x5e: {  	_ =	swait.ge [sflag:s13], $0x4000  }
0x5f: {  	[sflag:s13] =	ssyncset.done $0x0  }
0x60: {  	[sflag:s13] =	ssyncadd.s32 $0xFFFFC000  }
0x61: {  	v8 =	vld.idx.msk [tilespmem:v6+s14+$0x0], $0xffff  }
0x62: {  	v9 =	vld.idx.msk [tilespmem:v7+s14+$0x0], $0xffff  }
0x63: {  	v6 =	vld.idx.msk [tilespmem:v6+s12+$0x0], $0xffff  }
0x64: {  	v7 =	vld.idx.msk [tilespmem:v7+s12+$0x0], $0xffff;
	_ =	sdelay $0x1  }
0x65: {  	s0 =	simm.s32 $0x20  }
0x66: {  	vm0 =	vle.f32 v8, $0.0e+00;
	vm1 =	vle.f32 v9, $0.0e+00;
	v8 =	vor.u32 s0, v0  }
0x67: {  	v9 =	vor.u32 s0, v2;
	vm0 =	vmand vm0, vm1  }
0x68: {  	v7 =	vshll.u32 v7, $0x10;
	v6 =	vnsel vm0, $0x1000, v6  }
0x69: {  	s8 =	sand.u32 $0x1FE0, s31;
	v6 =	vor.u32 v7, v6  }
0x6a: {  	[tilespmem:s8+$0x2000] =	vst v6  }
0x6b: {  	v6 =	vld.idx.msk [tilespmem:v8+s14+$0x0], $0xffff  }
0x6c: {  	v7 =	vld.idx.msk [tilespmem:v9+s14+$0x0], $0xffff  }
0x6d: {  	v9 =	vld.idx.msk [tilespmem:v9+s12+$0x0], $0xffff;
	_ =	sdelay $0x1  }
0x6e: {  	v8 =	vld.idx.msk [tilespmem:v8+s12+$0x0], $0xffff  }
0x6f: {  	s4 =	simm.s32 $0x40  }
0x70: {  	vm0 =	vle.f32 v6, $0.0e+00;
	v6 =	vor.u32 s4, v0;
	vm1 =	vle.f32 v7, $0.0e+00  }
0x71: {  	s29 =	simm.s32 $0x2010;
	s2 =	simm.s32 $0x2010;
	s5 =	simm.s32 $0x40;
	v7 =	vor.u32 s4, v2;
	v9 =	vshll.u32 v9, $0x10;
	vm0 =	vmand vm0, vm1  }
.LBB2_4:
0x72: {  	p0 =	sne.s32 s5, $0x1FE0  }
0x73: {  	v8 =	vnsel vm0, $0x1000, v8;
	s2 =	sadd.s32 $0x20, s2;
	s7 =	smov.u32 s5;
	s5 =	sadd.s32 $0x20, s5  }
0x74: {  	v8 =	vor.u32 v9, v8  }
0x75: {  	[tilespmem:s29+$0x0] =	vst v8;
	s29 =	smov.u32 s2  }
0x76: {  	v8 =	vld.idx.msk [tilespmem:v6+s14+$0x0], $0xffff  }
0x77: {  	v9 =	vld.idx.msk [tilespmem:v7+s14+$0x0], $0xffff  }
0x78: {  	v6 =	vld.idx.msk [tilespmem:v6+s12+$0x0], $0xffff  }
0x79: {  	v7 =	vld.idx.msk [tilespmem:v7+s12+$0x0], $0xffff;
	_ =	sdelay $0x2  }
0x7a: {  	s8 =	sadd.s32 $0x20, s4  }
0x7b: {  	vm0 =	vle.f32 v8, $0.0e+00;
	v8 =	vor.u32 s8, v2;
	vm1 =	vle.f32 v9, $0.0e+00  }
0x7c: {  	v9 =	vor.u32 s8, v0;
	vm0 =	vmand vm0, vm1  }
0x7d: {  	v6 =	vnsel vm0, $0x1000, v6;
	v7 =	vshll.u32 v7, $0x10  }
0x7e: {  	s8 =	sand.u32 $0x1FE0, s0;
	s0 =	smov.u32 s7;
	v6 =	vor.u32 v7, v6  }
0x7f: {  	[tilespmem:s8+$0x2000] =	vst v6  }
0x80: {  	v10 =	vld.idx.msk [tilespmem:v8+s12+$0x0], $0xffff  }
0x81: {  	v6 =	vld.idx.msk [tilespmem:v9+s14+$0x0], $0xffff  }
0x82: {  	v7 =	vld.idx.msk [tilespmem:v8+s14+$0x0], $0xffff  }
0x83: {  	v8 =	vld.idx.msk [tilespmem:v9+s12+$0x0], $0xffff;
	_ =	sdelay $0x1  }
.Ltmp1:
0x84: {  	s4 =	sadd.s32 $0x40, s4;
	(pc) =	sbr.rel @p0 .LBB2_4-.Ltmp1, $4  }
0x85: {  	_ = 	snop  }
0x86: {  	vm0 =	vle.f32 v6, $0.0e+00  }
0x87: {  	v6 =	vor.u32 s4, v0;
	vm1 =	vle.f32 v7, $0.0e+00  }
0x88: {  	v9 =	vshll.u32 v10, $0x10;
	v7 =	vor.u32 s4, v2;
	vm0 =	vmand vm0, vm1  }
0x89: {  	_ = 	snop  }
0x8a: {  	v8 =	vnsel vm0, $0x1000, v8  }
0x8b: {  	v8 =	vor.u32 v9, v8  }
0x8c: {  	[tilespmem:s29+$0x0] =	vst v8  }
0x8d: {  	v8 =	vld.idx.msk [tilespmem:v6+s14+$0x0], $0xffff  }
0x8e: {  	v62 =	vld.idx.msk [tilespmem:v7+s14+$0x0], $0xffff  }
0x8f: {  	v6 =	vld.idx.msk [tilespmem:v6+s12+$0x0], $0xffff  }
0x90: {  	v7 =	vld.idx.msk [tilespmem:v7+s12+$0x0], $0xffff;
	_ =	sdelay $0x1  }
0x91: {  	s4 =	sadd.s32 $0x20, s4  }
0x92: {  	vm13 =	vle.f32 v8, $0.0e+00;
	vm1 =	vle.f32 v62, $0.0e+00;
	v8 =	vor.u32 s4, v0  }
0x93: {  	v63 =	vor.u32 s4, v2;
	vm0 =	vmand vm13, vm1  }
0x94: {  	v7 =	vshll.u32 v7, $0x10;
	v6 =	vnsel vm0, $0x1000, v6  }
0x95: {  	s0 =	sand.u32 $0x1FE0, s0;
	v6 =	vor.u32 v7, v6  }
0x96: {  	[tilespmem:s0+$0x2000] =	vst v6  }
0x97: {  	v6 =	vld.idx.msk [tilespmem:v8+s14+$0x0], $0xffff  }
0x98: {  	v7 =	vld.idx.msk [tilespmem:v63+s14+$0x0], $0xffff  }
0x99: {  	v9 =	vld.idx.msk [tilespmem:v63+s12+$0x0], $0xffff  }
0x9a: {  	v8 =	vld.idx.msk [tilespmem:v8+s12+$0x0], $0xffff;
	_ =	sdelay $0x2  }
0x9b: {  	vm14 =	vle.f32 v6, $0.0e+00;
	vm15 =	vle.f32 v7, $0.0e+00  }
0x9c: {  	vm0 =	vmand vm14, vm15  }
0x9d: {  	v6 =	vshll.u32 v9, $0x10;
	v7 =	vnsel vm0, $0x1000, v8  }
0x9e: {  	s29 =	sadd.s32 $0x20, s2;
	v6 =	vor.u32 v6, v7  }
0x9f: {  	[tilespmem:s29+$0x0] =	vst v6;
	v6 =	vimm.f32 $0.0e+00  }
.LBB2_6:
0xa0: {  	s0 =	sor.u32 s6, s31  }
0xa1: {  	p1 =	sne.s32 s31, $0x0;
	p0 =	seq.s32 s0, $0x0  }
0xa2: {  	p0 =	por !p1, !p0  }
0xa3: {  	s0 =	simm.s32 $0x1;
	p0 =	por !p0, !p0  }
0xa4: {  	s0 =	simm.s32 @!p0 $0x0  }
0xa5: {  	s0 =	ssub.s32 s6, s0  }
0xa6: {  	s0 =	smul.u32 $0xA0000, s0  }
0xa7: {  	s2 =	sshll.u32 s31, $0x7  }
0xa8: {  	s4 =	sor.u32 s2, s0  }
0xa9: {  	s0 =	sadd.s32 s2, s0;
	s4 =	sshrl.u32 s4, $0x3  }
0xaa: {  	s2 =	sadd.s32 $0x20000, s0;
	s5 =	sadd.s32 s3, s4  }
0xab: {  	[tilespmem:s18], [sflag:$0x1] =	stream.strided.gather [hbm4b:s5+s16], $0x2000, s17, s16, $0x38;
	[tilespmem:$0x1A180] =	vst v63  }
0xac: {  	s4 =	sadd.s32 s4, s9;
	s2 =	sshrl.u32 s2, $0x3  }
0xad: {  	[tilespmem:s19], [sflag:$0x1] =	stream.strided.gather [hbm4b:s4+s16], $0x2000, s17, s16, $0x38;
	[tilespmem:$0x1A180] =	vst v63  }
0xae: {  	s8 =	sadd.s32 $0x60000, s0;
	s2 =	sadd.s32 s3, s2  }
0xaf: {  	[tilespmem:s20], [sflag:$0x2] =	stream.strided.gather [hbm4b:s2+s16], $0x2000, s17, s16, $0x38;
	[tilespmem:$0x1A180] =	vst v63  }
0xb0: {  	s2 =	sshrl.u32 s8, $0x3  }
0xb1: {  	s4 =	sadd.s32 $0x30000, s0;
	s2 =	sadd.s32 s3, s2  }
0xb2: {  	[tilespmem:s21], [sflag:$0x2] =	stream.strided.gather [hbm4b:s2+s16], $0x2000, s17, s16, $0x38;
	[tilespmem:$0x1A180] =	vst v63  }
0xb3: {  	s2 =	sshrl.u32 s4, $0x3  }
0xb4: {  	s5 =	sadd.s32 $0x70000, s0;
	s2 =	sadd.s32 s3, s2  }
0xb5: {  	[tilespmem:s22], [sflag:$0x3] =	stream.strided.gather [hbm4b:s2+s16], $0x2000, s17, s16, $0x38;
	[tilespmem:$0x1A180] =	vst v63  }
0xb6: {  	s2 =	sshrl.u32 s5, $0x3  }
0xb7: {  	s2 =	sadd.s32 s3, s2  }
0xb8: {  	[tilespmem:s23], [sflag:$0x3] =	stream.strided.gather [hbm4b:s2+s16], $0x2000, s17, s16, $0x38;
	[tilespmem:$0x1A180] =	vst v63  }
0xb9: {  	s7 =	simm.s32 $0x0;
	_ =	swait.ge [sflag:s15], $0x2000  }
0xba: {  	v7 =	vor.u32 s7, v2;
	[sflag:s15] =	ssyncset.done $0x0  }
0xbb: {  	v8 =	vor.u32 s7, v0;
	[sflag:s15] =	ssyncadd.s32 $0xFFFFE000  }
0xbc: {  	_ =	swait.ge [sflag:s15], $0x2000  }
0xbd: {  	[sflag:s15] =	ssyncset.done $0x0  }
0xbe: {  	[sflag:s15] =	ssyncadd.s32 $0xFFFFE000  }
0xbf: {  	v9 =	vld.idx.msk [tilespmem:v7+s19+$0x0], $0xffff  }
0xc0: {  	v10 =	vld.idx.msk [tilespmem:v8+s19+$0x0], $0xffff  }
0xc1: {  	v8 =	vld.idx.msk [tilespmem:v8+s18+$0x0], $0xffff  }
0xc2: {  	v7 =	vld.idx.msk [tilespmem:v7+s18+$0x0], $0xffff;
	_ =	sdelay $0x3  }
0xc3: {  	s8 =	simm.s32 $0x20  }
0xc4: {  	v11 =	vor.u32 s8, v0;
	v8 =	vsub.f32 v8, v10;
	v7 =	vsub.f32 v7, v9  }
0xc5: {  	v12 =	vor.u32 s8, v2  }
0xc6: {  	s2 =	simm.s32 $0x4010;
	v7 =	vpack.i.f32.bf16 v7, v8  }
0xc7: {  	s4 =	simm.s32 $0x5090;
	v8 =	vpack.i.f32.bf16 v9, v10;
	[tilespmem:s2+$0xFFFFFFF0] =	vst v7  }
0xc8: {  	[tilespmem:s4+$0xFFFFFFF0] =	vst v8  }
0xc9: {  	v8 =	vld.idx.msk [tilespmem:v11+s18+$0x0], $0xffff  }
0xca: {  	v7 =	vld.idx.msk [tilespmem:v12+s19+$0x0], $0xffff  }
0xcb: {  	v9 =	vld.idx.msk [tilespmem:v11+s19+$0x0], $0xffff  }
0xcc: {  	s29 =	simm.s32 $0x5090;
	s7 =	simm.s32 $0x40;
	s5 =	simm.s32 $0x4010;
	v10 =	vld.idx.msk [tilespmem:v12+s18+$0x0], $0xffff  }
.LBB2_7:
0xcd: {  	_ =	sdelay $0x1  }
0xce: {  	p0 =	sne.s32 s7, $0x1FC0;
	s2 =	sadd.s32 $0x20, s2;
	s4 =	sadd.s32 $0x20, s4  }
0xcf: {  	s8 =	smov.u32 s7;
	s7 =	sadd.s32 $0x40, s7;
	v8 =	vsub.f32 v8, v9;
	v9 =	vpack.i.f32.bf16 v7, v9  }
0xd0: {  	v11 =	vor.u32 s8, v0;
	v12 =	vor.u32 s8, v2;
	v7 =	vsub.f32 v10, v7;
	_ =	sdelay $0x1  }
0xd1: {  	v7 =	vpack.i.f32.bf16 v7, v8  }
0xd2: {  	[tilespmem:s5+$0x0] =	vst v7;
	s5 =	smov.u32 s2  }
0xd3: {  	[tilespmem:s29+$0x0] =	vst v9;
	s29 =	smov.u32 s4  }
0xd4: {  	v7 =	vld.idx.msk [tilespmem:v12+s19+$0x0], $0xffff  }
0xd5: {  	v8 =	vld.idx.msk [tilespmem:v11+s19+$0x0], $0xffff  }
0xd6: {  	v9 =	vld.idx.msk [tilespmem:v11+s18+$0x0], $0xffff  }
0xd7: {  	v10 =	vld.idx.msk [tilespmem:v12+s18+$0x0], $0xffff;
	_ =	sdelay $0x3  }
0xd8: {  	v11 =	vpack.i.f32.bf16 v7, v8  }
0xd9: {  	s8 =	sadd.s32 $0x20, s8;
	v8 =	vsub.f32 v9, v8  }
0xda: {  	v9 =	vor.u32 s8, v0;
	v7 =	vsub.f32 v10, v7  }
0xdb: {  	v10 =	vor.u32 s8, v2  }
0xdc: {  	v7 =	vpack.i.f32.bf16 v7, v8  }
0xdd: {  	[tilespmem:s2+$0xFFFFFFF0] =	vst v7  }
.Ltmp2:
0xde: {  	[tilespmem:s4+$0xFFFFFFF0] =	vst v11;
	(pc) =	sbr.rel @p0 .LBB2_7-.Ltmp2, $4  }
0xdf: {  	v8 =	vld.idx.msk [tilespmem:v9+s18+$0x0], $0xffff  }
0xe0: {  	v7 =	vld.idx.msk [tilespmem:v10+s19+$0x0], $0xffff  }
0xe1: {  	v9 =	vld.idx.msk [tilespmem:v9+s19+$0x0], $0xffff  }
0xe2: {  	v10 =	vld.idx.msk [tilespmem:v10+s18+$0x0], $0xffff  }
0xe3: {  	_ =	sdelay $0x3  }
0xe4: {  	v8 =	vsub.f32 v8, v9;
	v10 =	vsub.f32 v10, v7;
	_ =	sdelay $0x1  }
0xe5: {  	v8 =	vpack.i.f32.bf16 v10, v8  }
0xe6: {  	v7 =	vpack.i.f32.bf16 v7, v9;
	[tilespmem:s5+$0x0] =	vst v8  }
0xe7: {  	[tilespmem:s29+$0x0] =	vst v7  }
0xe8: {  	_ =	swait.ge [sflag:s24], $0x2000  }
0xe9: {  	[sflag:s24] =	ssyncset.done $0x0  }
0xea: {  	[sflag:s24] =	ssyncadd.s32 $0xFFFFE000  }
0xeb: {  	_ =	swait.ge [sflag:s24], $0x2000  }
0xec: {  	s2 =	simm.s32 $0x20;
	[sflag:s24] =	ssyncset.done $0x0  }
0xed: {  	s4 =	simm.s32 $0x20;
	v7 =	vor.u32 s2, v3;
	[sflag:s24] =	ssyncadd.s32 $0xFFFFE000  }
0xee: {  	s5 =	simm.s32 $0x60;
	v8 =	vld [tilespmem:s4+$0xFFFFFFF0]  }
0xef: {  	v10 =	vor.u32 s5, v5;
	v9 =	vld [tilespmem:s4+$0x10]  }
0xf0: {  	s7 =	simm.s32 $0x40;
	v11 =	vld [tilespmem:s4+$0x0]  }
0xf1: {  	v13 =	vor.u32 s7, v4;
	v12 =	vld [tilespmem:s4+$0xFFFFFFE0]  }
0xf2: {  	v14 =	vld.idx.msk [tilespmem:v7+s21+$0x0], $0xffff  }
0xf3: {  	v20 =	vor.u32 s2, v0;
	v16 =	vld.idx.msk [tilespmem:v7+s20+$0x0], $0xffff  }
0xf4: {  	s8 =	simm.s32 $0x0;
	v7 =	vld.idx.msk [tilespmem:v10+s21+$0x0], $0xffff  }
0xf5: {  	v29 =	vor.u32 s8, v2;
	v10 =	vld.idx.msk [tilespmem:v10+s20+$0x0], $0xffff  }
0xf6: {  	v19 =	vld.idx.msk [tilespmem:v13+s21+$0x0], $0xffff  }
0xf7: {  	v13 =	vld.idx.msk [tilespmem:v13+s20+$0x0], $0xffff;
	v15 =	vshrl.u32 v8, $0x10  }
0xf8: {  	v25 =	vld.idx.msk [tilespmem:v20+s21+$0x0], $0xffff  }
0xf9: {  	v27 =	vld.idx.msk [tilespmem:v20+s20+$0x0], $0xffff;
	v17 =	vshrl.u32 v9, $0x10  }
0xfa: {  	v40 =	vld.idx.msk [tilespmem:v29+s21+$0x0], $0xffff;
	v18 =	vshrl.u32 v12, $0x10  }
0xfb: {  	v45 =	vld.idx.msk [tilespmem:v29+s20+$0x0], $0xffff  }
0xfc: {  	v12 =	vand.u32 $0xFFFF, v12;
	v21 =	vld.idx.msk [tilespmem:v15+s25+$0x0], $0xffff  }
0xfd: {  	v23 =	vand.u32 $0xFFFF, v8;
	v15 =	vld.idx.msk [tilespmem:v15+s26+$0x0], $0xffff  }
0xfe: {  	v22 =	vld.idx.msk [tilespmem:v17+s25+$0x0], $0xffff  }
0xff: {  	v24 =	vld.idx.msk [tilespmem:v18+s25+$0x0], $0xffff  }
0x100: {  	v20 =	vand.u32 $0xFFFF, v9;
	v18 =	vld.idx.msk [tilespmem:v18+s26+$0x0], $0xffff  }
0x101: {  	v9 =	vand.u32 $0xFFFF, v11;
	v26 =	vld.idx.msk [tilespmem:v12+s26+$0x0], $0xffff  }
0x102: {  	v11 =	vshrl.u32 v11, $0x10;
	v30 =	vld.idx.msk [tilespmem:v23+s26+$0x0], $0xffff  }
0x103: {  	v12 =	vld.idx.msk [tilespmem:v12+s25+$0x0], $0xffff  }
0x104: {  	v17 =	vld.idx.msk [tilespmem:v17+s26+$0x0], $0xffff  }
0x105: {  	v37 =	vld.idx.msk [tilespmem:v20+s26+$0x0], $0xffff  }
0x106: {  	v28 =	vor.u32 s7, v0;
	v44 =	vor.u32 s8, v0;
	v39 =	vld.idx.msk [tilespmem:v9+s26+$0x0], $0xffff  }
0x107: {  	v33 =	vor.u32 s5, v0;
	v7 =	vsub.f32 v10, v7;
	v8 =	vsub.f32 v13, v19;
	v43 =	vld.idx.msk [tilespmem:v11+s26+$0x0], $0xffff  }
0x108: {  	v10 =	vsub.f32 v16, v14;
	v62 =	vld.idx.msk [tilespmem:v11+s25+$0x0], $0xffff;
	v11 =	vsub.f32 v45, v40;
	v31 =	vunpack.i.u.bf16.f32 v21  }
0x109: {  	v47 =	vunpack.i.l.bf16.f32 v21;
	v13 =	vunpack.i.u.bf16.f32 v24;
	v21 =	vld.idx.msk [tilespmem:v23+s25+$0x0], $0xffff;
	v23 =	vunpack.i.l.bf16.f32 v15  }
0x10a: {  	v41 =	vld.idx.msk [tilespmem:v9+s25+$0x0], $0xffff;
	v35 =	vunpack.i.u.bf16.f32 v22;
	v32 =	vunpack.i.l.bf16.f32 v22;
	v34 =	vunpack.i.l.bf16.f32 v24  }
0x10b: {  	v36 =	vunpack.i.u.bf16.f32 v15;
	v15 =	vunpack.i.u.bf16.f32 v18;
	v18 =	vunpack.i.l.bf16.f32 v18  }
0x10c: {  	v52 =	vld.idx.msk [tilespmem:v20+s25+$0x0], $0xffff;
	v38 =	vunpack.i.u.bf16.f32 v26;
	v16 =	vunpack.i.l.bf16.f32 v30;
	v19 =	vunpack.i.l.bf16.f32 v12  }
0x10d: {  	v26 =	vunpack.i.l.bf16.f32 v26;
	v24 =	vunpack.i.u.bf16.f32 v12;
	v48 =	vunpack.i.u.bf16.f32 v30  }
0x10e: {  	v50 =	vunpack.i.l.bf16.f32 v17;
	v29 =	vunpack.i.u.bf16.f32 v39;
	v53 =	vunpack.i.u.bf16.f32 v17  }
0x10f: {  	v20 =	vunpack.i.u.bf16.f32 v41;
	v55 =	vunpack.i.l.bf16.f32 v37;
	v56 =	vunpack.i.l.bf16.f32 v41  }
0x110: {  	v45 =	vunpack.i.l.bf16.f32 v39;
	v14 =	vmul.f32 v13, v38;
	v46 =	vmul.f32 v18, v19  }
0x111: {  	v63 =	vunpack.i.l.bf16.f32 v52;
	v22 =	vmul.f32 v34, v26;
	v9 =	vmul.f32 v13, v26  }
0x112: {  	v60 =	vunpack.i.u.bf16.f32 v43;
	v13 =	vmul.f32 v31, v48;
	v12 =	vmul.f32 v34, v38  }
0x113: {  	v57 =	vunpack.i.l.bf16.f32 v62;
	v26 =	vmul.f32 v31, v16;
	v54 =	vmul.f32 v15, v24  }
0x114: {  	v30 =	vmul.f32 v47, v16;
	v16 =	vsub.f32 v27, v25;
	v58 =	vmul.f32 v60, v20  }
0x115: {  	v27 =	vld.idx.msk [tilespmem:v28+s21+$0x0], $0xffff;
	v25 =	vunpack.i.u.bf16.f32 v37;
	v34 =	vmul.f32 v50, v63;
	v59 =	vmul.f32 v53, v63  }
0x116: {  	v28 =	vld.idx.msk [tilespmem:v28+s20+$0x0], $0xffff;
	v31 =	vunpack.i.u.bf16.f32 v62;
	v63 =	vmul.f32 v57, v45;
	v47 =	vmul.f32 v47, v48  }
0x117: {  	v17 =	vmul.f32 v32, v25;
	v25 =	vmul.f32 v35, v25;
	v49 =	vunpack.i.u.bf16.f32 v21  }
0x118: {  	v32 =	vmul.f32 v32, v55;
	v42 =	vunpack.i.l.bf16.f32 v21;
	v51 =	vmul.f32 v23, v49  }
0x119: {  	v40 =	vld.idx.msk [tilespmem:v33+s21+$0x0], $0xffff;
	v21 =	vunpack.i.l.bf16.f32 v43;
	v37 =	vmul.f32 v36, v49;
	v38 =	vmul.f32 v23, v42  }
0x11a: {  	v46 =	vadd.f32 v46, v54;
	v43 =	vld.idx.msk [tilespmem:v33+s20+$0x0], $0xffff;
	v23 =	vmul.f32 v36, v42;
	v61 =	vmul.f32 v21, v56  }
0x11b: {  	v42 =	vunpack.i.u.bf16.f32 v52;
	v36 =	vsub.f32 v28, v27;
	v28 =	vmul.f32 v31, v45;
	v45 =	vld.idx.msk [tilespmem:v44+s20+$0x0], $0xffff  }
0x11c: {  	v50 =	vmul.f32 v50, v42;
	v39 =	vmul.f32 v53, v42;
	v42 =	vld.idx.msk [tilespmem:v44+s21+$0x0], $0xffff;
	v62 =	vadd.f32 v61, v58  }
0x11d: {  	v27 =	vmul.f32 v57, v29;
	v41 =	vsub.f32 v51, v23;
	v23 =	vmul.f32 v35, v55  }
0x11e: {  	s2 =	simm.s32 $0x80;
	s29 =	simm.s32 $0x60;
	v35 =	vmul.f32 v60, v56;
	v33 =	vsub.f32 v50, v59;
	v44 =	vadd.f32 v62, v63  }
.LBB2_9:
0x11f: {  	s5 =	sadd.s32 $0x20, s2  }
0x120: {  	v48 =	vld [tilespmem:s29+$0xFFFFFFF0];
	p0 =	sne.s32 s2, $0x1F80;
	v18 =	vmul.f32 v18, v24;
	v24 =	vadd.f32 v38, v37;
	v37 =	vsub.f32 v43, v40;
	s4 =	smov.u32 s2;
	s2 =	sadd.s32 $0x80, s2  }
0x121: {  	v42 =	vsub.f32 v45, v42;
	v15 =	vmul.f32 v15, v19;
	v38 =	vor.u32 s5, v3;
	s7 =	sadd.s32 $0x60, s4;
	v40 =	vld [tilespmem:s29+$0x10]  }
0x122: {  	v29 =	vmul.f32 v31, v29;
	s8 =	sadd.s32 $0x40, s4;
	v41 =	vadd.f32 v41, v47;
	v19 =	vld [tilespmem:s29+$0x0];
	v43 =	vor.u32 s7, v5  }
0x123: {  	v22 =	vadd.f32 v46, v22;
	v47 =	vor.u32 s8, v4;
	v24 =	vadd.f32 v24, v30;
	v45 =	vld [tilespmem:s29+$0xFFFFFFE0]  }
0x124: {  	v31 =	vor.u32 s8, v0;
	v29 =	vadd.f32 v44, v29;
	v26 =	vsub.f32 v41, v26  }
0x125: {  	v14 =	vadd.f32 v22, v14;
	v22 =	vadd.f32 v34, v39;
	v30 =	vshrl.u32 v48, $0x10  }
0x126: {  	v39 =	vand.u32 $0xFFFF, v48;
	v10 =	vsub.f32 v10, v26;
	v26 =	vsub.f32 v36, v29;
	v41 =	vld.idx.msk [tilespmem:v38+s21+$0x0], $0xffff  }
0x127: {  	v22 =	vadd.f32 v22, v32;
	v36 =	vshrl.u32 v40, $0x10;
	v29 =	vld.idx.msk [tilespmem:v38+s20+$0x0], $0xffff;
	v38 =	vand.u32 $0xFFFF, v40  }
0x128: {  	v14 =	vsub.f32 v42, v14;
	v40 =	vand.u32 $0xFFFF, v19;
	v32 =	vshrl.u32 v45, $0x10;
	v44 =	vld.idx.msk [tilespmem:v43+s21+$0x0], $0xffff  }
0x129: {  	v10 =	vmul.f32 v10, v10;
	v22 =	vadd.f32 v22, v25;
	v42 =	vand.u32 $0xFFFF, v45;
	v43 =	vld.idx.msk [tilespmem:v43+s20+$0x0], $0xffff  }
0x12a: {  	v15 =	vsub.f32 v18, v15;
	v13 =	vadd.f32 v24, v13;
	v25 =	vshrl.u32 v19, $0x10;
	v19 =	vld.idx.msk [tilespmem:v47+s21+$0x0], $0xffff  }
0x12b: {  	v20 =	vmul.f32 v21, v20;
	v18 =	vor.u32 s5, v0;
	v21 =	vmul.f32 v26, v26;
	v24 =	vld.idx.msk [tilespmem:v47+s20+$0x0], $0xffff  }
0x12c: {  	v12 =	vadd.f32 v15, v12;
	v15 =	vsub.f32 v37, v22;
	v26 =	vld.idx.msk [tilespmem:v30+s25+$0x0], $0xffff  }
0x12d: {  	v34 =	vor.u32 s7, v0;
	v13 =	vsub.f32 v16, v13;
	v16 =	vsub.f32 v20, v35;
	v22 =	vld.idx.msk [tilespmem:v30+s26+$0x0], $0xffff  }
0x12e: {  	v9 =	vsub.f32 v12, v9;
	v20 =	vld.idx.msk [tilespmem:v36+s25+$0x0], $0xffff  }
0x12f: {  	v17 =	vadd.f32 v33, v17;
	v14 =	vmul.f32 v14, v14;
	v16 =	vadd.f32 v16, v27;
	v12 =	vld.idx.msk [tilespmem:v32+s25+$0x0], $0xffff  }
0x130: {  	v9 =	vsub.f32 v11, v9;
	v11 =	vmul.f32 v13, v13;
	v13 =	vmul.f32 v15, v15;
	v27 =	vld.idx.msk [tilespmem:v32+s26+$0x0], $0xffff  }
0x131: {  	v16 =	vsub.f32 v16, v28;
	v30 =	vor.u32 s4, v2;
	v15 =	vsub.f32 v43, v44;
	v32 =	vld.idx.msk [tilespmem:v18+s21+$0x0], $0xffff  }
0x132: {  	v17 =	vsub.f32 v17, v23;
	v9 =	vmul.f32 v9, v9;
	v28 =	vld.idx.msk [tilespmem:v18+s20+$0x0], $0xffff;
	v18 =	vsub.f32 v24, v19  }
0x133: {  	v33 =	vor.u32 s4, v0;
	v10 =	vadd.f32 v10, v11;
	v11 =	vsub.f32 v8, v16;
	v23 =	vld.idx.msk [tilespmem:v42+s26+$0x0], $0xffff  }
0x134: {  	v9 =	vadd.f32 v9, v14;
	v35 =	vunpack.i.u.bf16.f32 v26;
	v44 =	vunpack.i.l.bf16.f32 v26;
	v16 =	vld.idx.msk [tilespmem:v39+s26+$0x0], $0xffff;
	v8 =	vmovc v18  }
0x135: {  	v11 =	vmul.f32 v11, v11;
	v26 =	vunpack.i.u.bf16.f32 v12;
	v24 =	vld.idx.msk [tilespmem:v42+s25+$0x0], $0xffff;
	v42 =	vunpack.i.l.bf16.f32 v22  }
0x136: {  	v14 =	vsub.f32 v7, v17;
	v7 =	vmovc v15;
	v43 =	vunpack.i.l.bf16.f32 v20;
	v37 =	vld.idx.msk [tilespmem:v39+s25+$0x0], $0xffff;
	v39 =	vunpack.i.u.bf16.f32 v20  }
0x137: {  	v45 =	vunpack.i.u.bf16.f32 v22;
	v12 =	vunpack.i.l.bf16.f32 v12;
	v17 =	vld.idx.msk [tilespmem:v36+s26+$0x0], $0xffff;
	v36 =	vadd.f32 v10, v9  }
0x138: {  	v15 =	vunpack.i.u.bf16.f32 v27;
	v18 =	vunpack.i.l.bf16.f32 v27;
	v9 =	vadd.f32 v11, v21;
	v27 =	vld.idx.msk [tilespmem:v38+s26+$0x0], $0xffff  }
0x139: {  	v20 =	vmul.f32 v14, v14;
	v10 =	vsub.f32 v29, v41;
	v11 =	vunpack.i.u.bf16.f32 v23;
	v41 =	vld.idx.msk [tilespmem:v40+s26+$0x0], $0xffff  }
0x13a: {  	v14 =	vmul.f32 v26, v11;
	v21 =	vunpack.i.l.bf16.f32 v16;
	v46 =	vld.idx.msk [tilespmem:v30+s21+$0x0], $0xffff  }
0x13b: {  	v23 =	vunpack.i.l.bf16.f32 v23;
	v13 =	vadd.f32 v20, v13;
	v19 =	vunpack.i.l.bf16.f32 v24;
	v40 =	vld.idx.msk [tilespmem:v40+s25+$0x0], $0xffff  }
0x13c: {  	v48 =	vunpack.i.u.bf16.f32 v16;
	v24 =	vunpack.i.u.bf16.f32 v24;
	v47 =	vunpack.i.l.bf16.f32 v37;
	v49 =	vld.idx.msk [tilespmem:v25+s26+$0x0], $0xffff  }
0x13d: {  	v22 =	vmul.f32 v12, v23;
	v16 =	vadd.f32 v13, v9;
	v50 =	vmul.f32 v18, v19;
	v51 =	vld.idx.msk [tilespmem:v38+s25+$0x0], $0xffff  }
0x13e: {  	v9 =	vmul.f32 v26, v23;
	v23 =	vunpack.i.u.bf16.f32 v37;
	v52 =	vunpack.i.l.bf16.f32 v17;
	v38 =	vld.idx.msk [tilespmem:v30+s20+$0x0], $0xffff  }
0x13f: {  	v13 =	vmul.f32 v35, v48;
	v53 =	vmul.f32 v42, v23;
	v29 =	vunpack.i.u.bf16.f32 v41  }
0x140: {  	v12 =	vmul.f32 v12, v11;
	v26 =	vmul.f32 v35, v21;
	v54 =	vunpack.i.u.bf16.f32 v17;
	v35 =	vld.idx.msk [tilespmem:v25+s25+$0x0], $0xffff  }
0x141: {  	v55 =	vmul.f32 v15, v24;
	v30 =	vmul.f32 v44, v21;
	v20 =	vunpack.i.u.bf16.f32 v40;
	v56 =	vld.idx.msk [tilespmem:v31+s21+$0x0], $0xffff  }
0x142: {  	v58 =	vunpack.i.l.bf16.f32 v27;
	v25 =	vadd.f32 v16, v36;
	v21 =	vunpack.i.l.bf16.f32 v49;
	v57 =	vld.idx.msk [tilespmem:v31+s20+$0x0], $0xffff  }
0x143: {  	v27 =	vunpack.i.u.bf16.f32 v27;
	v16 =	vsub.f32 v28, v32;
	v28 =	vunpack.i.l.bf16.f32 v40  }
0x144: {  	v17 =	vmul.f32 v43, v27;
	v6 =	vadd.f32 v25, v6;
	v11 =	vsub.f32 v38, v46  }
0x145: {  	v59 =	vunpack.i.l.bf16.f32 v51;
	v25 =	vmul.f32 v39, v27;
	v46 =	vunpack.i.l.bf16.f32 v41  }
0x146: {  	v37 =	vmul.f32 v45, v23;
	v32 =	vmul.f32 v43, v58;
	v31 =	vunpack.i.u.bf16.f32 v35  }
0x147: {  	v23 =	vmul.f32 v45, v47;
	v38 =	vmul.f32 v42, v47;
	v47 =	vunpack.i.u.bf16.f32 v51;
	v40 =	vld.idx.msk [tilespmem:v34+s21+$0x0], $0xffff  }
0x148: {  	v49 =	vunpack.i.u.bf16.f32 v49;
	v51 =	vmul.f32 v21, v28;
	v36 =	vsub.f32 v57, v56;
	v43 =	vld.idx.msk [tilespmem:v34+s20+$0x0], $0xffff  }
0x149: {  	v35 =	vunpack.i.l.bf16.f32 v35;
	v56 =	vmul.f32 v49, v20;
	v34 =	vmul.f32 v52, v59;
	v42 =	vld.idx.msk [tilespmem:v33+s21+$0x0], $0xffff  }
.Ltmp3:
0x14a: {  	v41 =	vsub.f32 v53, v23;
	v27 =	vmul.f32 v35, v29;
	v45 =	vld.idx.msk [tilespmem:v33+s20+$0x0], $0xffff;
	v33 =	vmul.f32 v54, v59;
	(pc) =	sbr.rel @p0 .LBB2_9-.Ltmp3, $4  }
0x14b: {  	v23 =	vmul.f32 v39, v58;
	v52 =	vmul.f32 v52, v47;
	v51 =	vadd.f32 v51, v56  }
0x14c: {  	v39 =	vmul.f32 v54, v47;
	v53 =	vmul.f32 v35, v46  }
0x14d: {  	v35 =	vmul.f32 v49, v28;
	v28 =	vmul.f32 v31, v46;
	v33 =	vsub.f32 v52, v33  }
0x14e: {  	s29 =	sadd.s32 $0x40, s29;
	v46 =	vadd.f32 v50, v55;
	v47 =	vmul.f32 v44, v48;
	v44 =	vadd.f32 v51, v53  }
0x14f: {  	s2 =	sadd.s32 $0x40000, s0  }
0x150: {  	s2 =	sshrl.u32 s2, $0x3  }
0x151: {  	s5 =	sadd.s32 $0x80000, s0;
	v37 =	vadd.f32 v38, v37;
	s2 =	sadd.s32 s3, s2  }
0x152: {  	v51 =	vsub.f32 v43, v40;
	v53 =	vsub.f32 v45, v42;
	v29 =	vmul.f32 v31, v29;
	[tilespmem:s20], [sflag:$0x2] =	stream.strided.gather [hbm4b:s2+s16], $0x2000, s17, s16, $0x38;
	[tilespmem:$0x1A180] =	vst v63  }
0x153: {  	v18 =	vmul.f32 v18, v24;
	v15 =	vmul.f32 v15, v19;
	v17 =	vadd.f32 v33, v17;
	s2 =	sshrl.u32 s5, $0x3  }
0x154: {  	v20 =	vmul.f32 v21, v20;
	v22 =	vadd.f32 v46, v22;
	v30 =	vadd.f32 v37, v30;
	s2 =	sadd.s32 s3, s2  }
0x155: {  	v24 =	vadd.f32 v44, v29;
	v15 =	vsub.f32 v18, v15;
	[tilespmem:s21], [sflag:$0x2] =	stream.strided.gather [hbm4b:s2+s16], $0x2000, s17, s16, $0x38;
	[tilespmem:$0x1A180] =	vst v63  }
0x156: {  	v29 =	vadd.f32 v34, v39;
	v20 =	vsub.f32 v20, v35;
	_ =	swait.ge [sflag:s28], $0x2000  }
0x157: {  	v17 =	vsub.f32 v17, v23;
	v12 =	vadd.f32 v15, v12;
	[sflag:s28] =	ssyncset.done $0x0  }
0x158: {  	v14 =	vadd.f32 v22, v14;
	v22 =	vsub.f32 v36, v24;
	[sflag:s28] =	ssyncadd.s32 $0xFFFFE000  }
0x159: {  	v24 =	vadd.f32 v29, v32;
	v9 =	vsub.f32 v12, v9;
	_ =	swait.ge [sflag:s28], $0x2000  }
0x15a: {  	s5 =	simm.s32 $0x20;
	v13 =	vadd.f32 v30, v13;
	v15 =	vadd.f32 v20, v27;
	[sflag:s28] =	ssyncset.done $0x0  }
0x15b: {  	s4 =	simm.s32 $0x1030;
	v21 =	vor.u32 s5, v3;
	v14 =	vsub.f32 v53, v14;
	v9 =	vsub.f32 v11, v9;
	[sflag:s28] =	ssyncadd.s32 $0xFFFFE000  }
0x15c: {  	s2 =	simm.s32 $0x0;
	v18 =	vadd.f32 v24, v25;
	v13 =	vsub.f32 v16, v13;
	v19 =	vld [tilespmem:s4+$0xFFFFFFE0]  }
0x15d: {  	s7 =	sand.u32 $0xFC0, s2;
	v16 =	vor.u32 s5, v0;
	v14 =	vmul.f32 v14, v14;
	v9 =	vmul.f32 v9, v9;
	v20 =	vld [tilespmem:s4+$0x0]  }
0x15e: {  	v7 =	vsub.f32 v7, v17;
	v15 =	vsub.f32 v15, v28;
	v23 =	vld [tilespmem:s7+$0x1000];
	s7 =	simm.s32 $0x40  }
0x15f: {  	v18 =	vsub.f32 v51, v18;
	v12 =	vld [tilespmem:s4+$0xFFFFFFF0];
	v9 =	vadd.f32 v9, v14;
	v14 =	vor.u32 s7, v4  }
0x160: {  	v52 =	vadd.f32 v41, v47;
	v7 =	vmul.f32 v7, v7;
	v11 =	vmul.f32 v13, v13;
	v25 =	vld.idx.msk [tilespmem:v21+s22+$0x0], $0xffff  }
0x161: {  	v8 =	vsub.f32 v8, v15;
	v15 =	vmul.f32 v18, v18;
	v13 =	vld.idx.msk [tilespmem:v21+s23+$0x0], $0xffff;
	v24 =	vshrl.u32 v19, $0x10  }
0x162: {  	v26 =	vsub.f32 v52, v26;
	v18 =	vld.idx.msk [tilespmem:v16+s23+$0x0], $0xffff;
	v19 =	vand.u32 $0xFFFF, v19  }
0x163: {  	v7 =	vadd.f32 v7, v15;
	v15 =	vld.idx.msk [tilespmem:v16+s22+$0x0], $0xffff  }
0x164: {  	v10 =	vsub.f32 v10, v26;
	v22 =	vmul.f32 v22, v22;
	v8 =	vmul.f32 v8, v8;
	v29 =	vld.idx.msk [tilespmem:v14+s23+$0x0], $0xffff  }
0x165: {  	v21 =	vshrl.u32 v12, $0x10;
	v38 =	vld.idx.msk [tilespmem:v14+s22+$0x0], $0xffff  }
0x166: {  	v10 =	vmul.f32 v10, v10;
	v8 =	vadd.f32 v8, v22;
	v22 =	vshrl.u32 v23, $0x10;
	v17 =	vld.idx.msk [tilespmem:v24+s25+$0x0], $0xffff  }
0x167: {  	v16 =	vand.u32 $0xFFFF, v23;
	v26 =	vld.idx.msk [tilespmem:v19+s26+$0x0], $0xffff  }
0x168: {  	v10 =	vadd.f32 v10, v11;
	v12 =	vand.u32 $0xFFFF, v12;
	v23 =	vld.idx.msk [tilespmem:v24+s26+$0x0], $0xffff  }
0x169: {  	v7 =	vadd.f32 v7, v8;
	v8 =	vld.idx.msk [tilespmem:v19+s25+$0x0], $0xffff  }
0x16a: {  	v9 =	vadd.f32 v10, v9;
	v19 =	vld.idx.msk [tilespmem:v21+s26+$0x0], $0xffff  }
0x16b: {  	v33 =	vand.u32 $0xFFFF, v20;
	v24 =	vshrl.u32 v20, $0x10;
	v20 =	vld.idx.msk [tilespmem:v22+s25+$0x0], $0xffff  }
0x16c: {  	s8 =	simm.s32 $0x60;
	v7 =	vadd.f32 v7, v9;
	v28 =	vld.idx.msk [tilespmem:v16+s26+$0x0], $0xffff  }
0x16d: {  	v59 =	vor.u32 s2, v2;
	v11 =	vor.u32 s8, v5;
	v27 =	vor.u32 s7, v0;
	v57 =	vld.idx.msk [tilespmem:v12+s25+$0x0], $0xffff  }
0x16e: {  	v9 =	vor.u32 s8, v0;
	v6 =	vadd.f32 v7, v6;
	v7 =	vsub.f32 v15, v18;
	v12 =	vld.idx.msk [tilespmem:v12+s26+$0x0], $0xffff  }
0x16f: {  	v62 =	vld.idx.msk [tilespmem:v16+s25+$0x0], $0xffff;
	v16 =	vsub.f32 v25, v13;
	v13 =	vsub.f32 v38, v29;
	v30 =	vunpack.i.u.bf16.f32 v23  }
0x170: {  	v23 =	vunpack.i.l.bf16.f32 v23;
	v31 =	vunpack.i.u.bf16.f32 v8;
	v55 =	vunpack.i.l.bf16.f32 v8  }
0x171: {  	v49 =	vld.idx.msk [tilespmem:v22+s26+$0x0], $0xffff;
	v56 =	vunpack.i.l.bf16.f32 v26;
	v58 =	vunpack.i.u.bf16.f32 v17;
	v26 =	vunpack.i.u.bf16.f32 v26  }
0x172: {  	v17 =	vunpack.i.l.bf16.f32 v17;
	v10 =	vunpack.i.u.bf16.f32 v19;
	v18 =	vunpack.i.l.bf16.f32 v19  }
0x173: {  	v15 =	vunpack.i.l.bf16.f32 v57;
	v48 =	vunpack.i.u.bf16.f32 v28;
	v50 =	vunpack.i.l.bf16.f32 v28  }
0x174: {  	v60 =	vld.idx.msk [tilespmem:v33+s26+$0x0], $0xffff;
	v25 =	vunpack.i.l.bf16.f32 v12;
	v52 =	vunpack.i.u.bf16.f32 v62;
	v53 =	vunpack.i.l.bf16.f32 v20  }
0x175: {  	v38 =	vunpack.i.l.bf16.f32 v62;
	v8 =	vmul.f32 v58, v26;
	v45 =	vmul.f32 v17, v56  }
0x176: {  	v54 =	vld.idx.msk [tilespmem:v24+s25+$0x0], $0xffff;
	v40 =	vunpack.i.u.bf16.f32 v49;
	v14 =	vmul.f32 v58, v56;
	v42 =	vmul.f32 v23, v55  }
0x177: {  	v61 =	vld.idx.msk [tilespmem:v24+s26+$0x0], $0xffff;
	v20 =	vunpack.i.u.bf16.f32 v20;
	v43 =	vmul.f32 v30, v31;
	v24 =	vmul.f32 v23, v31  }
0x178: {  	v39 =	vld.idx.msk [tilespmem:v59+s22+$0x0], $0xffff;
	v30 =	vmul.f32 v30, v55;
	v23 =	vunpack.i.u.bf16.f32 v57;
	v63 =	vmul.f32 v18, v15  }
0x179: {  	v19 =	vld.idx.msk [tilespmem:v21+s25+$0x0], $0xffff;
	v58 =	vunpack.i.u.bf16.f32 v60;
	v29 =	vmul.f32 v53, v50;
	v37 =	vmul.f32 v17, v26  }
0x17a: {  	v56 =	vld.idx.msk [tilespmem:v59+s23+$0x0], $0xffff;
	v59 =	vunpack.i.l.bf16.f32 v60;
	v35 =	vmul.f32 v20, v50;
	v57 =	vmul.f32 v10, v23  }
0x17b: {  	v26 =	vmul.f32 v53, v48;
	v41 =	vmul.f32 v40, v52;
	v30 =	vsub.f32 v24, v30  }
0x17c: {  	v51 =	vld.idx.msk [tilespmem:v27+s22+$0x0], $0xffff;
	v32 =	vmul.f32 v20, v48;
	v62 =	vadd.f32 v42, v43;
	v36 =	vadd.f32 v63, v57  }
0x17d: {  	v60 =	vld.idx.msk [tilespmem:v27+s23+$0x0], $0xffff;
	v63 =	vunpack.i.l.bf16.f32 v49;
	v44 =	vunpack.i.u.bf16.f32 v54;
	v22 =	vunpack.i.l.bf16.f32 v54  }
0x17e: {  	v27 =	vunpack.i.u.bf16.f32 v19;
	v19 =	vunpack.i.l.bf16.f32 v19;
	v42 =	vmul.f32 v63, v52  }
0x17f: {  	v31 =	vunpack.i.u.bf16.f32 v61;
	v28 =	vmul.f32 v22, v59;
	v54 =	vmul.f32 v19, v25  }
0x180: {  	v43 =	vld.idx.msk [tilespmem:v33+s25+$0x0], $0xffff;
	v34 =	vmul.f32 v22, v58;
	v24 =	vsub.f32 v39, v56;
	v22 =	vunpack.i.u.bf16.f32 v12  }
0x181: {  	v39 =	vunpack.i.l.bf16.f32 v61;
	v61 =	vmul.f32 v27, v22;
	v36 =	vadd.f32 v36, v54  }
0x182: {  	v33 =	vadd.f32 v62, v45;
	v21 =	vmul.f32 v44, v58;
	v17 =	vsub.f32 v51, v60  }
0x183: {  	s29 =	simm.s32 $0x1070;
	s4 =	simm.s32 $0x0;
	s7 =	simm.s32 $0x40;
	v12 =	vld.idx.msk [tilespmem:v9+s23+$0x0], $0xffff;
	v20 =	vadd.f32 v36, v61;
	v36 =	vmul.f32 v44, v59;
	v44 =	vmul.f32 v63, v38  }
.LBB2_11:
0x184: {  	s5 =	smov.u32 s7  }
0x185: {  	s8 =	sand.u32 $0xFC0, s7;
	v45 =	vld [tilespmem:s29+$0xFFFFFFE0];
	v38 =	vmul.f32 v40, v38;
	v40 =	vunpack.i.u.bf16.f32 v43;
	v43 =	vunpack.i.l.bf16.f32 v43;
	s2 =	sadd.s32 $0x80, s2;
	s5 =	sadd.s32 $0x40, s7  }
0x186: {  	p0 =	sne.s32 s7, $0xFC0;
	v41 =	vadd.f32 v44, v41;
	v44 =	vmul.f32 v39, v40;
	v47 =	vmul.f32 v31, v43;
	v46 =	vld [tilespmem:s29+$0x0]  }
0x187: {  	v49 =	vor.u32 s4, v0;
	v18 =	vmul.f32 v18, v23;
	v23 =	vmul.f32 v39, v43;
	s4 =	smov.u32 s2;
	v48 =	vld [tilespmem:s8+$0x1000]  }
0x188: {  	v30 =	vadd.f32 v30, v37;
	s7 =	sadd.s32 $0x20, s2;
	v31 =	vmul.f32 v31, v40;
	v37 =	vsub.f32 v44, v47;
	v39 =	vld [tilespmem:s29+$0xFFFFFFF0]  }
0x189: {  	v25 =	vmul.f32 v27, v25;
	v40 =	vor.u32 s7, v3;
	v38 =	vsub.f32 v42, v38;
	v27 =	vld.idx.msk [tilespmem:v9+s22+$0x0], $0xffff  }
0x18a: {  	v42 =	vshrl.u32 v45, $0x10;
	v43 =	vand.u32 $0xFFFF, v45;
	v9 =	vadd.f32 v23, v31;
	v44 =	vld.idx.msk [tilespmem:v11+s23+$0x0], $0xffff  }
0x18b: {  	v23 =	vor.u32 s7, v0;
	v31 =	vadd.f32 v38, v26;
	v38 =	vld.idx.msk [tilespmem:v11+s22+$0x0], $0xffff;
	v11 =	vadd.f32 v37, v34  }
0x18c: {  	v34 =	vshrl.u32 v46, $0x10;
	v26 =	vand.u32 $0xFFFF, v46;
	v28 =	vadd.f32 v9, v28;
	v37 =	vld.idx.msk [tilespmem:v49+s22+$0x0], $0xffff  }
0x18d: {  	v31 =	vsub.f32 v31, v35;
	v45 =	vand.u32 $0xFFFF, v48;
	v46 =	vshrl.u32 v39, $0x10;
	v47 =	vld.idx.msk [tilespmem:v49+s23+$0x0], $0xffff  }
0x18e: {  	s8 =	sadd.s32 $0x60, s2;
	v29 =	vadd.f32 v41, v29;
	s7 =	sadd.s32 $0x40, s2;
	v39 =	vand.u32 $0xFFFF, v39;
	v36 =	vsub.f32 v11, v36;
	v35 =	vld.idx.msk [tilespmem:v40+s22+$0x0], $0xffff  }
0x18f: {  	v41 =	vor.u32 s7, v0;
	v9 =	vor.u32 s8, v0;
	v21 =	vadd.f32 v28, v21;
	v40 =	vld.idx.msk [tilespmem:v40+s23+$0x0], $0xffff  }
0x190: {  	v14 =	vsub.f32 v30, v14;
	v49 =	vor.u32 s7, v4;
	v24 =	vsub.f32 v24, v31;
	v28 =	vld.idx.msk [tilespmem:v42+s25+$0x0], $0xffff  }
0x191: {  	v29 =	vadd.f32 v29, v32;
	v30 =	vshrl.u32 v48, $0x10;
	v11 =	vor.u32 s8, v5;
	v31 =	vld.idx.msk [tilespmem:v23+s23+$0x0], $0xffff  }
0x192: {  	v10 =	vmul.f32 v10, v15;
	v14 =	vsub.f32 v16, v14;
	v15 =	vsub.f32 v27, v12;
	v32 =	vld.idx.msk [tilespmem:v43+s26+$0x0], $0xffff  }
0x193: {  	v8 =	vadd.f32 v33, v8;
	v12 =	vsub.f32 v37, v47;
	v16 =	vld.idx.msk [tilespmem:v23+s22+$0x0], $0xffff  }
0x194: {  	v10 =	vsub.f32 v18, v10;
	v18 =	vmul.f32 v19, v22;
	v19 =	vsub.f32 v38, v44;
	v23 =	vld.idx.msk [tilespmem:v42+s26+$0x0], $0xffff  }
0x195: {  	v7 =	vsub.f32 v7, v8;
	v8 =	vmul.f32 v14, v14;
	v27 =	vsub.f32 v12, v29;
	v22 =	vld.idx.msk [tilespmem:v43+s25+$0x0], $0xffff  }
0x196: {  	v10 =	vadd.f32 v10, v18;
	v18 =	vsub.f32 v19, v36;
	v14 =	vld.idx.msk [tilespmem:v46+s26+$0x0], $0xffff  }
0x197: {  	v7 =	vmul.f32 v7, v7;
	v15 =	vsub.f32 v15, v21;
	v19 =	vmul.f32 v27, v27;
	v12 =	vld.idx.msk [tilespmem:v9+s23+$0x0], $0xffff  }
0x198: {  	v10 =	vsub.f32 v10, v25;
	v21 =	vmul.f32 v24, v24;
	v24 =	vmul.f32 v18, v18;
	v29 =	vld.idx.msk [tilespmem:v49+s23+$0x0], $0xffff  }
0x199: {  	v25 =	vadd.f32 v8, v7;
	v7 =	vsub.f32 v17, v20;
	v15 =	vmul.f32 v15, v15;
	v33 =	vld.idx.msk [tilespmem:v41+s23+$0x0], $0xffff  }
0x19a: {  	v8 =	vsub.f32 v13, v10;
	v20 =	vunpack.i.u.bf16.f32 v23;
	v23 =	vunpack.i.l.bf16.f32 v23;
	v17 =	vld.idx.msk [tilespmem:v30+s25+$0x0], $0xffff  }
0x19b: {  	v36 =	vmul.f32 v7, v7;
	v27 =	vunpack.i.u.bf16.f32 v22;
	v22 =	vunpack.i.l.bf16.f32 v22;
	v13 =	vld.idx.msk [tilespmem:v45+s26+$0x0], $0xffff  }
0x19c: {  	v38 =	vunpack.i.u.bf16.f32 v28;
	v37 =	vunpack.i.l.bf16.f32 v32;
	v19 =	vadd.f32 v21, v19;
	v42 =	vld.idx.msk [tilespmem:v34+s25+$0x0], $0xffff  }
0x19d: {  	v43 =	vunpack.i.l.bf16.f32 v28;
	v28 =	vmul.f32 v8, v8;
	v32 =	vunpack.i.u.bf16.f32 v32;
	v21 =	vld.idx.msk [tilespmem:v39+s25+$0x0], $0xffff  }
0x19e: {  	v7 =	vsub.f32 v16, v31;
	v8 =	vmul.f32 v38, v32;
	v10 =	vunpack.i.u.bf16.f32 v14;
	v44 =	vld.idx.msk [tilespmem:v49+s22+$0x0], $0xffff  }
0x19f: {  	v31 =	vor.u32 s2, v2;
	v16 =	vadd.f32 v28, v36;
	v18 =	vunpack.i.l.bf16.f32 v14;
	v47 =	vld.idx.msk [tilespmem:v26+s26+$0x0], $0xffff  }
0x1a0: {  	v15 =	vadd.f32 v24, v15;
	v48 =	vmul.f32 v43, v37;
	v14 =	vmul.f32 v38, v37;
	v36 =	vld.idx.msk [tilespmem:v34+s26+$0x0], $0xffff  }
0x1a1: {  	v19 =	vadd.f32 v25, v19;
	v50 =	vmul.f32 v20, v27;
	v49 =	vmul.f32 v23, v22;
	v24 =	vld.idx.msk [tilespmem:v46+s25+$0x0], $0xffff  }
0x1a2: {  	v25 =	vmul.f32 v23, v27;
	v20 =	vmul.f32 v20, v22;
	v27 =	vadd.f32 v15, v16;
	v22 =	vld.idx.msk [tilespmem:v39+s26+$0x0], $0xffff  }
0x1a3: {  	v16 =	vsub.f32 v35, v40;
	v23 =	vunpack.i.u.bf16.f32 v21;
	v15 =	vunpack.i.l.bf16.f32 v21;
	v37 =	vld.idx.msk [tilespmem:v45+s25+$0x0], $0xffff  }
0x1a4: {  	v19 =	vadd.f32 v27, v19;
	v39 =	vmul.f32 v18, v15;
	v45 =	vunpack.i.u.bf16.f32 v42;
	v35 =	vld.idx.msk [tilespmem:v31+s23+$0x0], $0xffff  }
0x1a5: {  	v46 =	vmul.f32 v10, v23;
	v34 =	vunpack.i.u.bf16.f32 v47;
	v47 =	vunpack.i.l.bf16.f32 v47;
	v40 =	vld.idx.msk [tilespmem:v31+s22+$0x0], $0xffff  }
0x1a6: {  	v51 =	vunpack.i.u.bf16.f32 v13;
	v31 =	vunpack.i.u.bf16.f32 v36;
	v21 =	vmul.f32 v45, v34;
	v52 =	vld.idx.msk [tilespmem:v30+s26+$0x0], $0xffff  }
0x1a7: {  	v6 =	vadd.f32 v19, v6;
	v30 =	vsub.f32 v25, v20;
	v20 =	vunpack.i.l.bf16.f32 v42  }
0x1a8: {  	v42 =	vunpack.i.l.bf16.f32 v13;
	v25 =	vunpack.i.l.bf16.f32 v22;
	v28 =	vmul.f32 v20, v47;
	v41 =	vld.idx.msk [tilespmem:v41+s22+$0x0], $0xffff  }
0x1a9: {  	v27 =	vunpack.i.u.bf16.f32 v24;
	v13 =	vsub.f32 v44, v29;
	v53 =	vunpack.i.u.bf16.f32 v37  }
0x1aa: {  	v44 =	vunpack.i.l.bf16.f32 v17;
	v19 =	vunpack.i.l.bf16.f32 v24;
	v34 =	vmul.f32 v20, v34  }
0x1ab: {  	v38 =	vunpack.i.l.bf16.f32 v37;
	v20 =	vmul.f32 v19, v25;
	v24 =	vsub.f32 v40, v35  }
0x1ac: {  	v46 =	vadd.f32 v39, v46;
	v29 =	vmul.f32 v44, v42;
	v40 =	vunpack.i.u.bf16.f32 v52  }
0x1ad: {  	v54 =	vunpack.i.u.bf16.f32 v17;
	v22 =	vunpack.i.u.bf16.f32 v22;
	v37 =	vmul.f32 v43, v32;
	v43 =	vld.idx.msk [tilespmem:v26+s25+$0x0], $0xffff  }
.Ltmp4:
0x1ae: {  	v39 =	vunpack.i.l.bf16.f32 v36;
	v35 =	vmul.f32 v54, v42;
	v17 =	vsub.f32 v41, v33;
	(pc) =	sbr.rel @p0 .LBB2_11-.Ltmp4, $4  }
0x1af: {  	v20 =	vadd.f32 v46, v20;
	v26 =	vmul.f32 v44, v51;
	v33 =	vmul.f32 v27, v22  }
0x1b0: {  	v32 =	vmul.f32 v54, v51;
	v46 =	vadd.f32 v49, v50;
	v41 =	vmul.f32 v40, v53  }
0x1b1: {  	v36 =	vmul.f32 v45, v47;
	v42 =	vunpack.i.l.bf16.f32 v52;
	v20 =	vadd.f32 v20, v33  }
0x1b2: {  	s29 =	sadd.s32 $0x40, s29;
	s7 =	smov.u32 s5;
	v44 =	vmul.f32 v42, v38;
	v42 =	vmul.f32 v42, v53;
	v33 =	vadd.f32 v46, v48  }
0x1b3: {  	_ =	sdelay $0x1  }
0x1b4: {  	v45 =	vor.u32 s4, v0;
	_ =	sdelay $0x1  }
0x1b5: {  	v9 =	vld.idx.msk [tilespmem:v9+s22+$0x0], $0xffff  }
0x1b6: {  	v46 =	vld.idx.msk [tilespmem:v11+s23+$0x0], $0xffff;
	s2 =	sadd.s32 $0x50000, s0  }
0x1b7: {  	v11 =	vld.idx.msk [tilespmem:v11+s22+$0x0], $0xffff;
	v38 =	vmul.f32 v40, v38;
	v62 =	vunpack.i.u.bf16.f32 v43;
	v63 =	vunpack.i.l.bf16.f32 v43;
	s2 =	sshrl.u32 s2, $0x3  }
0x1b8: {  	v30 =	vadd.f32 v30, v37;
	v18 =	vmul.f32 v18, v23;
	v10 =	vmul.f32 v10, v15;
	s2 =	sadd.s32 s3, s2;
	v47 =	vld.idx.msk [tilespmem:v45+s22+$0x0], $0xffff  }
0x1b9: {  	v48 =	vmul.f32 v39, v62;
	v49 =	vmul.f32 v31, v63;
	v52 =	vadd.f32 v44, v41;
	v45 =	vld.idx.msk [tilespmem:v45+s23+$0x0], $0xffff;
	[tilespmem:s22], [sflag:$0x3] =	stream.strided.gather [hbm4b:s2+s16], $0x2000, s17, s16, $0x38  }
0x1ba: {  	v51 =	vmul.f32 v39, v63;
	v8 =	vadd.f32 v33, v8;
	v38 =	vsub.f32 v42, v38;
	s2 =	sadd.s32 $0x90000, s0  }
0x1bb: {  	v31 =	vmul.f32 v31, v62;
	v14 =	vsub.f32 v30, v14;
	v10 =	vsub.f32 v18, v10;
	s0 =	sshrl.u32 s2, $0x3  }
0x1bc: {  	v53 =	vsub.f32 v48, v49;
	v26 =	vadd.f32 v38, v26;
	s0 =	sadd.s32 s3, s0  }
0x1bd: {  	v15 =	vmul.f32 v19, v22;
	v31 =	vadd.f32 v51, v31;
	v29 =	vadd.f32 v52, v29;
	[tilespmem:s23], [sflag:$0x3] =	stream.strided.gather [hbm4b:s0+s16], $0x2000, s17, s16, $0x38;
	[tilespmem:$0x1A180] =	vst v63  }
0x1be: {  	v7 =	vsub.f32 v7, v8;
	v26 =	vsub.f32 v26, v35;
	_ =	swait.ge [sflag:s24], $0x2000  }
0x1bf: {  	s7 =	simm.s32 $0x20;
	v14 =	vsub.f32 v16, v14;
	v10 =	vadd.f32 v10, v15;
	[sflag:s24] =	ssyncset.done $0x0  }
0x1c0: {  	v22 =	vor.u32 s7, v0;
	v9 =	vsub.f32 v9, v12;
	v23 =	vsub.f32 v24, v26;
	[sflag:s24] =	ssyncadd.s32 $0xFFFFE000  }
0x1c1: {  	v18 =	vmul.f32 v27, v25;
	v26 =	vadd.f32 v29, v32;
	v12 =	vsub.f32 v47, v45;
	_ =	swait.ge [sflag:s24], $0x2000  }
0x1c2: {  	v16 =	vor.u32 s7, v3;
	v34 =	vadd.f32 v53, v34;
	v28 =	vadd.f32 v31, v28;
	[sflag:s24] =	ssyncset.done $0x0  }
0x1c3: {  	s4 =	simm.s32 $0x2030;
	v11 =	vsub.f32 v11, v46;
	v7 =	vmul.f32 v7, v7;
	v12 =	vsub.f32 v12, v26;
	[sflag:s24] =	ssyncadd.s32 $0xFFFFE000  }
0x1c4: {  	v8 =	vmul.f32 v14, v14;
	v10 =	vsub.f32 v10, v18;
	v31 =	vsub.f32 v34, v36;
	v24 =	vld [tilespmem:s4+$0xFFFFFFE0]  }
0x1c5: {  	v21 =	vadd.f32 v28, v21;
	s0 =	simm.s32 $0x0;
	v23 =	vmul.f32 v23, v23;
	v12 =	vmul.f32 v12, v12;
	v15 =	vld [tilespmem:s4+$0x0]  }
0x1c6: {  	s8 =	simm.s32 $0x40;
	v7 =	vadd.f32 v8, v7;
	s5 =	sand.u32 $0xFC0, s0;
	v11 =	vsub.f32 v11, v31;
	v14 =	vld [tilespmem:s4+$0xFFFFFFF0]  }
0x1c7: {  	v9 =	vsub.f32 v9, v21;
	v18 =	vld [tilespmem:s5+$0x2000];
	v8 =	vadd.f32 v23, v12;
	v12 =	vor.u32 s8, v4  }
0x1c8: {  	v10 =	vsub.f32 v13, v10;
	v21 =	vld.idx.msk [tilespmem:v16+s20+$0x0], $0xffff  }
0x1c9: {  	v11 =	vmul.f32 v11, v11;
	v9 =	vmul.f32 v9, v9;
	v13 =	vld.idx.msk [tilespmem:v16+s21+$0x0], $0xffff;
	v19 =	vshrl.u32 v24, $0x10  }
0x1ca: {  	v17 =	vsub.f32 v17, v20;
	v25 =	vld.idx.msk [tilespmem:v22+s21+$0x0], $0xffff;
	v24 =	vand.u32 $0xFFFF, v24  }
0x1cb: {  	v9 =	vadd.f32 v11, v9;
	v11 =	vld.idx.msk [tilespmem:v22+s20+$0x0], $0xffff  }
0x1cc: {  	v17 =	vmul.f32 v17, v17;
	v10 =	vmul.f32 v10, v10;
	v29 =	vld.idx.msk [tilespmem:v12+s21+$0x0], $0xffff  }
0x1cd: {  	v20 =	vshrl.u32 v14, $0x10;
	v12 =	vld.idx.msk [tilespmem:v12+s20+$0x0], $0xffff  }
0x1ce: {  	v10 =	vadd.f32 v10, v17;
	v17 =	vshrl.u32 v18, $0x10;
	v16 =	vld.idx.msk [tilespmem:v19+s25+$0x0], $0xffff  }
0x1cf: {  	v22 =	vand.u32 $0xFFFF, v18;
	v23 =	vld.idx.msk [tilespmem:v24+s26+$0x0], $0xffff  }
0x1d0: {  	v26 =	vand.u32 $0xFFFF, v14;
	v18 =	vld.idx.msk [tilespmem:v19+s26+$0x0], $0xffff  }
0x1d1: {  	v33 =	vand.u32 $0xFFFF, v15;
	v24 =	vld.idx.msk [tilespmem:v24+s25+$0x0], $0xffff  }
0x1d2: {  	v7 =	vadd.f32 v7, v8;
	v8 =	vadd.f32 v9, v10;
	v27 =	vld.idx.msk [tilespmem:v20+s26+$0x0], $0xffff  }
0x1d3: {  	v32 =	vld.idx.msk [tilespmem:v17+s25+$0x0], $0xffff  }
0x1d4: {  	v7 =	vadd.f32 v8, v7;
	v28 =	vld.idx.msk [tilespmem:v22+s26+$0x0], $0xffff  }
0x1d5: {  	v54 =	vor.u32 s8, v0;
	v59 =	vld.idx.msk [tilespmem:v26+s25+$0x0], $0xffff  }
0x1d6: {  	s29 =	simm.s32 $0x60;
	v6 =	vadd.f32 v7, v6;
	v7 =	vsub.f32 v11, v25;
	v25 =	vor.u32 s0, v2;
	v60 =	vld.idx.msk [tilespmem:v33+s26+$0x0], $0xffff  }
0x1d7: {  	v10 =	vor.u32 s29, v0;
	v9 =	vor.u32 s29, v5;
	v19 =	vshrl.u32 v15, $0x10;
	v26 =	vld.idx.msk [tilespmem:v26+s26+$0x0], $0xffff  }
0x1d8: {  	v22 =	vld.idx.msk [tilespmem:v22+s25+$0x0], $0xffff;
	v15 =	vunpack.i.u.bf16.f32 v18;
	v30 =	vunpack.i.l.bf16.f32 v18;
	v31 =	vunpack.i.u.bf16.f32 v24  }
0x1d9: {  	v51 =	vld.idx.msk [tilespmem:v17+s26+$0x0], $0xffff;
	v24 =	vunpack.i.l.bf16.f32 v24;
	v14 =	vunpack.i.l.bf16.f32 v23;
	v18 =	vunpack.i.u.bf16.f32 v16  }
0x1da: {  	v37 =	vunpack.i.u.bf16.f32 v23;
	v39 =	vunpack.i.l.bf16.f32 v16;
	v11 =	vunpack.i.u.bf16.f32 v27  }
0x1db: {  	v62 =	vld.idx.msk [tilespmem:v25+s21+$0x0], $0xffff;
	v16 =	vsub.f32 v21, v13;
	v23 =	vunpack.i.u.bf16.f32 v59;
	v56 =	vunpack.i.u.bf16.f32 v60  }
0x1dc: {  	v57 =	vld.idx.msk [tilespmem:v25+s20+$0x0], $0xffff;
	v58 =	vunpack.i.l.bf16.f32 v60;
	v50 =	vunpack.i.u.bf16.f32 v28;
	v25 =	vunpack.i.l.bf16.f32 v26  }
0x1dd: {  	v53 =	vunpack.i.u.bf16.f32 v22;
	v13 =	vsub.f32 v12, v29;
	v12 =	vunpack.i.l.bf16.f32 v32  }
0x1de: {  	v38 =	vunpack.i.l.bf16.f32 v22;
	v40 =	vunpack.i.u.bf16.f32 v51;
	v8 =	vmul.f32 v18, v37  }
0x1df: {  	v55 =	vld.idx.msk [tilespmem:v19+s25+$0x0], $0xffff;
	v32 =	vunpack.i.u.bf16.f32 v32;
	v45 =	vmul.f32 v39, v14;
	v14 =	vmul.f32 v18, v14  }
0x1e0: {  	v41 =	vld.idx.msk [tilespmem:v19+s26+$0x0], $0xffff;
	v22 =	vunpack.i.u.bf16.f32 v26;
	v42 =	vmul.f32 v30, v24;
	v43 =	vmul.f32 v15, v31  }
0x1e1: {  	v19 =	vld.idx.msk [tilespmem:v20+s25+$0x0], $0xffff;
	v18 =	vunpack.i.l.bf16.f32 v27;
	v20 =	vmul.f32 v30, v31;
	v24 =	vmul.f32 v15, v24  }
0x1e2: {  	v15 =	vunpack.i.l.bf16.f32 v59;
	v63 =	vmul.f32 v11, v23;
	v37 =	vmul.f32 v39, v37  }
0x1e3: {  	v59 =	vunpack.i.l.bf16.f32 v28;
	v26 =	vmul.f32 v12, v50;
	v61 =	vmul.f32 v18, v15  }
0x1e4: {  	v52 =	vld.idx.msk [tilespmem:v54+s20+$0x0], $0xffff;
	v29 =	vmul.f32 v12, v59;
	v35 =	vmul.f32 v32, v59;
	v30 =	vsub.f32 v20, v24  }
0x1e5: {  	v32 =	vmul.f32 v32, v50;
	v20 =	vld.idx.msk [tilespmem:v54+s21+$0x0], $0xffff;
	v24 =	vsub.f32 v57, v62;
	v62 =	vadd.f32 v42, v43  }
0x1e6: {  	v36 =	vadd.f32 v61, v63;
	v63 =	vunpack.i.l.bf16.f32 v51;
	v31 =	vunpack.i.u.bf16.f32 v41  }
0x1e7: {  	v17 =	vunpack.i.l.bf16.f32 v55;
	v27 =	vunpack.i.u.bf16.f32 v19;
	v19 =	vunpack.i.l.bf16.f32 v19  }
0x1e8: {  	v39 =	vunpack.i.l.bf16.f32 v41;
	v41 =	vmul.f32 v40, v53;
	v60 =	vmul.f32 v19, v25  }
0x1e9: {  	v43 =	vld.idx.msk [tilespmem:v33+s25+$0x0], $0xffff;
	v44 =	vunpack.i.u.bf16.f32 v55;
	v28 =	vmul.f32 v17, v58;
	v34 =	vmul.f32 v17, v56  }
0x1ea: {  	v61 =	vmul.f32 v27, v22;
	v17 =	vsub.f32 v52, v20;
	v20 =	vadd.f32 v36, v60  }
0x1eb: {  	v42 =	vmul.f32 v63, v53;
	v33 =	vadd.f32 v62, v45;
	v21 =	vmul.f32 v44, v56  }
0x1ec: {  	s7 =	simm.s32 $0x40;
	s2 =	simm.s32 $0x2070;
	s4 =	simm.s32 $0x0;
	v12 =	vld.idx.msk [tilespmem:v10+s21+$0x0], $0xffff;
	v36 =	vmul.f32 v44, v58;
	v44 =	vmul.f32 v63, v38;
	v20 =	vadd.f32 v20, v61  }
.LBB2_13:
0x1ed: {  	s5 =	smov.u32 s7  }
0x1ee: {  	s8 =	sand.u32 $0xFC0, s7;
	v45 =	vld [tilespmem:s2+$0xFFFFFFE0];
	v38 =	vmul.f32 v40, v38;
	v40 =	vunpack.i.u.bf16.f32 v43;
	v43 =	vunpack.i.l.bf16.f32 v43;
	s0 =	sadd.s32 $0x80, s0;
	s5 =	sadd.s32 $0x40, s7  }
0x1ef: {  	p0 =	sne.s32 s7, $0xFC0;
	v41 =	vadd.f32 v44, v41;
	v44 =	vmul.f32 v39, v40;
	v47 =	vmul.f32 v31, v43;
	v46 =	vld [tilespmem:s2+$0x0]  }
0x1f0: {  	v49 =	vor.u32 s4, v0;
	v18 =	vmul.f32 v18, v23;
	v23 =	vmul.f32 v39, v43;
	s4 =	smov.u32 s0;
	v48 =	vld [tilespmem:s8+$0x2000]  }
0x1f1: {  	v30 =	vadd.f32 v30, v37;
	s7 =	sadd.s32 $0x20, s0;
	v31 =	vmul.f32 v31, v40;
	v37 =	vsub.f32 v44, v47;
	v39 =	vld [tilespmem:s2+$0xFFFFFFF0]  }
0x1f2: {  	v25 =	vmul.f32 v27, v25;
	v40 =	vor.u32 s7, v3;
	v38 =	vsub.f32 v42, v38;
	v27 =	vld.idx.msk [tilespmem:v10+s20+$0x0], $0xffff  }
0x1f3: {  	v42 =	vshrl.u32 v45, $0x10;
	v43 =	vand.u32 $0xFFFF, v45;
	v10 =	vadd.f32 v23, v31;
	v44 =	vld.idx.msk [tilespmem:v9+s21+$0x0], $0xffff  }
0x1f4: {  	v23 =	vor.u32 s7, v0;
	v31 =	vadd.f32 v38, v26;
	v38 =	vld.idx.msk [tilespmem:v9+s20+$0x0], $0xffff;
	v9 =	vadd.f32 v37, v34  }
0x1f5: {  	v34 =	vshrl.u32 v46, $0x10;
	v26 =	vand.u32 $0xFFFF, v46;
	v28 =	vadd.f32 v10, v28;
	v37 =	vld.idx.msk [tilespmem:v49+s20+$0x0], $0xffff  }
0x1f6: {  	v31 =	vsub.f32 v31, v35;
	v45 =	vand.u32 $0xFFFF, v48;
	v46 =	vshrl.u32 v39, $0x10;
	v47 =	vld.idx.msk [tilespmem:v49+s21+$0x0], $0xffff  }
0x1f7: {  	s8 =	sadd.s32 $0x60, s0;
	v29 =	vadd.f32 v41, v29;
	s7 =	sadd.s32 $0x40, s0;
	v39 =	vand.u32 $0xFFFF, v39;
	v36 =	vsub.f32 v9, v36;
	v35 =	vld.idx.msk [tilespmem:v40+s20+$0x0], $0xffff  }
0x1f8: {  	v41 =	vor.u32 s7, v0;
	v10 =	vor.u32 s8, v0;
	v21 =	vadd.f32 v28, v21;
	v40 =	vld.idx.msk [tilespmem:v40+s21+$0x0], $0xffff  }
0x1f9: {  	v14 =	vsub.f32 v30, v14;
	v49 =	vor.u32 s7, v4;
	v24 =	vsub.f32 v24, v31;
	v28 =	vld.idx.msk [tilespmem:v42+s25+$0x0], $0xffff  }
0x1fa: {  	v29 =	vadd.f32 v29, v32;
	v30 =	vshrl.u32 v48, $0x10;
	v9 =	vor.u32 s8, v5;
	v31 =	vld.idx.msk [tilespmem:v23+s21+$0x0], $0xffff  }
0x1fb: {  	v11 =	vmul.f32 v11, v15;
	v14 =	vsub.f32 v16, v14;
	v15 =	vsub.f32 v27, v12;
	v32 =	vld.idx.msk [tilespmem:v43+s26+$0x0], $0xffff  }
0x1fc: {  	v8 =	vadd.f32 v33, v8;
	v12 =	vsub.f32 v37, v47;
	v16 =	vld.idx.msk [tilespmem:v23+s20+$0x0], $0xffff  }
0x1fd: {  	v11 =	vsub.f32 v18, v11;
	v18 =	vmul.f32 v19, v22;
	v19 =	vsub.f32 v38, v44;
	v23 =	vld.idx.msk [tilespmem:v42+s26+$0x0], $0xffff  }
0x1fe: {  	v7 =	vsub.f32 v7, v8;
	v8 =	vmul.f32 v14, v14;
	v27 =	vsub.f32 v12, v29;
	v22 =	vld.idx.msk [tilespmem:v43+s25+$0x0], $0xffff  }
0x1ff: {  	v11 =	vadd.f32 v11, v18;
	v18 =	vsub.f32 v19, v36;
	v14 =	vld.idx.msk [tilespmem:v46+s26+$0x0], $0xffff  }
0x200: {  	v7 =	vmul.f32 v7, v7;
	v15 =	vsub.f32 v15, v21;
	v19 =	vmul.f32 v27, v27;
	v12 =	vld.idx.msk [tilespmem:v10+s21+$0x0], $0xffff  }
0x201: {  	v11 =	vsub.f32 v11, v25;
	v21 =	vmul.f32 v24, v24;
	v24 =	vmul.f32 v18, v18;
	v29 =	vld.idx.msk [tilespmem:v49+s21+$0x0], $0xffff  }
0x202: {  	v25 =	vadd.f32 v8, v7;
	v7 =	vsub.f32 v17, v20;
	v15 =	vmul.f32 v15, v15;
	v33 =	vld.idx.msk [tilespmem:v41+s21+$0x0], $0xffff  }
0x203: {  	v8 =	vsub.f32 v13, v11;
	v20 =	vunpack.i.u.bf16.f32 v23;
	v23 =	vunpack.i.l.bf16.f32 v23;
	v17 =	vld.idx.msk [tilespmem:v30+s25+$0x0], $0xffff  }
0x204: {  	v36 =	vmul.f32 v7, v7;
	v27 =	vunpack.i.u.bf16.f32 v22;
	v22 =	vunpack.i.l.bf16.f32 v22;
	v13 =	vld.idx.msk [tilespmem:v45+s26+$0x0], $0xffff  }
0x205: {  	v38 =	vunpack.i.u.bf16.f32 v28;
	v37 =	vunpack.i.l.bf16.f32 v32;
	v19 =	vadd.f32 v21, v19;
	v42 =	vld.idx.msk [tilespmem:v34+s25+$0x0], $0xffff  }
0x206: {  	v43 =	vunpack.i.l.bf16.f32 v28;
	v28 =	vmul.f32 v8, v8;
	v32 =	vunpack.i.u.bf16.f32 v32;
	v21 =	vld.idx.msk [tilespmem:v39+s25+$0x0], $0xffff  }
0x207: {  	v7 =	vsub.f32 v16, v31;
	v8 =	vmul.f32 v38, v32;
	v11 =	vunpack.i.u.bf16.f32 v14;
	v44 =	vld.idx.msk [tilespmem:v49+s20+$0x0], $0xffff  }
0x208: {  	v31 =	vor.u32 s0, v2;
	v16 =	vadd.f32 v28, v36;
	v18 =	vunpack.i.l.bf16.f32 v14;
	v47 =	vld.idx.msk [tilespmem:v26+s26+$0x0], $0xffff  }
0x209: {  	v15 =	vadd.f32 v24, v15;
	v48 =	vmul.f32 v43, v37;
	v14 =	vmul.f32 v38, v37;
	v36 =	vld.idx.msk [tilespmem:v34+s26+$0x0], $0xffff  }
0x20a: {  	v19 =	vadd.f32 v25, v19;
	v50 =	vmul.f32 v20, v27;
	v49 =	vmul.f32 v23, v22;
	v24 =	vld.idx.msk [tilespmem:v46+s25+$0x0], $0xffff  }
0x20b: {  	v25 =	vmul.f32 v23, v27;
	v20 =	vmul.f32 v20, v22;
	v27 =	vadd.f32 v15, v16;
	v22 =	vld.idx.msk [tilespmem:v39+s26+$0x0], $0xffff  }
0x20c: {  	v16 =	vsub.f32 v35, v40;
	v23 =	vunpack.i.u.bf16.f32 v21;
	v15 =	vunpack.i.l.bf16.f32 v21;
	v37 =	vld.idx.msk [tilespmem:v45+s25+$0x0], $0xffff  }
0x20d: {  	v19 =	vadd.f32 v27, v19;
	v39 =	vmul.f32 v18, v15;
	v45 =	vunpack.i.u.bf16.f32 v42;
	v35 =	vld.idx.msk [tilespmem:v31+s21+$0x0], $0xffff  }
0x20e: {  	v46 =	vmul.f32 v11, v23;
	v34 =	vunpack.i.u.bf16.f32 v47;
	v47 =	vunpack.i.l.bf16.f32 v47;
	v40 =	vld.idx.msk [tilespmem:v31+s20+$0x0], $0xffff  }
0x20f: {  	v51 =	vunpack.i.u.bf16.f32 v13;
	v31 =	vunpack.i.u.bf16.f32 v36;
	v21 =	vmul.f32 v45, v34;
	v52 =	vld.idx.msk [tilespmem:v30+s26+$0x0], $0xffff  }
0x210: {  	v6 =	vadd.f32 v19, v6;
	v30 =	vsub.f32 v25, v20;
	v20 =	vunpack.i.l.bf16.f32 v42  }
0x211: {  	v42 =	vunpack.i.l.bf16.f32 v13;
	v25 =	vunpack.i.l.bf16.f32 v22;
	v28 =	vmul.f32 v20, v47;
	v41 =	vld.idx.msk [tilespmem:v41+s20+$0x0], $0xffff  }
0x212: {  	v27 =	vunpack.i.u.bf16.f32 v24;
	v13 =	vsub.f32 v44, v29;
	v53 =	vunpack.i.u.bf16.f32 v37  }
0x213: {  	v44 =	vunpack.i.l.bf16.f32 v17;
	v19 =	vunpack.i.l.bf16.f32 v24;
	v34 =	vmul.f32 v20, v34  }
0x214: {  	v38 =	vunpack.i.l.bf16.f32 v37;
	v20 =	vmul.f32 v19, v25;
	v24 =	vsub.f32 v40, v35  }
0x215: {  	v46 =	vadd.f32 v39, v46;
	v29 =	vmul.f32 v44, v42;
	v40 =	vunpack.i.u.bf16.f32 v52  }
0x216: {  	v54 =	vunpack.i.u.bf16.f32 v17;
	v22 =	vunpack.i.u.bf16.f32 v22;
	v37 =	vmul.f32 v43, v32;
	v43 =	vld.idx.msk [tilespmem:v26+s25+$0x0], $0xffff  }
.Ltmp5:
0x217: {  	v39 =	vunpack.i.l.bf16.f32 v36;
	v35 =	vmul.f32 v54, v42;
	v17 =	vsub.f32 v41, v33;
	(pc) =	sbr.rel @p0 .LBB2_13-.Ltmp5, $4  }
0x218: {  	v20 =	vadd.f32 v46, v20;
	v26 =	vmul.f32 v44, v51;
	v33 =	vmul.f32 v27, v22  }
0x219: {  	v32 =	vmul.f32 v54, v51;
	v46 =	vadd.f32 v49, v50;
	v41 =	vmul.f32 v40, v53  }
0x21a: {  	v36 =	vmul.f32 v45, v47;
	v42 =	vunpack.i.l.bf16.f32 v52;
	v20 =	vadd.f32 v20, v33  }
0x21b: {  	s2 =	sadd.s32 $0x40, s2;
	s7 =	smov.u32 s5;
	v44 =	vmul.f32 v42, v38;
	v42 =	vmul.f32 v42, v53;
	v33 =	vadd.f32 v46, v48  }
0x21c: {  	_ =	sdelay $0x1  }
0x21d: {  	v45 =	vor.u32 s4, v0;
	_ =	sdelay $0x1  }
0x21e: {  	v10 =	vld.idx.msk [tilespmem:v10+s20+$0x0], $0xffff;
	v38 =	vmul.f32 v40, v38;
	v52 =	vunpack.i.u.bf16.f32 v43  }
0x21f: {  	v46 =	vld.idx.msk [tilespmem:v9+s21+$0x0], $0xffff;
	v53 =	vunpack.i.l.bf16.f32 v43;
	v18 =	vmul.f32 v18, v23;
	v11 =	vmul.f32 v11, v15  }
0x220: {  	v9 =	vld.idx.msk [tilespmem:v9+s20+$0x0], $0xffff;
	v30 =	vadd.f32 v30, v37;
	v47 =	vmul.f32 v39, v52;
	v48 =	vmul.f32 v31, v53  }
0x221: {  	v54 =	vmul.f32 v39, v53;
	v41 =	vadd.f32 v44, v41;
	v8 =	vadd.f32 v33, v8;
	v49 =	vld.idx.msk [tilespmem:v45+s20+$0x0], $0xffff  }
0x222: {  	v31 =	vmul.f32 v31, v52;
	v38 =	vsub.f32 v42, v38;
	v14 =	vsub.f32 v30, v14;
	v55 =	vld.idx.msk [tilespmem:v45+s21+$0x0], $0xffff;
	_ =	swait.ge [sflag:s28], $0x2000  }
0x223: {  	v11 =	vsub.f32 v18, v11;
	v56 =	vsub.f32 v47, v48;
	[sflag:s28] =	ssyncset.done $0x0  }
0x224: {  	v31 =	vadd.f32 v54, v31;
	v26 =	vadd.f32 v38, v26;
	[sflag:s28] =	ssyncadd.s32 $0xFFFFE000  }
0x225: {  	v15 =	vmul.f32 v19, v22;
	v29 =	vadd.f32 v41, v29;
	v7 =	vsub.f32 v7, v8;
	_ =	swait.ge [sflag:s28], $0x2000  }
0x226: {  	v14 =	vsub.f32 v16, v14;
	v26 =	vsub.f32 v26, v35;
	[sflag:s28] =	ssyncset.done $0x0  }
0x227: {  	s2 =	simm.s32 $0x3030;
	v11 =	vadd.f32 v11, v15;
	v34 =	vadd.f32 v56, v34;
	[sflag:s28] =	ssyncadd.s32 $0xFFFFE000  }
0x228: {  	s8 =	simm.s32 $0x20;
	v18 =	vmul.f32 v27, v25;
	v28 =	vadd.f32 v31, v28;
	v23 =	vsub.f32 v24, v26;
	v24 =	vld [tilespmem:s2+$0xFFFFFFE0]  }
0x229: {  	v16 =	vor.u32 s8, v3;
	v10 =	vsub.f32 v10, v12;
	v9 =	vsub.f32 v9, v46  }
0x22a: {  	v22 =	vor.u32 s8, v0;
	v11 =	vsub.f32 v11, v18;
	v31 =	vsub.f32 v34, v36  }
0x22b: {  	s0 =	simm.s32 $0x0;
	v7 =	vmul.f32 v7, v7;
	v21 =	vadd.f32 v28, v21;
	v26 =	vadd.f32 v29, v32;
	v15 =	vld [tilespmem:s2+$0x0]  }
0x22c: {  	s5 =	sand.u32 $0xFC0, s0;
	v8 =	vmul.f32 v14, v14;
	v11 =	vsub.f32 v13, v11;
	v12 =	vsub.f32 v49, v55;
	v14 =	vld [tilespmem:s2+$0xFFFFFFF0]  }
0x22d: {  	v9 =	vsub.f32 v9, v31;
	v10 =	vsub.f32 v10, v21;
	v18 =	vld [tilespmem:s5+$0x3000];
	v19 =	vshrl.u32 v24, $0x10  }
0x22e: {  	v23 =	vmul.f32 v23, v23;
	v21 =	vld.idx.msk [tilespmem:v16+s22+$0x0], $0xffff;
	v12 =	vsub.f32 v12, v26;
	v24 =	vand.u32 $0xFFFF, v24  }
0x22f: {  	v17 =	vsub.f32 v17, v20;
	v20 =	vld.idx.msk [tilespmem:v16+s23+$0x0], $0xffff;
	v9 =	vmul.f32 v9, v9;
	v10 =	vmul.f32 v10, v10  }
0x230: {  	v11 =	vmul.f32 v11, v11;
	v25 =	vld.idx.msk [tilespmem:v22+s23+$0x0], $0xffff;
	v12 =	vmul.f32 v12, v12  }
0x231: {  	s7 =	simm.s32 $0x40;
	v16 =	vmul.f32 v17, v17;
	v9 =	vadd.f32 v9, v10;
	v10 =	vld.idx.msk [tilespmem:v22+s22+$0x0], $0xffff;
	v17 =	vshrl.u32 v14, $0x10  }
0x232: {  	v7 =	vadd.f32 v8, v7;
	v8 =	vadd.f32 v23, v12;
	v12 =	vor.u32 s7, v4;
	v13 =	vld.idx.msk [tilespmem:v19+s25+$0x0], $0xffff  }
0x233: {  	v11 =	vadd.f32 v11, v16;
	v26 =	vshrl.u32 v18, $0x10;
	v23 =	vld.idx.msk [tilespmem:v24+s26+$0x0], $0xffff  }
0x234: {  	v22 =	vand.u32 $0xFFFF, v18;
	v16 =	vld.idx.msk [tilespmem:v19+s26+$0x0], $0xffff  }
0x235: {  	v18 =	vshrl.u32 v15, $0x10;
	v7 =	vadd.f32 v7, v8;
	v8 =	vadd.f32 v9, v11;
	v11 =	vld.idx.msk [tilespmem:v24+s25+$0x0], $0xffff  }
0x236: {  	v14 =	vand.u32 $0xFFFF, v14;
	v19 =	vld.idx.msk [tilespmem:v17+s26+$0x0], $0xffff  }
0x237: {  	v24 =	vld.idx.msk [tilespmem:v12+s23+$0x0], $0xffff  }
0x238: {  	v32 =	vld.idx.msk [tilespmem:v26+s25+$0x0], $0xffff  }
0x239: {  	v27 =	vld.idx.msk [tilespmem:v22+s26+$0x0], $0xffff  }
0x23a: {  	v28 =	vor.u32 s7, v0;
	v29 =	vld.idx.msk [tilespmem:v18+s25+$0x0], $0xffff  }
0x23b: {  	s8 =	simm.s32 $0x60;
	v7 =	vadd.f32 v8, v7;
	v58 =	vld.idx.msk [tilespmem:v14+s25+$0x0], $0xffff  }
0x23c: {  	v34 =	vand.u32 $0xFFFF, v15;
	v9 =	vor.u32 s8, v0;
	v8 =	vsub.f32 v10, v25;
	v12 =	vld.idx.msk [tilespmem:v12+s22+$0x0], $0xffff  }
0x23d: {  	v25 =	vor.u32 s0, v2;
	v22 =	vld.idx.msk [tilespmem:v22+s25+$0x0], $0xffff;
	v6 =	vadd.f32 v7, v6;
	v7 =	vor.u32 s8, v5  }
0x23e: {  	v17 =	vld.idx.msk [tilespmem:v17+s25+$0x0], $0xffff;
	v15 =	vunpack.i.u.bf16.f32 v16;
	v16 =	vunpack.i.l.bf16.f32 v16;
	v30 =	vunpack.i.u.bf16.f32 v11  }
0x23f: {  	v50 =	vld.idx.msk [tilespmem:v28+s23+$0x0], $0xffff;
	v31 =	vunpack.i.l.bf16.f32 v11;
	v57 =	vunpack.i.l.bf16.f32 v23;
	v59 =	vunpack.i.u.bf16.f32 v13  }
0x240: {  	v36 =	vld.idx.msk [tilespmem:v18+s26+$0x0], $0xffff;
	v37 =	vunpack.i.u.bf16.f32 v23;
	v39 =	vunpack.i.l.bf16.f32 v13;
	v11 =	vunpack.i.u.bf16.f32 v19  }
0x241: {  	v61 =	vld.idx.msk [tilespmem:v14+s26+$0x0], $0xffff;
	v18 =	vunpack.i.l.bf16.f32 v19;
	v23 =	vunpack.i.u.bf16.f32 v58;
	v44 =	vunpack.i.u.bf16.f32 v29  }
0x242: {  	v52 =	vld.idx.msk [tilespmem:v28+s22+$0x0], $0xffff;
	v29 =	vunpack.i.l.bf16.f32 v29;
	v51 =	vunpack.i.l.bf16.f32 v27;
	v53 =	vunpack.i.u.bf16.f32 v22  }
0x243: {  	v60 =	vld.idx.msk [tilespmem:v34+s26+$0x0], $0xffff;
	v28 =	vunpack.i.u.bf16.f32 v17;
	v14 =	vsub.f32 v12, v24;
	v12 =	vunpack.i.l.bf16.f32 v32  }
0x244: {  	v38 =	vunpack.i.l.bf16.f32 v22;
	v10 =	vmul.f32 v59, v37;
	v45 =	vmul.f32 v39, v57  }
0x245: {  	v32 =	vunpack.i.u.bf16.f32 v32;
	v13 =	vmul.f32 v59, v57;
	v42 =	vmul.f32 v16, v31  }
0x246: {  	v22 =	vunpack.i.u.bf16.f32 v61;
	v43 =	vmul.f32 v15, v30;
	v19 =	vmul.f32 v16, v30  }
0x247: {  	v31 =	vmul.f32 v15, v31;
	v16 =	vunpack.i.l.bf16.f32 v58;
	v15 =	vsub.f32 v21, v20  }
0x248: {  	v62 =	vld.idx.msk [tilespmem:v25+s23+$0x0], $0xffff;
	v63 =	vmul.f32 v11, v23;
	v57 =	vunpack.i.u.bf16.f32 v60;
	v58 =	vunpack.i.l.bf16.f32 v60  }
0x249: {  	v25 =	vld.idx.msk [tilespmem:v25+s22+$0x0], $0xffff;
	v59 =	vunpack.i.u.bf16.f32 v27;
	v37 =	vmul.f32 v39, v37;
	v35 =	vmul.f32 v32, v51  }
0x24a: {  	v60 =	vld.idx.msk [tilespmem:v26+s26+$0x0], $0xffff;
	v26 =	vunpack.i.l.bf16.f32 v61;
	v61 =	vmul.f32 v28, v22;
	v21 =	vmul.f32 v18, v16  }
0x24b: {  	v30 =	vunpack.i.u.bf16.f32 v36;
	v20 =	vmul.f32 v44, v57;
	v27 =	vmul.f32 v29, v58  }
0x24c: {  	v39 =	vunpack.i.l.bf16.f32 v36;
	v33 =	vmul.f32 v29, v57;
	v29 =	vmul.f32 v12, v51  }
0x24d: {  	v24 =	vmul.f32 v12, v59;
	v31 =	vsub.f32 v19, v31;
	v19 =	vunpack.i.l.bf16.f32 v17  }
0x24e: {  	v32 =	vmul.f32 v32, v59;
	v54 =	vmul.f32 v19, v26;
	v21 =	vadd.f32 v21, v63  }
0x24f: {  	v36 =	vmul.f32 v44, v58;
	v25 =	vsub.f32 v25, v62;
	v62 =	vadd.f32 v42, v43;
	v43 =	vld.idx.msk [tilespmem:v34+s25+$0x0], $0xffff  }
0x250: {  	v17 =	vsub.f32 v52, v50;
	v40 =	vunpack.i.u.bf16.f32 v60;
	v21 =	vadd.f32 v21, v54  }
0x251: {  	v63 =	vunpack.i.l.bf16.f32 v60;
	v34 =	vadd.f32 v62, v45;
	v41 =	vmul.f32 v40, v53  }
0x252: {  	s29 =	simm.s32 $0x3070;
	s5 =	simm.s32 $0x40;
	s2 =	simm.s32 $0x0;
	v12 =	vld.idx.msk [tilespmem:v9+s23+$0x0], $0xffff;
	v44 =	vmul.f32 v63, v38;
	v42 =	vmul.f32 v63, v53;
	v21 =	vadd.f32 v21, v61  }
.LBB2_15:
0x253: {  	s4 =	smov.u32 s5  }
0x254: {  	s7 =	sand.u32 $0xFC0, s5;
	v45 =	vld [tilespmem:s29+$0xFFFFFFE0];
	v38 =	vmul.f32 v40, v38;
	v40 =	vunpack.i.u.bf16.f32 v43;
	v43 =	vunpack.i.l.bf16.f32 v43;
	s0 =	sadd.s32 $0x80, s0;
	s4 =	sadd.s32 $0x40, s5  }
0x255: {  	p0 =	sne.s32 s5, $0xFC0;
	v41 =	vadd.f32 v44, v41;
	v44 =	vmul.f32 v39, v40;
	v47 =	vmul.f32 v30, v43;
	v46 =	vld [tilespmem:s29+$0x0]  }
0x256: {  	v49 =	vor.u32 s2, v0;
	v18 =	vmul.f32 v18, v23;
	v23 =	vmul.f32 v39, v43;
	s2 =	smov.u32 s0;
	v48 =	vld [tilespmem:s7+$0x3000]  }
0x257: {  	v31 =	vadd.f32 v31, v37;
	s5 =	sadd.s32 $0x20, s0;
	v30 =	vmul.f32 v30, v40;
	v37 =	vsub.f32 v44, v47;
	v39 =	vld [tilespmem:s29+$0xFFFFFFF0]  }
0x258: {  	v26 =	vmul.f32 v28, v26;
	v40 =	vor.u32 s5, v3;
	v38 =	vsub.f32 v42, v38;
	v28 =	vld.idx.msk [tilespmem:v9+s22+$0x0], $0xffff  }
0x259: {  	v42 =	vshrl.u32 v45, $0x10;
	v43 =	vand.u32 $0xFFFF, v45;
	v9 =	vadd.f32 v23, v30;
	v44 =	vld.idx.msk [tilespmem:v7+s23+$0x0], $0xffff  }
0x25a: {  	v23 =	vor.u32 s5, v0;
	v30 =	vadd.f32 v38, v24;
	v38 =	vld.idx.msk [tilespmem:v7+s22+$0x0], $0xffff;
	v7 =	vadd.f32 v37, v33  }
0x25b: {  	v33 =	vshrl.u32 v46, $0x10;
	v24 =	vand.u32 $0xFFFF, v46;
	v27 =	vadd.f32 v9, v27;
	v37 =	vld.idx.msk [tilespmem:v49+s22+$0x0], $0xffff  }
0x25c: {  	v30 =	vsub.f32 v30, v35;
	v45 =	vand.u32 $0xFFFF, v48;
	v46 =	vshrl.u32 v39, $0x10;
	v47 =	vld.idx.msk [tilespmem:v49+s23+$0x0], $0xffff  }
0x25d: {  	s7 =	sadd.s32 $0x60, s0;
	v29 =	vadd.f32 v41, v29;
	s5 =	sadd.s32 $0x40, s0;
	v39 =	vand.u32 $0xFFFF, v39;
	v36 =	vsub.f32 v7, v36;
	v35 =	vld.idx.msk [tilespmem:v40+s22+$0x0], $0xffff  }
0x25e: {  	v41 =	vor.u32 s5, v0;
	v9 =	vor.u32 s7, v0;
	v20 =	vadd.f32 v27, v20;
	v40 =	vld.idx.msk [tilespmem:v40+s23+$0x0], $0xffff  }
0x25f: {  	v13 =	vsub.f32 v31, v13;
	v49 =	vor.u32 s5, v4;
	v25 =	vsub.f32 v25, v30;
	v27 =	vld.idx.msk [tilespmem:v42+s25+$0x0], $0xffff  }
0x260: {  	v29 =	vadd.f32 v29, v32;
	v30 =	vshrl.u32 v48, $0x10;
	v7 =	vor.u32 s7, v5;
	v31 =	vld.idx.msk [tilespmem:v23+s23+$0x0], $0xffff  }
0x261: {  	v11 =	vmul.f32 v11, v16;
	v13 =	vsub.f32 v15, v13;
	v15 =	vsub.f32 v28, v12;
	v32 =	vld.idx.msk [tilespmem:v43+s26+$0x0], $0xffff  }
0x262: {  	v10 =	vadd.f32 v34, v10;
	v12 =	vsub.f32 v37, v47;
	v16 =	vld.idx.msk [tilespmem:v23+s22+$0x0], $0xffff  }
0x263: {  	v11 =	vsub.f32 v18, v11;
	v18 =	vmul.f32 v19, v22;
	v19 =	vsub.f32 v38, v44;
	v23 =	vld.idx.msk [tilespmem:v42+s26+$0x0], $0xffff  }
0x264: {  	v8 =	vsub.f32 v8, v10;
	v10 =	vmul.f32 v13, v13;
	v28 =	vsub.f32 v12, v29;
	v22 =	vld.idx.msk [tilespmem:v43+s25+$0x0], $0xffff  }
0x265: {  	v11 =	vadd.f32 v11, v18;
	v18 =	vsub.f32 v19, v36;
	v13 =	vld.idx.msk [tilespmem:v46+s26+$0x0], $0xffff  }
0x266: {  	v8 =	vmul.f32 v8, v8;
	v15 =	vsub.f32 v15, v20;
	v19 =	vmul.f32 v28, v28;
	v12 =	vld.idx.msk [tilespmem:v9+s23+$0x0], $0xffff  }
0x267: {  	v11 =	vsub.f32 v11, v26;
	v20 =	vmul.f32 v25, v25;
	v25 =	vmul.f32 v18, v18;
	v29 =	vld.idx.msk [tilespmem:v49+s23+$0x0], $0xffff  }
0x268: {  	v26 =	vadd.f32 v10, v8;
	v8 =	vsub.f32 v17, v21;
	v15 =	vmul.f32 v15, v15;
	v34 =	vld.idx.msk [tilespmem:v41+s23+$0x0], $0xffff  }
0x269: {  	v10 =	vsub.f32 v14, v11;
	v21 =	vunpack.i.u.bf16.f32 v23;
	v23 =	vunpack.i.l.bf16.f32 v23;
	v17 =	vld.idx.msk [tilespmem:v30+s25+$0x0], $0xffff  }
0x26a: {  	v36 =	vmul.f32 v8, v8;
	v28 =	vunpack.i.u.bf16.f32 v22;
	v22 =	vunpack.i.l.bf16.f32 v22;
	v14 =	vld.idx.msk [tilespmem:v45+s26+$0x0], $0xffff  }
0x26b: {  	v38 =	vunpack.i.u.bf16.f32 v27;
	v37 =	vunpack.i.l.bf16.f32 v32;
	v19 =	vadd.f32 v20, v19;
	v42 =	vld.idx.msk [tilespmem:v33+s25+$0x0], $0xffff  }
0x26c: {  	v43 =	vunpack.i.l.bf16.f32 v27;
	v27 =	vmul.f32 v10, v10;
	v32 =	vunpack.i.u.bf16.f32 v32;
	v20 =	vld.idx.msk [tilespmem:v39+s25+$0x0], $0xffff  }
0x26d: {  	v8 =	vsub.f32 v16, v31;
	v10 =	vmul.f32 v38, v32;
	v11 =	vunpack.i.u.bf16.f32 v13;
	v44 =	vld.idx.msk [tilespmem:v49+s22+$0x0], $0xffff  }
0x26e: {  	v31 =	vor.u32 s0, v2;
	v16 =	vadd.f32 v27, v36;
	v18 =	vunpack.i.l.bf16.f32 v13;
	v47 =	vld.idx.msk [tilespmem:v24+s26+$0x0], $0xffff  }
0x26f: {  	v15 =	vadd.f32 v25, v15;
	v48 =	vmul.f32 v43, v37;
	v13 =	vmul.f32 v38, v37;
	v36 =	vld.idx.msk [tilespmem:v33+s26+$0x0], $0xffff  }
0x270: {  	v19 =	vadd.f32 v26, v19;
	v50 =	vmul.f32 v21, v28;
	v49 =	vmul.f32 v23, v22;
	v25 =	vld.idx.msk [tilespmem:v46+s25+$0x0], $0xffff  }
0x271: {  	v27 =	vadd.f32 v15, v16;
	v26 =	vmul.f32 v23, v28;
	v21 =	vmul.f32 v21, v22;
	v22 =	vld.idx.msk [tilespmem:v39+s26+$0x0], $0xffff  }
0x272: {  	v15 =	vsub.f32 v35, v40;
	v23 =	vunpack.i.u.bf16.f32 v20;
	v16 =	vunpack.i.l.bf16.f32 v20;
	v37 =	vld.idx.msk [tilespmem:v45+s25+$0x0], $0xffff  }
0x273: {  	v19 =	vadd.f32 v27, v19;
	v39 =	vmul.f32 v18, v16;
	v45 =	vunpack.i.u.bf16.f32 v42;
	v35 =	vld.idx.msk [tilespmem:v31+s23+$0x0], $0xffff  }
0x274: {  	v46 =	vmul.f32 v11, v23;
	v33 =	vunpack.i.u.bf16.f32 v47;
	v47 =	vunpack.i.l.bf16.f32 v47;
	v40 =	vld.idx.msk [tilespmem:v31+s22+$0x0], $0xffff  }
0x275: {  	v51 =	vunpack.i.u.bf16.f32 v14;
	v20 =	vmul.f32 v45, v33;
	v52 =	vld.idx.msk [tilespmem:v30+s26+$0x0], $0xffff;
	v30 =	vunpack.i.u.bf16.f32 v36  }
0x276: {  	v6 =	vadd.f32 v19, v6;
	v31 =	vsub.f32 v26, v21;
	v21 =	vunpack.i.l.bf16.f32 v42  }
0x277: {  	v42 =	vunpack.i.l.bf16.f32 v14;
	v27 =	vmul.f32 v21, v47;
	v26 =	vunpack.i.l.bf16.f32 v22;
	v41 =	vld.idx.msk [tilespmem:v41+s22+$0x0], $0xffff  }
0x278: {  	v14 =	vsub.f32 v44, v29;
	v28 =	vunpack.i.u.bf16.f32 v25;
	v53 =	vunpack.i.u.bf16.f32 v37  }
0x279: {  	v44 =	vunpack.i.l.bf16.f32 v17;
	v19 =	vunpack.i.l.bf16.f32 v25;
	v33 =	vmul.f32 v21, v33  }
0x27a: {  	v38 =	vunpack.i.l.bf16.f32 v37;
	v21 =	vmul.f32 v19, v26;
	v25 =	vsub.f32 v40, v35  }
0x27b: {  	v46 =	vadd.f32 v39, v46;
	v29 =	vmul.f32 v44, v42;
	v40 =	vunpack.i.u.bf16.f32 v52  }
0x27c: {  	v54 =	vunpack.i.u.bf16.f32 v17;
	v22 =	vunpack.i.u.bf16.f32 v22;
	v37 =	vmul.f32 v43, v32;
	v43 =	vld.idx.msk [tilespmem:v24+s25+$0x0], $0xffff  }
.Ltmp6:
0x27d: {  	v39 =	vunpack.i.l.bf16.f32 v36;
	v35 =	vmul.f32 v54, v42;
	v17 =	vsub.f32 v41, v34;
	(pc) =	sbr.rel @p0 .LBB2_15-.Ltmp6, $4  }
0x27e: {  	v21 =	vadd.f32 v46, v21;
	v24 =	vmul.f32 v44, v51;
	v34 =	vmul.f32 v28, v22  }
0x27f: {  	v32 =	vmul.f32 v54, v51;
	v46 =	vadd.f32 v49, v50;
	v41 =	vmul.f32 v40, v53  }
0x280: {  	v36 =	vmul.f32 v45, v47;
	v42 =	vunpack.i.l.bf16.f32 v52;
	v21 =	vadd.f32 v21, v34  }
0x281: {  	s29 =	sadd.s32 $0x40, s29;
	s5 =	smov.u32 s4;
	v44 =	vmul.f32 v42, v38;
	v42 =	vmul.f32 v42, v53;
	v34 =	vadd.f32 v46, v48  }
0x282: {  	v38 =	vmul.f32 v40, v38;
	v61 =	vunpack.i.u.bf16.f32 v43;
	v62 =	vunpack.i.l.bf16.f32 v43  }
0x283: {  	v46 =	vor.u32 s2, v0;
	v18 =	vmul.f32 v18, v23;
	v11 =	vmul.f32 v11, v16  }
0x284: {  	v31 =	vadd.f32 v31, v37;
	v45 =	vmul.f32 v39, v61;
	v63 =	vmul.f32 v39, v62  }
0x285: {  	v43 =	vmul.f32 v30, v62;
	v48 =	vadd.f32 v44, v41;
	v10 =	vadd.f32 v34, v10  }
0x286: {  	v9 =	vld.idx.msk [tilespmem:v9+s22+$0x0], $0xffff;
	v47 =	vmul.f32 v30, v61;
	v61 =	vsub.f32 v17, v21;
	v38 =	vsub.f32 v42, v38  }
0x287: {  	v50 =	vld.idx.msk [tilespmem:v7+s23+$0x0], $0xffff;
	v13 =	vsub.f32 v31, v13;
	v11 =	vsub.f32 v18, v11  }
0x288: {  	v7 =	vld.idx.msk [tilespmem:v7+s22+$0x0], $0xffff;
	v49 =	vsub.f32 v45, v43;
	v30 =	vadd.f32 v63, v47  }
0x289: {  	v55 =	vmul.f32 v19, v22;
	v29 =	vadd.f32 v48, v29;
	v8 =	vsub.f32 v8, v10  }
0x28a: {  	v24 =	vadd.f32 v38, v24;
	v13 =	vsub.f32 v15, v13;
	v51 =	vld.idx.msk [tilespmem:v46+s22+$0x0], $0xffff  }
0x28b: {  	v11 =	vadd.f32 v11, v55;
	v33 =	vadd.f32 v49, v33;
	v52 =	vld.idx.msk [tilespmem:v46+s23+$0x0], $0xffff  }
0x28c: {  	v57 =	vmul.f32 v28, v26;
	v27 =	vadd.f32 v30, v27;
	v54 =	vadd.f32 v29, v32  }
0x28d: {  	v9 =	vsub.f32 v9, v12;
	v7 =	vsub.f32 v7, v50  }
0x28e: {  	v24 =	vsub.f32 v24, v35;
	v11 =	vsub.f32 v11, v57  }
0x28f: {  	v62 =	vmul.f32 v61, v61;
	v53 =	vsub.f32 v33, v36;
	v20 =	vadd.f32 v27, v20  }
0x290: {  	v8 =	vmul.f32 v8, v8;
	v24 =	vsub.f32 v25, v24;
	v56 =	vsub.f32 v51, v52  }
0x291: {  	v59 =	vmul.f32 v13, v13;
	v11 =	vsub.f32 v14, v11;
	v7 =	vsub.f32 v7, v53  }
0x292: {  	v9 =	vsub.f32 v9, v20;
	v60 =	vmul.f32 v24, v24;
	v58 =	vsub.f32 v56, v54  }
0x293: {  	v11 =	vmul.f32 v11, v11;
	v7 =	vmul.f32 v7, v7  }
0x294: {  	v9 =	vmul.f32 v9, v9;
	v12 =	vmul.f32 v58, v58  }
0x295: {  	v8 =	vadd.f32 v59, v8;
	v11 =	vadd.f32 v11, v62  }
0x296: {  	s31 =	sadd.s32 $0x1, s31;
	v7 =	vadd.f32 v7, v9;
	v63 =	vadd.f32 v60, v12  }
0x297: {  	p0 =	sne.s32 s31, $0x8  }
.Ltmp7:
0x298: {  	v7 =	vadd.f32 v7, v11;
	v8 =	vadd.f32 v8, v63;
	(pc) =	sbr.rel @p0 .LBB2_6-.Ltmp7, $3  }
0x299: {  	_ = 	snop  }
0x29a: {  	v7 =	vadd.f32 v7, v8;
	_ =	sdelay $0x1  }
0x29b: {  	v6 =	vadd.f32 v7, v6  }
0x29c: {  	s30 =	sadd.s32 $0x1, s30  }
0x29d: {  	p0 =	sne.s32 s30, s11  }
.Ltmp8:
0x29e: {  	s0 =	simm.s32 $0x1A100;
	[tilespmem:$0x1A100] =	vst v6;
	(pc) =	sbr.rel @p0 .LBB2_1-.Ltmp8, $4  }
0x29f: {  	[hbm4b:s10+s1] =	stream.linear.scatter [tilespmem:s0], [sflag:$0x4], $0x10, $0x38;
	[tilespmem:$0x1A180] =	vst v63  }
0x2a0: {  	_ =	swait.ge [sflag:s13], $0x10  }
0x2a1: {  	[sflag:s13] =	ssyncset.done $0x0  }
0x2a2: {  	[sflag:s13] =	ssyncadd.s32 $0xFFFFFFF0  }
0x2a3: {  	_ =	sfence.sel $0x180000  }
0x2a4: {  	[bflag:$0x0] =	sbarrier.arrive $0xFFFF  }
0x2a5: {  	_ =	strace $0x9000004D  }
0x2a6: {  	s0 =	stileid.u32;
	[bflag:$0x2] =	sbarrier.arrive $0xFFFF  }
0x2a7: {  	p0 =	sne.s32 s0, $0x0;
	s0 =	rddreg [dreg:$0x1]  }
0x2a8: {  	s0 =	sadd.s32 @!p0 $0x100000, s0  }
0x2a9: {  	[sflag:s0] =	ssyncadd.tile.s32 @!p0 $0x1;
	_ =	shalt  }
.Lfunc_end2:
_tile_overlayer_lowered:
.L_overlay_start_2:
0x2aa: {  	(tag) =	ssettag $0x2  }
0x2ab: {  	s0 =	rddreg [dreg:$0x0];
	s2 =	stileid.u32  }
0x2ac: {  	s1 =	rddreg [dreg:$0x1];
	p0 =	sne.s32 s2, $0x0  }
0x2ad: {  	s3 =	rddreg [dreg:$0x2];
	[bflag:$0x3] =	sbarrier.arrive $0xFFFF;
	s2 =	simm.s32 @!p0 $0x1C04  }
0x2ae: {  	[timem:s3], [sflag:s2] =	dma.local @!p0 [hbm:s0], s1  }
0x2af: {  	s0 =	simm.s32 @!p0 $0x4  }
0x2b0: {  	_ =	swait.ge @!p0 [sflag:s0], s1  }
0x2b1: {  	s1 =	ssub.s32 @!p0 $0x0, s1;
	[sflag:s0] =	ssyncset.done @!p0 $0x0  }
0x2b2: {  	[sflag:s0] =	ssyncadd.s32 @!p0 s1  }
0x2b3: {  	[bflag:$0x3] =	sbarrier.arrive $0xFFFF  }
0x2b4: {  	_ =	shalt  }

// kernel: sparse-core-data-format-call.1.cloned.1.call-start
scs
called_computation.1_lowered:
.L_overlay_start_0:
0x0: {  	s1 =	sld [smem:$0x3FD9]  }
0x1: {  	s2 =	sld [smem:$0x3FFE];
	_ =	sdelay $0x1  }
0x2: {  	s3 =	srdreg.scid  }
0x3: {  	s0 =	sand.u32 $0x1, s3  }
0x4: {  	s17 =	sshll.u32 s0, $0xA;
	s1 =	sadd.s32 s2, s1  }
0x5: {  	s1 =	sadd.s32 s1, s17  }
0x6: {  	[smem:$0x3FC0] =	sst s1  }
0x7: {  	_ = 	snop  }
0x8: {  	(tm) =	ssettm $0x1  }
0x9: {  	s18 =	sld [smem:$0x3FFB];
	_ =	sdelay $0x3  }
0xa: {  	_ =	strace s18  }
0xb: {  	s1 =	sld [smem:$0x3FFC];
	_ =	sdelay $0x3  }
0xc: {  	_ =	strace s1  }
0xd: {  	s1 =	sld [smem:$0x3FFD];
	_ =	sdelay $0x3  }
0xe: {  	_ =	strace s1  }
0xf: {  	_ =	strace $0x8FFFFFFF  }
0x10: {  	s19 =	sld [smem:$0x3FDB];
	_ =	sdelay $0x1  }
0x11: {  	s20 =	simm.s32 $_scs_section_size  }
0x12: {  	s4 =	simm.s32 $_size__tile_overlayer_lowered;
	s5 =	simm.s32 $_tile_overlayer_lowered  }
0x13: {  	s23 =	simm.s32 $0x1BFF;
	s22 =	sshll.u32 s5, $0x1;
	s1 =	sadd.s32 s20, s19  }
0x14: {  	s6 =	simm.s32 $0x0;
	s21 =	sshll.u32 s4, $0x1;
	s4 =	sadd.s32 s22, s1  }
0x15: {  	[timem:s6], [sflag:s23] =	dma.local [hbm:s4], s21  }
0x16: {  	_ =	swait.ge [sflag:s23], s21  }
0x17: {  	s2 =	ssub.s32 $0x0, s21;
	[sflag:s23] =	ssyncset.done $0x0  }
0x18: {  	[sflag:s23] =	ssyncadd.s32 s2;
	_ =	sdelay $0x1  }
0x19: {  	s24 =	simm.s32 $0x1B8B  }
0x1a: {  	_ =	swait.ge [sflag:s24], $0x1  }
0x1b: {  	[sflag:s24] =	ssyncset.done $0x0  }
0x1c: {  	s26 =	simm.s32 $0x1B8E;
	s25 =	sld [smem:$0x3FFE];
	[sflag:s24] =	ssyncadd.s32 $0xFFFFFFFF  }
0x1d: {  	s27 =	simm.s32 $execute0_lowered;
	[smem:$0x3FD2] =	sst s26  }
0x1e: {  	s4 =	sshll.u32 s27, $0x1;
	_ =	strace $0x80000046;
	[dreg:$0x1] =	wrdreg $0xFFFFFFFF  }
0x1f: {  	s28 =	simm.s32 $_size_execute0_lowered;
	s1 =	sadd.s32 s1, s4;
	[dreg:$0x0] =	wrdreg $0x0  }
0x20: {  	s4 =	sshll.u32 s28, $0x1;
	[dreg:$0x2] =	wrdreg s1  }
0x21: {  	[dreg:$0x3] =	wrdreg s4  }
0x22: {  	[dreg:$0x4] =	wrdreg $0xC0  }
0x23: {  	_ =	task [dreg:s6], $0x5FFFF  }
0x24: {  	[dreg:$0x1] =	wrdreg $0xFFFFFFFF  }
0x25: {  	[dreg:$0x0] =	wrdreg $0x60  }
0x26: {  	[dreg:$0x2] =	wrdreg s25  }
0x27: {  	[dreg:$0x3] =	wrdreg $0xA  }
0x28: {  	_ =	task.clear_ibuf [dreg:s6], $0x4FFFF;
	_ =	strace $0x90000046  }
0x29: {  	s29 =	simm.s32 $0xA;
	_ =	strace $0x80000048  }
0x2a: {  	_ =	swait.ge [sflag:s29], $0x1  }
0x2b: {  	[sflag:s29] =	ssyncadd.s32 $0xFFFFFFFF  }
0x2c: {  	_ =	strace $0x90000048  }
0x2d: {  	_ =	sfence  }
0x2e: {  	s30 =	sld [smem:$0x0];
	_ =	sdelay $0x2  }
0x2f: {  	s31 =	sshll.u32 s3, $0xD;
	s3 =	sshrl.u32 s3, $0x2  }
0x30: {  	s2 =	sand.u32 $0x4000, s31;
	s1 =	sadd.s32 s3, s30  }
0x31: {  	s0 =	sor.u32 s2, s0;
	s1 =	sshll.u32 s1, $0x11  }
0x32: {  	s0 =	sor.u32 s1, s0  }
0x33: {  	s0 =	sadd.s32 $0x8F2B, s0  }
0x34: {  	[sflag:s0] =	ssyncadd.remote.s32 $0x1  }
0x35: {  	_ =	sfence.sel $0xFFFF  }
0x36: {  	[dreg:$0x0] =	wrdreg $0xFFFFFFFF;
	(pc) =	sbr.abs _section_cstart, $3  }
0x37: {  	[dreg:$0x1] =	wrdreg $0xFFFFFFFF  }
0x38: {  	_ =	task.clear_ibuf [dreg:s6], $0x2FFFF;
	_ =	strace $0x9FFFFFFF  }
0x39: {  	(tm) =	ssettm $0x7FFFFFFF  }
tec
execute0_lowered:
.L_overlay_start_1:
0x0: {  	(tag) =	ssettag $0x1  }
0x1: {  	s0 =	srdreg.scid  }
0x2: {  	s5 =	rddreg [dreg:$0x0];
	s7 =	simm.s32 $0x1;
	s8 =	simm.s32 $0x2  }
0x3: {  	s13 =	simm.s32 $0x0;
	s15 =	simm.s32 $0x0;
	s1 =	sshll.u32 s0, $0x4  }
0x4: {  	s14 =	simm.s32 $0x0;
	s0 =	stileid.u32;
	s1 =	sand.u32 $0x10, s1  }
0x5: {  	s9 =	simm.s32 $0x0;
	s10 =	simm.s32 $0x0;
	s1 =	sor.u32 s0, s1  }
0x6: {  	s12 =	simm.s32 $0x0;
	s3 =	sadd.s32 $0x1A00, s5;
	s2 =	sshll.u32 s1, $0x7  }
0x7: {  	s5 =	sadd.s32 $0x401A00, s5;
	s1 =	rddreg [dreg:$0x1];
	s6 =	ssub.s32 $0x8000, s2  }
.Ltmp0:
0x8: {  	_ =	strace $0x80000047;
	s4 =	sand.u32 $0xF80, s6;
	(pc) =	sbr.rel .LBB1_1-.Ltmp0, $4  }
0x9: {  	s11 =	smov.u32 s2;
	p0 =	sne.s32 s4, $0x0;
	s4 =	simm.s32 $0x1  }
0xa: {  	s6 =	sshrl.u32 s6, $0xC;
	s7 =	simm.s32 @!p0 $0x0;
	[sflag:s4] =	ssyncpa.u1 $0x0  }
0xb: {  	p0 =	por $0x0, $0x0;
	s7 =	sadd.s32 s7, s6;
	[sflag:s8] =	ssyncpa.u1 $0x0  }
0xc: {  	s8 =	simm.s32 $0x40000;
	s6 =	sshll.u32 s7, $0x1;
	s7 =	sshllo.u32 s7, $0x1  }
.LBB1_4:
0xd: {  	v5 =	vld [tilespmem:s19+$0xFFFFFFD0];
	[tilespmem:s18+$0x204 ss:$0x408] =	vst.msk $0xffff, v1  }
0xe: {  	v58 =	vld [tilespmem:s19+$0xFFFFFFE0];
	[tilespmem:s18+$0x285 ss:$0x408] =	vst.msk $0xffff, v2  }
0xf: {  	s20 =	sshra.s32 s20, $0x2;
	v59 =	vld [tilespmem:s19+$0xFFFFFFF0];
	[tilespmem:s18+$0x306 ss:$0x408] =	vst.msk $0xffff, v3  }
0x10: {  	v60 =	vld [tilespmem:s19+$0x0];
	[tilespmem:s18+$0x0 ss:$0x408] =	vst.msk $0xffff, v0;
	s17 =	sadd.s32 s20, s17  }
0x11: {  	v61 =	vld [tilespmem:s19+$0x10];
	[tilespmem:s17+$0x387 ss:$0x408] =	vst.msk $0xffff, v4  }
0x12: {  	v62 =	vld [tilespmem:s19+$0x20];
	[tilespmem:s17+$0x81 ss:$0x408] =	vst.msk $0xffff, v5  }
0x13: {  	s28 =	sshll.u32 s14, $0x3;
	v63 =	vld [tilespmem:s19+$0xFFFFFFC0];
	s29 =	sand.u32 $0x78, s14;
	[tilespmem:s17+$0x102 ss:$0x408] =	vst.msk $0xffff, v58  }
0x14: {  	s15 =	sshll.u32 s15, $0x7;
	s30 =	sand.u32 $0x7000, s14;
	s18 =	sand.u32 $0x7C00, s28;
	[tilespmem:s17+$0x183 ss:$0x408] =	vst.msk $0xffff, v59  }
0x15: {  	s13 =	sshll.u32 s13, $0xF;
	s15 =	sand.u32 $0x380, s15;
	s18 =	sor.u32 s29, s18;
	[tilespmem:s17+$0x204 ss:$0x408] =	vst.msk $0xffff, v60  }
0x16: {  	s31 =	sand.u32 $0x7, s14;
	s15 =	sor.u32 s15, s18;
	s18 =	sadd.s32 s5, s30;
	[tilespmem:s17+$0x285 ss:$0x408] =	vst.msk $0xffff, v61  }
0x17: {  	s14 =	sshll.u32 s31, $0x12;
	s15 =	sshrl.u32 s15, $0x3;
	s13 =	sadd.s32 s13, s18;
	[tilespmem:s17+$0x306 ss:$0x408] =	vst.msk $0xffff, v62  }
0x18: {  	s14 =	sor.u32 $0x400, s14;
	[tilespmem:s17+$0x0 ss:$0x408] =	vst.msk $0xffff, v63;
	s13 =	sadd.s32 s15, s13  }
0x19: {  	[hbm4b:s13+s14] =	stream.strided.scatter [tilespmem:s16], [sflag:$0x2], $0x4000, s8, s14, $0x20;
	[tilespmem:$0x10100] =	vst v63  }
.LBB1_5:
0x1a: {  	s16 =	sadd.s32 $0x10, s9  }
0x1b: {  	s13 =	sadd.s32 $0x8, s10;
	s17 =	smov.u32 s10;
	p2 =	sgt.s32 s16, $0x1F  }
0x1c: {  	s17 =	smov.u32 @p2 s13  }
0x1d: {  	s19 =	smov.u32 s11;
	s13 =	sadd.s32 $0x1000, s11;
	p3 =	sgt.s32 s17, $0x7  }
0x1e: {  	s19 =	smov.u32 @p3 s13  }
0x1f: {  	s16 =	simm.s32 @p2 $0x0;
	p2 =	sgt.s32 s19, $0x7FFF  }
0x20: {  	p1 =	slt.u32 s12, $0x2;
	s19 =	smov.u32 @p2 s2;
	p2 =	sne.s32 s12, s7  }
.Ltmp1:
0x21: {  	s18 =	simm.s32 @!p1 $0x2;
	(pc) =	sbr.rel @!p2 .LBB1_6-.Ltmp1, $4  }
0x22: {  	s15 =	smov.u32 s10;
	s14 =	smov.u32 s11;
	_ =	swait.ge @!p1 [sflag:s18], $0x4000  }
0x23: {  	p0 =	por !p0, !p0;
	[sflag:s18] =	ssyncset.done @!p1 $0x0;
	s17 =	simm.s32 @p3 $0x0  }
0x24: {  	s13 =	smov.u32 s9;
	[sflag:s18] =	ssyncadd.s32 @!p1 $0xFFFFC000;
	s9 =	smov.u32 s16  }
0x25: {  	s10 =	smov.u32 s17;
	s12 =	sadd.s32 $0x1, s12;
	s11 =	smov.u32 s19  }
.LBB1_1:
0x26: {  	p1 =	sge.u32 s12, s6;
	s31 =	sadd.s32 $0xFFFFFFFF, s12  }
0x27: {  	s16 =	sxor.u32 @!p1 $0xFFFFFFFF, s12;
	s17 =	sshll.u32 @!p1 s11, $0x7;
	s18 =	sshll.u32 @!p1 s10, $0x4  }
0x28: {  	s19 =	sshrl.u32 @!p1 s9, $0x3;
	s18 =	sand.u32 @!p1 $0x70, s18;
	s17 =	sadd.s32 @!p1 s3, s17  }
0x29: {  	s16 =	sshll.u32 @!p1 s16, $0xE;
	s17 =	sadd.s32 @!p1 s18, s17;
	s18 =	sand.u32 @!p1 $0x7, s9  }
0x2a: {  	s19 =	sand.u32 @!p1 $0xF, s19;
	s16 =	sand.u32 @!p1 $0x4000, s16;
	s18 =	sshll.u32 @!p1 s18, $0x12  }
0x2b: {  	s17 =	sadd.s32 @!p1 s19, s17;
	s19 =	simm.s32 @!p1 $0x80;
	s18 =	sor.u32 @!p1 $0x10, s18  }
0x2c: {  	[tilespmem:s16], [sflag:$0x1] =	stream.strided.gather @!p1 [hbm4b:s17+s18], $0x4000, s19, s18, $0x38;
	[tilespmem:$0x10100] =	vst v63  }
0x2d: {  	p1 =	sge.u32 s31, s6  }
.Ltmp2:
0x2e: {  	_ = 	snop;
	(pc) =	sbr.rel @p1 .LBB1_5-.Ltmp2, $1  }
0x2f: {  	_ =	sdelay $0x3  }
0x30: {  	s16 =	simm.s32 $0x1  }
0x31: {  	_ =	swait.ge [sflag:s4], $0x4000;
	s16 =	simm.s32 @!p0 $0x0  }
0x32: {  	[sflag:s4] =	ssyncset.done $0x0;
	s17 =	sshll.u32 s16, $0xE  }
0x33: {  	[sflag:s4] =	ssyncadd.s32 $0xFFFFC000;
	s19 =	sor.u32 $0x40, s17  }
0x34: {  	s16 =	smul.u32 $0x10200, s16;
	v0 =	vld [tilespmem:s19+$0x30]  }
0x35: {  	v3 =	vld [tilespmem:s19+$0xFFFFFFD0]  }
0x36: {  	s16 =	sshrl.u32 s16, $0x2;
	v4 =	vld [tilespmem:s19+$0xFFFFFFE0]  }
0x37: {  	v5 =	vld [tilespmem:s19+$0xFFFFFFF0];
	s17 =	sor.u32 $0x8000, s16  }
0x38: {  	s31 =	sand.u32 $0x1, s12;
	v1 =	vld [tilespmem:s19+$0x0];
	s18 =	sadd.s32 $0x0, s17  }
0x39: {  	v2 =	vld [tilespmem:s19+$0x10];
	s16 =	smul.u32 $0x10200, s31;
	[tilespmem:s18+$0x387 ss:$0x408] =	vst.msk $0xffff, v0  }
0x3a: {  	[tilespmem:s18+$0x81 ss:$0x408] =	vst.msk $0xffff, v3;
	v3 =	vld [tilespmem:s19+$0x20]  }
0x3b: {  	s16 =	sshrl.u32 s16, $0x2;
	v0 =	vld [tilespmem:s19+$0xFFFFFFC0];
	[tilespmem:s18+$0x102 ss:$0x408] =	vst.msk $0xffff, v4;
	s19 =	sadd.s32 $0x80, s19  }
0x3c: {  	s20 =	simm.s32 $0x4;
	s21 =	simm.s32 $0x8;
	s16 =	sor.u32 $0x8000, s16;
	[tilespmem:s18+$0x183 ss:$0x408] =	vst.msk $0xffff, v5;
	v4 =	vld [tilespmem:s19+$0x30]  }
.LBB1_3:
0x3d: {  	p1 =	sne.s32 s21, $0x1FC;
	v5 =	vld [tilespmem:s19+$0xFFFFFFD0];
	[tilespmem:s18+$0x204 ss:$0x408] =	vst.msk $0xffff, v1  }
0x3e: {  	v6 =	vld [tilespmem:s19+$0xFFFFFFE0];
	[tilespmem:s18+$0x285 ss:$0x408] =	vst.msk $0xffff, v2  }
0x3f: {  	s22 =	sshra.s32 s20, $0x2;
	s20 =	smov.u32 s21;
	v7 =	vld [tilespmem:s19+$0xFFFFFFF0];
	[tilespmem:s18+$0x306 ss:$0x408] =	vst.msk $0xffff, v3  }
.Ltmp3:
0x40: {  	v1 =	vld [tilespmem:s19+$0x0];
	[tilespmem:s18+$0x0 ss:$0x408] =	vst.msk $0xffff, v0;
	s18 =	sadd.s32 s22, s17;
	(pc) =	sbr.rel @p1 .LBB1_3-.Ltmp3, $4  }
0x41: {  	v2 =	vld [tilespmem:s19+$0x10];
	[tilespmem:s18+$0x387 ss:$0x408] =	vst.msk $0xffff, v4  }
0x42: {  	[tilespmem:s18+$0x81 ss:$0x408] =	vst.msk $0xffff, v5;
	v3 =	vld [tilespmem:s19+$0x20]  }
0x43: {  	v0 =	vld [tilespmem:s19+$0xFFFFFFC0];
	[tilespmem:s18+$0x102 ss:$0x408] =	vst.msk $0xffff, v6;
	s19 =	sadd.s32 $0x80, s19  }
0x44: {  	s21 =	sadd.s32 $0x4, s21;
	v4 =	vld [tilespmem:s19+$0x30];
	[tilespmem:s18+$0x183 ss:$0x408] =	vst.msk $0xffff, v7  }
.Ltmp4:
0x45: {  	_ = 	snop;
	(pc) =	sbr.rel .LBB1_4-.Ltmp4, $1  }
0x46: {  	_ =	sdelay $0x3  }
.LBB1_6:
0x47: {  	_ =	sfence.sel $0x180000  }
0x48: {  	s2 =	simm.s32 $0x1;
	[bflag:$0x0] =	sbarrier.arrive $0xFFFF  }
0x49: {  	s31 =	simm.s32 $0x2;
	[sflag:s2] =	ssyncpa.u1 $0x1  }
0x4a: {  	[sflag:s31] =	ssyncpa.u1 $0x1  }
0x4b: {  	p0 =	sne.s32 s0, $0x0;
	_ =	strace $0x90000047  }
0x4c: {  	s0 =	sadd.s32 @!p0 $0x100000, s1;
	[bflag:$0x2] =	sbarrier.arrive $0xFFFF  }
0x4d: {  	[sflag:s0] =	ssyncadd.tile.s32 @!p0 $0x1;
	_ =	shalt  }
.Lfunc_end1:
_tile_overlayer_lowered:
.L_overlay_start_2:
0x4e: {  	(tag) =	ssettag $0x2  }
0x4f: {  	s0 =	rddreg [dreg:$0x0];
	s2 =	stileid.u32  }
0x50: {  	s1 =	rddreg [dreg:$0x1];
	p0 =	sne.s32 s2, $0x0  }
0x51: {  	s3 =	rddreg [dreg:$0x2];
	[bflag:$0x3] =	sbarrier.arrive $0xFFFF;
	s2 =	simm.s32 @!p0 $0x1C01  }
0x52: {  	[timem:s3], [sflag:s2] =	dma.local @!p0 [hbm:s0], s1  }
0x53: {  	s0 =	simm.s32 @!p0 $0x1  }
0x54: {  	_ =	swait.ge @!p0 [sflag:s0], s1  }
0x55: {  	s1 =	ssub.s32 @!p0 $0x0, s1;
	[sflag:s0] =	ssyncset.done @!p0 $0x0  }
0x56: {  	[sflag:s0] =	ssyncadd.s32 @!p0 s1  }
0x57: {  	[bflag:$0x3] =	sbarrier.arrive $0xFFFF  }
0x58: {  	_ =	shalt  }

// kernel: sparse-core-data-format-call.cloned.1.call-start
scs
called_computation_lowered:
.L_overlay_start_0:
0x0: {  	s2 =	sld [smem:$0x3FD9]  }
0x1: {  	s3 =	sld [smem:$0x3FFE];
	_ =	sdelay $0x1  }
0x2: {  	s1 =	srdreg.scid  }
0x3: {  	s0 =	sand.u32 $0x1, s1  }
0x4: {  	s18 =	sshll.u32 s0, $0xA;
	s2 =	sadd.s32 s3, s2  }
0x5: {  	s2 =	sadd.s32 s2, s18  }
0x6: {  	[smem:$0x3FC0] =	sst s2  }
0x7: {  	_ = 	snop  }
0x8: {  	(tm) =	ssettm $0x1  }
0x9: {  	s19 =	sld [smem:$0x3FFB];
	_ =	sdelay $0x3  }
0xa: {  	_ =	strace s19  }
0xb: {  	s2 =	sld [smem:$0x3FFC];
	_ =	sdelay $0x3  }
0xc: {  	_ =	strace s2  }
0xd: {  	s2 =	sld [smem:$0x3FFD];
	_ =	sdelay $0x3  }
0xe: {  	_ =	strace s2  }
0xf: {  	_ =	strace $0x8FFFFFFF  }
0x10: {  	s20 =	sld [smem:$0x3FDB];
	_ =	sdelay $0x1  }
0x11: {  	s21 =	simm.s32 $_scs_section_size  }
0x12: {  	s4 =	simm.s32 $_size__tile_overlayer_lowered;
	s5 =	simm.s32 $_tile_overlayer_lowered  }
0x13: {  	s6 =	simm.s32 $0x1BFF;
	s22 =	sshll.u32 s5, $0x1;
	s3 =	sadd.s32 s21, s20  }
0x14: {  	s23 =	simm.s32 $0x0;
	s4 =	sshll.u32 s4, $0x1;
	s5 =	sadd.s32 s22, s3  }
0x15: {  	[timem:s23], [sflag:s6] =	dma.local [hbm:s5], s4  }
0x16: {  	_ =	swait.ge [sflag:s6], s4  }
0x17: {  	s4 =	ssub.s32 $0x0, s4;
	[sflag:s6] =	ssyncset.done $0x0  }
0x18: {  	[sflag:s6] =	ssyncadd.s32 s4;
	_ =	sdelay $0x1  }
0x19: {  	s24 =	simm.s32 $0x1B8B  }
0x1a: {  	_ =	swait.ge [sflag:s24], $0x1  }
0x1b: {  	[sflag:s24] =	ssyncset.done $0x0  }
0x1c: {  	[sflag:s24] =	ssyncadd.s32 $0xFFFFFFFF  }
0x1d: {  	s4 =	sld [smem:$0x0]  }
0x1e: {  	s5 =	sand.u32 $0xFFFFFFFE, s1  }
0x1f: {  	p0 =	sne.s32 s1, s5  }
0x20: {  	s5 =	sshll.u32 @p0 s5, $0xE  }
0x21: {  	s5 =	sadd.s32 @p0 $0x11B8D, s5;
	s6 =	sshll.u32 @p0 s4, $0x11  }
0x22: {  	s5 =	sor.u32 @p0 s6, s5  }
0x23: {  	[sflag:s5] =	ssyncadd.remote.s32 @p0 $0x1;
	_ =	sdelay $0x1  }
0x24: {  	s5 =	simm.s32 @p0 $0x1B8D  }
0x25: {  	_ =	swait.eq @p0 [sflag:s5], $0x1  }
0x26: {  	[sflag:s5] =	ssyncadd.s32 @p0 $0xFFFFFFFF  }
0x27: {  	s6 =	sshll.u32 @!p0 s1, $0xE  }
0x28: {  	s6 =	sor.u32 @!p0 $0x4000, s6;
	s5 =	simm.s32 @!p0 $0x1B8D  }
0x29: {  	s4 =	sshll.u32 @!p0 s4, $0x11;
	s6 =	sadd.s32 @!p0 $0x11B8D, s6;
	_ =	swait.eq @!p0 [sflag:s5], $0x1  }
0x2a: {  	s4 =	sor.u32 @!p0 s4, s6;
	[sflag:s5] =	ssyncadd.s32 @!p0 $0xFFFFFFFF  }
0x2b: {  	s26 =	simm.s32 $0x1B8E;
	s25 =	sld [smem:$0x3FFE];
	[sflag:s4] =	ssyncadd.remote.s32 @!p0 $0x1  }
0x2c: {  	s27 =	simm.s32 $execute0_lowered;
	[smem:$0x3FD2] =	sst s26  }
0x2d: {  	s5 =	sshll.u32 s27, $0x1;
	_ =	strace $0x80000049;
	[dreg:$0x1] =	wrdreg $0xFFFFFFFF  }
0x2e: {  	s28 =	simm.s32 $_size_execute0_lowered;
	s3 =	sadd.s32 s3, s5;
	[dreg:$0x0] =	wrdreg $0x0  }
0x2f: {  	s5 =	sshll.u32 s28, $0x1;
	[dreg:$0x2] =	wrdreg s3  }
0x30: {  	[dreg:$0x3] =	wrdreg s5  }
0x31: {  	[dreg:$0x4] =	wrdreg $0xC0  }
0x32: {  	_ =	task [dreg:s23], $0x5FFFF  }
0x33: {  	[dreg:$0x1] =	wrdreg $0xFFFFFFFF  }
0x34: {  	[dreg:$0x0] =	wrdreg $0x60  }
0x35: {  	[dreg:$0x2] =	wrdreg s25  }
0x36: {  	[dreg:$0x3] =	wrdreg $0x9  }
0x37: {  	_ =	task.clear_ibuf [dreg:s23], $0x4FFFF;
	_ =	strace $0x90000049  }
0x38: {  	s29 =	simm.s32 $0x9;
	_ =	strace $0x8000004B  }
0x39: {  	_ =	swait.ge [sflag:s29], $0x1  }
0x3a: {  	[sflag:s29] =	ssyncadd.s32 $0xFFFFFFFF  }
0x3b: {  	_ =	strace $0x9000004B  }
0x3c: {  	_ =	sfence  }
0x3d: {  	s30 =	sld [smem:$0x0];
	_ =	sdelay $0x2  }
0x3e: {  	s31 =	sshll.u32 s1, $0xD;
	s1 =	sshrl.u32 s1, $0x2  }
0x3f: {  	s4 =	sand.u32 $0x4000, s31;
	s1 =	sadd.s32 s1, s30  }
0x40: {  	s0 =	sor.u32 s4, s0;
	s1 =	sshll.u32 s1, $0x11  }
0x41: {  	s0 =	sor.u32 s1, s0  }
0x42: {  	s0 =	sadd.s32 $0x8F2B, s0  }
0x43: {  	[sflag:s0] =	ssyncadd.remote.s32 $0x1  }
0x44: {  	_ =	sfence.sel $0xFFFF  }
0x45: {  	[dreg:$0x0] =	wrdreg $0xFFFFFFFF;
	(pc) =	sbr.abs _section_cstart, $3  }
0x46: {  	[dreg:$0x1] =	wrdreg $0xFFFFFFFF  }
0x47: {  	_ =	task.clear_ibuf [dreg:s23], $0x2FFFF;
	_ =	strace $0x9FFFFFFF  }
0x48: {  	(tm) =	ssettm $0x7FFFFFFF  }
0x49: {  	_ =	shalt  }
tec
execute0_lowered:
.L_overlay_start_1:
0x0: {  	(tag) =	ssettag $0x1  }
0x1: {  	s0 =	srdreg.scid  }
0x2: {  	s5 =	rddreg [dreg:$0x0];
	s7 =	simm.s32 $0x1;
	s8 =	simm.s32 $0x2  }
0x3: {  	s13 =	simm.s32 $0x0;
	s15 =	simm.s32 $0x0;
	s1 =	sshll.u32 s0, $0x4  }
0x4: {  	s14 =	simm.s32 $0x0;
	s0 =	stileid.u32;
	s1 =	sand.u32 $0x10, s1  }
0x5: {  	s9 =	simm.s32 $0x0;
	s10 =	simm.s32 $0x0;
	s1 =	sor.u32 s0, s1  }
0x6: {  	s12 =	simm.s32 $0x0;
	s3 =	sadd.s32 $0x501A00, s5;
	s2 =	sshll.u32 s1, $0x7  }
0x7: {  	s5 =	sadd.s32 $0x901A00, s5;
	s1 =	rddreg [dreg:$0x1];
	s6 =	ssub.s32 $0x8000, s2  }
.Ltmp0:
0x8: {  	_ =	strace $0x8000004A;
	s4 =	sand.u32 $0xF80, s6;
	(pc) =	sbr.rel .LBB1_1-.Ltmp0, $4  }
0x9: {  	s11 =	smov.u32 s2;
	p0 =	sne.s32 s4, $0x0;
	s4 =	simm.s32 $0x1  }
0xa: {  	s6 =	sshrl.u32 s6, $0xC;
	s7 =	simm.s32 @!p0 $0x0;
	[sflag:s4] =	ssyncpa.u1 $0x0  }
0xb: {  	p0 =	por $0x0, $0x0;
	s7 =	sadd.s32 s7, s6;
	[sflag:s8] =	ssyncpa.u1 $0x0  }
0xc: {  	s8 =	simm.s32 $0x40000;
	s6 =	sshll.u32 s7, $0x1;
	s7 =	sshllo.u32 s7, $0x1  }
.LBB1_4:
0xd: {  	v5 =	vld [tilespmem:s19+$0xFFFFFFD0];
	[tilespmem:s18+$0x204 ss:$0x408] =	vst.msk $0xffff, v1  }
0xe: {  	v58 =	vld [tilespmem:s19+$0xFFFFFFE0];
	[tilespmem:s18+$0x285 ss:$0x408] =	vst.msk $0xffff, v2  }
0xf: {  	s20 =	sshra.s32 s20, $0x2;
	v59 =	vld [tilespmem:s19+$0xFFFFFFF0];
	[tilespmem:s18+$0x306 ss:$0x408] =	vst.msk $0xffff, v3  }
0x10: {  	v60 =	vld [tilespmem:s19+$0x0];
	[tilespmem:s18+$0x0 ss:$0x408] =	vst.msk $0xffff, v0;
	s17 =	sadd.s32 s20, s17  }
0x11: {  	v61 =	vld [tilespmem:s19+$0x10];
	[tilespmem:s17+$0x387 ss:$0x408] =	vst.msk $0xffff, v4  }
0x12: {  	v62 =	vld [tilespmem:s19+$0x20];
	[tilespmem:s17+$0x81 ss:$0x408] =	vst.msk $0xffff, v5  }
0x13: {  	s28 =	sshll.u32 s14, $0x3;
	v63 =	vld [tilespmem:s19+$0xFFFFFFC0];
	s29 =	sand.u32 $0x78, s14;
	[tilespmem:s17+$0x102 ss:$0x408] =	vst.msk $0xffff, v58  }
0x14: {  	s15 =	sshll.u32 s15, $0x7;
	s30 =	sand.u32 $0x7000, s14;
	s18 =	sand.u32 $0x7C00, s28;
	[tilespmem:s17+$0x183 ss:$0x408] =	vst.msk $0xffff, v59  }
0x15: {  	s13 =	sshll.u32 s13, $0xF;
	s15 =	sand.u32 $0x380, s15;
	s18 =	sor.u32 s29, s18;
	[tilespmem:s17+$0x204 ss:$0x408] =	vst.msk $0xffff, v60  }
0x16: {  	s31 =	sand.u32 $0x7, s14;
	s15 =	sor.u32 s15, s18;
	s18 =	sadd.s32 s5, s30;
	[tilespmem:s17+$0x285 ss:$0x408] =	vst.msk $0xffff, v61  }
0x17: {  	s14 =	sshll.u32 s31, $0x12;
	s15 =	sshrl.u32 s15, $0x3;
	s13 =	sadd.s32 s13, s18;
	[tilespmem:s17+$0x306 ss:$0x408] =	vst.msk $0xffff, v62  }
0x18: {  	s14 =	sor.u32 $0x400, s14;
	[tilespmem:s17+$0x0 ss:$0x408] =	vst.msk $0xffff, v63;
	s13 =	sadd.s32 s15, s13  }
0x19: {  	[hbm4b:s13+s14] =	stream.strided.scatter [tilespmem:s16], [sflag:$0x2], $0x4000, s8, s14, $0x20;
	[tilespmem:$0x10100] =	vst v63  }
.LBB1_5:
0x1a: {  	s16 =	sadd.s32 $0x10, s9  }
0x1b: {  	s13 =	sadd.s32 $0x8, s10;
	s17 =	smov.u32 s10;
	p2 =	sgt.s32 s16, $0x1F  }
0x1c: {  	s17 =	smov.u32 @p2 s13  }
0x1d: {  	s19 =	smov.u32 s11;
	s13 =	sadd.s32 $0x1000, s11;
	p3 =	sgt.s32 s17, $0x7  }
0x1e: {  	s19 =	smov.u32 @p3 s13  }
0x1f: {  	s16 =	simm.s32 @p2 $0x0;
	p2 =	sgt.s32 s19, $0x7FFF  }
0x20: {  	p1 =	slt.u32 s12, $0x2;
	s19 =	smov.u32 @p2 s2;
	p2 =	sne.s32 s12, s7  }
.Ltmp1:
0x21: {  	s18 =	simm.s32 @!p1 $0x2;
	(pc) =	sbr.rel @!p2 .LBB1_6-.Ltmp1, $4  }
0x22: {  	s15 =	smov.u32 s10;
	s14 =	smov.u32 s11;
	_ =	swait.ge @!p1 [sflag:s18], $0x4000  }
0x23: {  	p0 =	por !p0, !p0;
	[sflag:s18] =	ssyncset.done @!p1 $0x0;
	s17 =	simm.s32 @p3 $0x0  }
0x24: {  	s13 =	smov.u32 s9;
	[sflag:s18] =	ssyncadd.s32 @!p1 $0xFFFFC000;
	s9 =	smov.u32 s16  }
0x25: {  	s10 =	smov.u32 s17;
	s12 =	sadd.s32 $0x1, s12;
	s11 =	smov.u32 s19  }
.LBB1_1:
0x26: {  	p1 =	sge.u32 s12, s6;
	s31 =	sadd.s32 $0xFFFFFFFF, s12  }
0x27: {  	s16 =	sxor.u32 @!p1 $0xFFFFFFFF, s12;
	s17 =	sshll.u32 @!p1 s11, $0x7;
	s18 =	sshll.u32 @!p1 s10, $0x4  }
0x28: {  	s19 =	sshrl.u32 @!p1 s9, $0x3;
	s18 =	sand.u32 @!p1 $0x70, s18;
	s17 =	sadd.s32 @!p1 s3, s17  }
0x29: {  	s16 =	sshll.u32 @!p1 s16, $0xE;
	s17 =	sadd.s32 @!p1 s18, s17;
	s18 =	sand.u32 @!p1 $0x7, s9  }
0x2a: {  	s19 =	sand.u32 @!p1 $0xF, s19;
	s16 =	sand.u32 @!p1 $0x4000, s16;
	s18 =	sshll.u32 @!p1 s18, $0x12  }
0x2b: {  	s17 =	sadd.s32 @!p1 s19, s17;
	s19 =	simm.s32 @!p1 $0x80;
	s18 =	sor.u32 @!p1 $0x10, s18  }
0x2c: {  	[tilespmem:s16], [sflag:$0x1] =	stream.strided.gather @!p1 [hbm4b:s17+s18], $0x4000, s19, s18, $0x38;
	[tilespmem:$0x10100] =	vst v63  }
0x2d: {  	p1 =	sge.u32 s31, s6  }
.Ltmp2:
0x2e: {  	_ = 	snop;
	(pc) =	sbr.rel @p1 .LBB1_5-.Ltmp2, $1  }
0x2f: {  	_ =	sdelay $0x3  }
0x30: {  	s16 =	simm.s32 $0x1  }
0x31: {  	_ =	swait.ge [sflag:s4], $0x4000;
	s16 =	simm.s32 @!p0 $0x0  }
0x32: {  	[sflag:s4] =	ssyncset.done $0x0;
	s17 =	sshll.u32 s16, $0xE  }
0x33: {  	[sflag:s4] =	ssyncadd.s32 $0xFFFFC000;
	s19 =	sor.u32 $0x40, s17  }
0x34: {  	s16 =	smul.u32 $0x10200, s16;
	v0 =	vld [tilespmem:s19+$0x30]  }
0x35: {  	v3 =	vld [tilespmem:s19+$0xFFFFFFD0]  }
0x36: {  	s16 =	sshrl.u32 s16, $0x2;
	v4 =	vld [tilespmem:s19+$0xFFFFFFE0]  }
0x37: {  	v5 =	vld [tilespmem:s19+$0xFFFFFFF0];
	s17 =	sor.u32 $0x8000, s16  }
0x38: {  	s31 =	sand.u32 $0x1, s12;
	v1 =	vld [tilespmem:s19+$0x0];
	s18 =	sadd.s32 $0x0, s17  }
0x39: {  	v2 =	vld [tilespmem:s19+$0x10];
	s16 =	smul.u32 $0x10200, s31;
	[tilespmem:s18+$0x387 ss:$0x408] =	vst.msk $0xffff, v0  }
0x3a: {  	[tilespmem:s18+$0x81 ss:$0x408] =	vst.msk $0xffff, v3;
	v3 =	vld [tilespmem:s19+$0x20]  }
0x3b: {  	s16 =	sshrl.u32 s16, $0x2;
	v0 =	vld [tilespmem:s19+$0xFFFFFFC0];
	[tilespmem:s18+$0x102 ss:$0x408] =	vst.msk $0xffff, v4;
	s19 =	sadd.s32 $0x80, s19  }
0x3c: {  	s20 =	simm.s32 $0x4;
	s21 =	simm.s32 $0x8;
	s16 =	sor.u32 $0x8000, s16;
	[tilespmem:s18+$0x183 ss:$0x408] =	vst.msk $0xffff, v5;
	v4 =	vld [tilespmem:s19+$0x30]  }
.LBB1_3:
0x3d: {  	p1 =	sne.s32 s21, $0x1FC;
	v5 =	vld [tilespmem:s19+$0xFFFFFFD0];
	[tilespmem:s18+$0x204 ss:$0x408] =	vst.msk $0xffff, v1  }
0x3e: {  	v6 =	vld [tilespmem:s19+$0xFFFFFFE0];
	[tilespmem:s18+$0x285 ss:$0x408] =	vst.msk $0xffff, v2  }
0x3f: {  	s22 =	sshra.s32 s20, $0x2;
	s20 =	smov.u32 s21;
	v7 =	vld [tilespmem:s19+$0xFFFFFFF0];
	[tilespmem:s18+$0x306 ss:$0x408] =	vst.msk $0xffff, v3  }
.Ltmp3:
0x40: {  	v1 =	vld [tilespmem:s19+$0x0];
	[tilespmem:s18+$0x0 ss:$0x408] =	vst.msk $0xffff, v0;
	s18 =	sadd.s32 s22, s17;
	(pc) =	sbr.rel @p1 .LBB1_3-.Ltmp3, $4  }
0x41: {  	v2 =	vld [tilespmem:s19+$0x10];
	[tilespmem:s18+$0x387 ss:$0x408] =	vst.msk $0xffff, v4  }
0x42: {  	[tilespmem:s18+$0x81 ss:$0x408] =	vst.msk $0xffff, v5;
	v3 =	vld [tilespmem:s19+$0x20]  }
0x43: {  	v0 =	vld [tilespmem:s19+$0xFFFFFFC0];
	[tilespmem:s18+$0x102 ss:$0x408] =	vst.msk $0xffff, v6;
	s19 =	sadd.s32 $0x80, s19  }
0x44: {  	s21 =	sadd.s32 $0x4, s21;
	v4 =	vld [tilespmem:s19+$0x30];
	[tilespmem:s18+$0x183 ss:$0x408] =	vst.msk $0xffff, v7  }
.Ltmp4:
0x45: {  	_ = 	snop;
	(pc) =	sbr.rel .LBB1_4-.Ltmp4, $1  }
0x46: {  	_ =	sdelay $0x3  }
.LBB1_6:
0x47: {  	_ =	sfence.sel $0x180000  }
0x48: {  	s2 =	simm.s32 $0x1;
	[bflag:$0x0] =	sbarrier.arrive $0xFFFF  }
0x49: {  	s31 =	simm.s32 $0x2;
	[sflag:s2] =	ssyncpa.u1 $0x1  }
0x4a: {  	[sflag:s31] =	ssyncpa.u1 $0x1  }
0x4b: {  	p0 =	sne.s32 s0, $0x0;
	_ =	strace $0x9000004A  }
0x4c: {  	s0 =	sadd.s32 @!p0 $0x100000, s1;
	[bflag:$0x2] =	sbarrier.arrive $0xFFFF  }
0x4d: {  	[sflag:s0] =	ssyncadd.tile.s32 @!p0 $0x1;
	_ =	shalt  }
.Lfunc_end1:
_tile_overlayer_lowered:
.L_overlay_start_2:
0x4e: {  	(tag) =	ssettag $0x2  }
0x4f: {  	s0 =	rddreg [dreg:$0x0];
	s2 =	stileid.u32  }
0x50: {  	s1 =	rddreg [dreg:$0x1];
	p0 =	sne.s32 s2, $0x0  }
0x51: {  	s3 =	rddreg [dreg:$0x2];
	[bflag:$0x3] =	sbarrier.arrive $0xFFFF;
	s2 =	simm.s32 @!p0 $0x1C01  }
0x52: {  	[timem:s3], [sflag:s2] =	dma.local @!p0 [hbm:s0], s1  }
0x53: {  	s0 =	simm.s32 @!p0 $0x1  }
0x54: {  	_ =	swait.ge @!p0 [sflag:s0], s1  }
0x55: {  	s1 =	ssub.s32 @!p0 $0x0, s1;
	[sflag:s0] =	ssyncset.done @!p0 $0x0  }
0x56: {  	[sflag:s0] =	ssyncadd.s32 @!p0 s1  }
0x57: {  	[bflag:$0x3] =	sbarrier.arrive $0xFFFF  }
0x58: {  	_ =	shalt  }

</sc_bundles>
